<compile_context>
chip_gen: v7x
topology: tpu7x:2x2x1
jax: 0.10.2.dev20260603
libtpu: 0.0.44.dev20260713+nightly
codegen_flags: <defaults>
</compile_context>

<pallas_src>
import functools

import jax
import jax.numpy as jnp
from jax import lax
from jax.experimental import pallas as pl
from jax.experimental.pallas import tpu as pltpu
from jax.experimental.pallas import tpu_sc as plsc

N = 10000
E = 320000
D_EMB = 128
DH1 = 64
DH2 = 32

NC = 2
NS = 16
NW = NC * NS
CHUNK = 128
CPW = 80
TOTCH = NW * CPW
EP = TOTCH * CHUNK
NP = 10240
RPT = NP // NS
DUMMY = N

AGG64_SPLIT = (88, 72)
AGG32_SPLIT = (88, 72)
G2_SPLIT = (84, 76)

_mesh = plsc.VectorSubcoreMesh(core_axis_name="c", subcore_axis_name="s")
_sc_params = pltpu.CompilerParams(use_tc_tiling_on_sc=False)


@functools.partial(
    pl.kernel,
    out_type=jax.ShapeDtypeStruct((NC, NP, 8), jnp.float32),
    mesh=_mesh,
    compiler_params=_sc_params,
    scratch_types=[
        pltpu.VMEM((CPW, CHUNK), jnp.int32),
        pltpu.VMEM((CHUNK, 8), jnp.float32),
        pltpu.VMEM((RPT, 8), jnp.float32),
        pltpu.VMEM_SHARED((NP, 8), jnp.float32),
        pltpu.SemaphoreType.DMA,
    ],
)
def _deg_kernel(dstp, half, ones, out, idx_v, ones_v, bounce, table, sem):
    c = lax.axis_index("c")
    s = lax.axis_index("s")
    w = s * NC + c
    rows = pl.ds(s * RPT, RPT)
    pltpu.sync_copy(half.at[rows], bounce)
    pltpu.sync_copy(bounce, table.at[rows])
    pltpu.sync_copy(ones, ones_v)
    pltpu.sync_copy(dstp.at[w], idx_v)
    plsc.subcore_barrier()

    def body(j, carry):
        pltpu.sync_copy(ones_v, table.at[idx_v.at[j]], add=True)
        return carry

    lax.fori_loop(0, CPW, body, 0)
    plsc.subcore_barrier()
    pltpu.sync_copy(table.at[rows], bounce)
    pltpu.sync_copy(bounce, out.at[c, rows])


def _make_agg(D, split, spmem_gather=False, dtype=jnp.float32):
    c0, c1 = split
    cmax = max(c0, c1)
    scratch = [
        pltpu.VMEM((cmax, CHUNK), jnp.int32),
        pltpu.VMEM((cmax, CHUNK), jnp.int32),
        pltpu.VMEM((CHUNK, D), dtype),
        pltpu.VMEM((CHUNK, D), dtype),
        pltpu.VMEM((RPT, D), dtype),
        pltpu.VMEM_SHARED((NP, D), dtype),
        pltpu.SemaphoreType.DMA,
        pltpu.SemaphoreType.DMA,
    ]
    if spmem_gather:
        scratch.insert(5, pltpu.VMEM_SHARED((NP, D), dtype))

    @functools.partial(
        pl.kernel,
        out_type=jax.ShapeDtypeStruct((NC, NP, D), dtype),
        mesh=_mesh,
        compiler_params=_sc_params,
        scratch_types=scratch,
    )
    def agg(gtab_hbm, ghalf, srcq, dstq, out, idxs_v, idxd_v, rows_a, rows_b,
            bounce, *rest):
        if spmem_gather:
            gsh, table, sema, semb = rest
        else:
            table, sema, semb = rest
        c = lax.axis_index("c")
        s = lax.axis_index("s")
        rows = pl.ds(s * RPT, RPT)
        cnt = jnp.where(c == 0, c0, c1)
        pltpu.sync_copy(ghalf.at[rows], bounce)
        pltpu.sync_copy(bounce, table.at[rows])
        if spmem_gather:
            pltpu.sync_copy(gtab_hbm.at[rows], bounce)
            pltpu.sync_copy(bounce, gsh.at[rows])
            gtab = gsh
        else:
            gtab = gtab_hbm
        pltpu.sync_copy(srcq.at[c, s], idxs_v)
        pltpu.sync_copy(dstq.at[c, s], idxd_v)
        plsc.subcore_barrier()

        pltpu.async_copy(gtab.at[idxs_v.at[0]], rows_a, sema)

        def body(k, carry):
            j = 2 * k
            pltpu.make_async_copy(gtab.at[idxs_v.at[j]], rows_a, sema).wait()
            pltpu.async_copy(gtab.at[idxs_v.at[j + 1]], rows_b, semb)
            pltpu.sync_copy(rows_a, table.at[idxd_v.at[j]], add=True)
            pltpu.make_async_copy(gtab.at[idxs_v.at[j + 1]], rows_b, semb).wait()

            @pl.when(j + 2 < cnt)
            def _():
                pltpu.async_copy(gtab.at[idxs_v.at[j + 2]], rows_a, sema)

            pltpu.sync_copy(rows_b, table.at[idxd_v.at[j + 1]], add=True)
            return carry

        lax.fori_loop(0, cnt // 2, body, 0)
        plsc.subcore_barrier()
        pltpu.sync_copy(table.at[rows], bounce)
        pltpu.sync_copy(bounce, out.at[c, rows])

    return agg


_agg64 = _make_agg(DH1, AGG64_SPLIT, spmem_gather=True, dtype=jnp.bfloat16)
_agg32 = _make_agg(DH2, AGG32_SPLIT, spmem_gather=True)


_G2C0, _G2C1 = G2_SPLIT
_G2MAX = max(_G2C0, _G2C1)


@functools.partial(
    pl.kernel,
    out_type=jax.ShapeDtypeStruct((TOTCH * 2 * CHUNK, DH2), jnp.float32),
    mesh=_mesh,
    compiler_params=_sc_params,
    scratch_types=[
        pltpu.VMEM((_G2MAX, CHUNK), jnp.int32),
        pltpu.VMEM((_G2MAX, CHUNK), jnp.int32),
        pltpu.VMEM((CHUNK, DH2), jnp.float32),
        pltpu.VMEM((CHUNK, DH2), jnp.float32),
        pltpu.VMEM((RPT, DH2), jnp.float32),
        pltpu.VMEM_SHARED((NP, DH2), jnp.float32),
        pltpu.SemaphoreType.DMA,
        pltpu.SemaphoreType.DMA,
    ],
)
def _gather2_kernel(zhbm, srcq, dstq, out, idx0_v, idx1_v, rows_a, rows_b,
                    bounce, z, sema, semb):
    c = lax.axis_index("c")
    s = lax.axis_index("s")
    rows = pl.ds(s * RPT, RPT)
    cnt = jnp.where(c == 0, _G2C0, _G2C1)
    goff = jnp.where(c == 0, s * _G2C0, NS * _G2C0 + s * _G2C1)
    pltpu.sync_copy(zhbm.at[rows], bounce)
    pltpu.sync_copy(bounce, z.at[rows])
    pltpu.sync_copy(srcq.at[c, s], idx0_v)
    pltpu.sync_copy(dstq.at[c, s], idx1_v)
    plsc.subcore_barrier()

    pltpu.async_copy(z.at[idx0_v.at[0]], rows_a, sema)

    def body(j, carry):
        g = goff + j
        pltpu.make_async_copy(z.at[idx0_v.at[j]], rows_a, sema).wait()
        pltpu.async_copy(z.at[idx1_v.at[j]], rows_b, semb)
        pltpu.sync_copy(rows_a, out.at[pl.ds(g * (2 * CHUNK), CHUNK)])
        pltpu.make_async_copy(z.at[idx1_v.at[j]], rows_b, semb).wait()

        @pl.when(j + 1 < cnt)
        def _():
            pltpu.async_copy(z.at[idx0_v.at[j + 1]], rows_a, sema)

        pltpu.sync_copy(rows_b, out.at[pl.ds(g * (2 * CHUNK) + CHUNK, CHUNK)])
        return carry

    lax.fori_loop(0, cnt, body, 0)


_BLK = 1024
_NB = NP // _BLK


def _tc1_body(degp, emb, w1, g1_o, dinv_o):
    deg = degp[0] + degp[1] + 1.0
    dinv = jnp.where(deg > 0, lax.rsqrt(jnp.maximum(deg, 1e-12)), 0.0)
    h = jnp.dot(emb[...], w1[...], preferred_element_type=jnp.float32)
    g = dinv[:, 0:1] * h
    g1_o[...] = g.astype(jnp.bfloat16)
    dinv_o[...] = dinv


_tc1 = pl.pallas_call(
    _tc1_body,
    grid=(_NB,),
    in_specs=[
        pl.BlockSpec((NC, _BLK, 8), lambda i: (0, i, 0)),
        pl.BlockSpec((_BLK, D_EMB), lambda i: (i, 0)),
        pl.BlockSpec((D_EMB, DH1), lambda i: (0, 0)),
    ],
    out_specs=[
        pl.BlockSpec((_BLK, DH1), lambda i: (i, 0)),
        pl.BlockSpec((_BLK, 8), lambda i: (i, 0)),
    ],
    out_shape=[
        jax.ShapeDtypeStruct((NP, DH1), jnp.bfloat16),
        jax.ShapeDtypeStruct((NP, 8), jnp.float32),
    ],
)


def _tc2_body(p, g1, dinv, b1, w2, g2_o):
    s = (p[0].astype(jnp.float32) + p[1].astype(jnp.float32)
         + g1[...].astype(jnp.float32))
    out1 = dinv[:, 0:1] * s + b1[...]
    x1 = jnp.maximum(out1, 0.0)
    h2 = jnp.dot(x1, w2[...], preferred_element_type=jnp.float32)
    g2_o[...] = dinv[:, 0:1] * h2


_tc2 = pl.pallas_call(
    _tc2_body,
    grid=(_NB,),
    in_specs=[
        pl.BlockSpec((NC, _BLK, DH1), lambda i: (0, i, 0)),
        pl.BlockSpec((_BLK, DH1), lambda i: (i, 0)),
        pl.BlockSpec((_BLK, 8), lambda i: (i, 0)),
        pl.BlockSpec((1, DH1), lambda i: (0, 0)),
        pl.BlockSpec((DH1, DH2), lambda i: (0, 0)),
    ],
    out_specs=pl.BlockSpec((_BLK, DH2), lambda i: (i, 0)),
    out_shape=jax.ShapeDtypeStruct((NP, DH2), jnp.float32),
)


def _tc3_body(q, g2, dinv, b2, z_o):
    s = q[0] + q[1] + g2[...]
    z_o[...] = dinv[:, 0:1] * s + b2[...]


_tc3 = pl.pallas_call(
    _tc3_body,
    grid=(_NB,),
    in_specs=[
        pl.BlockSpec((NC, _BLK, DH2), lambda i: (0, i, 0)),
        pl.BlockSpec((_BLK, DH2), lambda i: (i, 0)),
        pl.BlockSpec((_BLK, 8), lambda i: (i, 0)),
        pl.BlockSpec((1, DH2), lambda i: (0, 0)),
    ],
    out_specs=pl.BlockSpec((_BLK, DH2), lambda i: (i, 0)),
    out_shape=jax.ShapeDtypeStruct((NP, DH2), jnp.float32),
)


_GD = 128
_NDG = TOTCH // _GD


def _dec_body(a_ref, b_ref, p_o):
    a = a_ref[...]
    b = b_ref[...]
    ds = []
    for k in range(4):
        sl = slice(k * DH2, (k + 1) * DH2)
        ds.append(jnp.sum(a[:, 0, :, sl] * b[:, 0, :, sl], axis=2))
    d = jnp.concatenate(ds, axis=1)
    p_o[...] = 1.0 / (1.0 + jnp.exp(-d))


_tc_dec = pl.pallas_call(
    _dec_body,
    grid=(_NDG,),
    in_specs=[
        pl.BlockSpec((_GD, 1, 32, 128), lambda i: (i, 0, 0, 0)),
        pl.BlockSpec((_GD, 1, 32, 128), lambda i: (i, 1, 0, 0)),
    ],
    out_specs=pl.BlockSpec((_GD, 128), lambda i: (i, 0)),
    out_shape=jax.ShapeDtypeStruct((TOTCH, 128), jnp.float32),
)


def _split_chunks(flat, c0, c1):
    cmax = max(c0, c1)
    a = flat[: NS * c0].reshape(NS, c0, CHUNK)
    b = flat[NS * c0:].reshape(NS, c1, CHUNK)
    a = jnp.pad(a, ((0, 0), (0, cmax - c0), (0, 0)))
    b = jnp.pad(b, ((0, 0), (0, cmax - c1), (0, 0)))
    return jnp.stack([a, b])


def kernel(edge_index, emb, W1, b1, W2, b2):
    src = edge_index[0]
    dst = edge_index[1]
    pad = EP - E
    dpad = N + (jnp.arange(pad, dtype=jnp.int32) % (NP - N))
    srcf = jnp.concatenate([src, jnp.zeros((pad,), jnp.int32)]).reshape(TOTCH, CHUNK)
    dstf = jnp.concatenate([dst, dpad]).reshape(TOTCH, CHUNK)
    dstp = dstf.reshape(NW, CPW, CHUNK)
    src64 = _split_chunks(srcf, *AGG64_SPLIT)
    dst64 = _split_chunks(dstf, *AGG64_SPLIT)
    src32 = _split_chunks(srcf, *AGG32_SPLIT)
    dst32 = _split_chunks(dstf, *AGG32_SPLIT)
    eos = (32 * (jnp.arange(CHUNK) % 4) + jnp.arange(CHUNK) // 4)
    srcg2 = _split_chunks(srcf[:, eos], *G2_SPLIT)
    dstg2 = _split_chunks(dstf[:, eos], *G2_SPLIT)
    zero8 = jnp.zeros((NP, 8), jnp.float32)
    zero64 = jnp.zeros((NP, DH1), jnp.bfloat16)
    zero32 = jnp.zeros((NP, DH2), jnp.float32)
    ones8 = jnp.ones((CHUNK, 8), jnp.float32)
    emb_p = jnp.pad(emb, ((0, NP - N), (0, 0)))

    degp = _deg_kernel(dstp, zero8, ones8)
    g1, dinv8 = _tc1(degp, emb_p, W1)
    p1 = _agg64(g1, zero64, src64, dst64)
    g2 = _tc2(p1, g1, dinv8, b1.reshape(1, DH1), W2)
    p2 = _agg32(g2, zero32, src32, dst32)
    z = _tc3(p2, g2, dinv8, b2.reshape(1, DH2))
    zz = _gather2_kernel(z, srcg2, dstg2)
    probs = _tc_dec(zz.reshape(TOTCH, 2, 32, 128), zz.reshape(TOTCH, 2, 32, 128))
    return probs.reshape(EP)[:E]

# --- scband reference (transcript-rebuilt; emitter-appended) ---
"""Pipeline reference for scband-gnnmodel-18245021073918 (READ-ONLY COPY).

The authoritative reference and input builder live on the scoring server;
editing this copy changes nothing except your own understanding.
"""

import jax, jax.numpy as jnp
import numpy as np

N = 10000
E = 320000
D_EMB = 128
D_H1 = 64
D_H2 = 32


def setup_inputs(seed: int = 0) -> dict:
    key = jax.random.key(seed)
    k1, k2, k3, k4 = jax.random.split(key, 4)
    edge_index = jax.random.randint(k1, (2, E), 0, N, dtype=jnp.int32)
    emb = jax.random.normal(k2, (N, D_EMB), dtype=jnp.float32) * 0.1
    W1 = jax.random.normal(k3, (D_EMB, D_H1), dtype=jnp.float32) * (1.0 / np.sqrt(D_EMB))
    b1 = jnp.zeros((D_H1,), dtype=jnp.float32)
    W2 = jax.random.normal(k4, (D_H1, D_H2), dtype=jnp.float32) * (1.0 / np.sqrt(D_H1))
    b2 = jnp.zeros((D_H2,), dtype=jnp.float32)
    return {"edge_index": edge_index, "emb": emb, "W1": W1, "b1": b1, "W2": W2, "b2": b2}


def _gcn_conv(x, W, b, src, dst, norm, n):
    h = x @ W
    msg = h[src] * norm[:, None]
    out = jax.ops.segment_sum(msg, dst, num_segments=n)
    return out + b


def reference(edge_index, emb, W1, b1, W2, b2):
    # GCNConv with added self-loops and symmetric normalization (PyG semantics)
    loops = jnp.arange(N, dtype=edge_index.dtype)
    src = jnp.concatenate([edge_index[0], loops])
    dst = jnp.concatenate([edge_index[1], loops])
    deg = jax.ops.segment_sum(jnp.ones_like(src, dtype=jnp.float32), dst, num_segments=N)
    dinv = jnp.where(deg > 0, 1.0 / jnp.sqrt(jnp.clip(deg, 1e-12)), 0.0)
    norm = dinv[src] * dinv[dst]
    # encode
    x1 = jax.nn.relu(_gcn_conv(emb, W1, b1, src, dst, norm, N))
    z = _gcn_conv(x1, W2, b2, src, dst, norm, N)
    # decode: per-edge dot-product link probability
    probs = jax.nn.sigmoid(jnp.sum(z[edge_index[0]] * z[edge_index[1]], axis=1))
    return probs

if __name__ == "__main__":
    import jax
    _d = setup_inputs()
    print(jax.jit(kernel)(*tuple(_d.values())))

</pallas_src>

<mosaic_0001>
#map = affine_map<(d0, d1) -> (0, 0)>
#map1 = affine_map<(d0, d1) -> (0, 0, 0, 0)>
#map2 = affine_map<(d0, d1) -> (0, 0, 0)>
module attributes {stable_mosaic.version = 14 : i64} {
  func.func @agg(%arg0: i32, %arg1: i32, %arg2: memref<10240x32xf32, #tpu.memory_space<hbm>>, %arg3: memref<10240x32xf32, #tpu.memory_space<hbm>>, %arg4: memref<2x16x88x128xi32, #tpu.memory_space<hbm>>, %arg5: memref<2x16x88x128xi32, #tpu.memory_space<hbm>>, %arg6: memref<2x10240x32xf32, #tpu.memory_space<hbm>>, %arg7: memref<88x128xi32, #tpu.memory_space<vmem>>, %arg8: memref<88x128xi32, #tpu.memory_space<vmem>>, %arg9: memref<128x32xf32, #tpu.memory_space<vmem>>, %arg10: memref<128x32xf32, #tpu.memory_space<vmem>>, %arg11: memref<640x32xf32, #tpu.memory_space<vmem>>, %arg12: memref<10240x32xf32, #tpu.memory_space<vmem_shared>>, %arg13: memref<10240x32xf32, #tpu.memory_space<vmem_shared>>, %arg14: memref<!tpu.dma_semaphore, #tpu.memory_space<semaphore_mem>>, %arg15: memref<!tpu.dma_semaphore, #tpu.memory_space<semaphore_mem>>) attributes {dimension_semantics = [#tpu.dimension_semantics<core_parallel>, #tpu.dimension_semantics<subcore_parallel>], iteration_bounds = array<i64: 2, 16>, scalar_prefetch = 0 : i64, scratch_operands = 9 : i64, tpu.core_type = #tpu.core_type<sc_vector_subcore>, window_params = [{transform_indices = #map}, {transform_indices = #map}, {transform_indices = #map1}, {transform_indices = #map1}, {transform_indices = #map2}]} {
    %mul3A = arith.constant 640 : i32
    %mul3A_0 = arith.muli %arg1, %mul3A : i32
    %eq3A = arith.constant 0 : i32
    %eq3A_1 = arith.cmpi eq, %arg0, %eq3A : i32
    %jit3A = arith.constant 88 : i32
    %jit3A_2 = arith.constant 72 : i32
    %select_n3A = arith.select %eq3A_1, %jit3A, %jit3A_2 : i32
    "tpu.region"() ({
      %run_scoped3A = tpu.sem_alloc : memref<!tpu.dma_semaphore, #tpu.memory_space<semaphore_mem>>
      %dma_start3A_37 = arith.constant 0 : i32
      %dma_start3A_38 = tpu.memref_slice %arg3[%mul3A_0, %dma_start3A_37] : memref<10240x32xf32, #tpu.memory_space<hbm>> -> memref<640x32xf32, #tpu.memory_space<hbm>>
      %dma_start3A_39 = arith.constant 0 : i32
      %dma_start3A_40 = tpu.memref_slice %arg3[%mul3A_0, %dma_start3A_39] : memref<10240x32xf32, #tpu.memory_space<hbm>> -> memref<640x32xf32, #tpu.memory_space<hbm>>
      tpu.enqueue_dma source(%dma_start3A_40 : memref<640x32xf32, #tpu.memory_space<hbm>>) target(%arg11 : memref<640x32xf32, #tpu.memory_space<vmem>>) target_semaphore(%run_scoped3A : memref<!tpu.dma_semaphore, #tpu.memory_space<semaphore_mem>>)
      %dma_wait3A = arith.constant 0 : i32
      %dma_wait3A_41 = tpu.memref_slice %arg3[%mul3A_0, %dma_wait3A] : memref<10240x32xf32, #tpu.memory_space<hbm>> -> memref<640x32xf32, #tpu.memory_space<hbm>>
      %dma_wait3A_42 = arith.constant 0 : i32
      %dma_wait3A_43 = tpu.memref_slice %arg3[%mul3A_0, %dma_wait3A_42] : memref<10240x32xf32, #tpu.memory_space<hbm>> -> memref<640x32xf32, #tpu.memory_space<hbm>>
      tpu.wait_dma2 semaphore(%run_scoped3A : memref<!tpu.dma_semaphore, #tpu.memory_space<semaphore_mem>>) src(%dma_wait3A_43 : memref<640x32xf32, #tpu.memory_space<hbm>>) dst(%arg11 : memref<640x32xf32, #tpu.memory_space<vmem>>)
      tpu.yield
    }) : () -> ()
    "tpu.region"() ({
      %run_scoped3A = tpu.sem_alloc : memref<!tpu.dma_semaphore, #tpu.memory_space<semaphore_mem>>
      %dma_start3A_37 = arith.constant 0 : i32
      %dma_start3A_38 = tpu.memref_slice %arg13[%mul3A_0, %dma_start3A_37] : memref<10240x32xf32, #tpu.memory_space<vmem_shared>> -> memref<640x32xf32, #tpu.memory_space<vmem_shared>>
      %dma_start3A_39 = arith.constant 0 : i32
      %dma_start3A_40 = tpu.memref_slice %arg13[%mul3A_0, %dma_start3A_39] : memref<10240x32xf32, #tpu.memory_space<vmem_shared>> -> memref<640x32xf32, #tpu.memory_space<vmem_shared>>
      tpu.enqueue_dma source(%arg11 : memref<640x32xf32, #tpu.memory_space<vmem>>) target(%dma_start3A_40 : memref<640x32xf32, #tpu.memory_space<vmem_shared>>) target_semaphore(%run_scoped3A : memref<!tpu.dma_semaphore, #tpu.memory_space<semaphore_mem>>)
      %dma_wait3A = arith.constant 0 : i32
      %dma_wait3A_41 = tpu.memref_slice %arg13[%mul3A_0, %dma_wait3A] : memref<10240x32xf32, #tpu.memory_space<vmem_shared>> -> memref<640x32xf32, #tpu.memory_space<vmem_shared>>
      %dma_wait3A_42 = arith.constant 0 : i32
      %dma_wait3A_43 = tpu.memref_slice %arg13[%mul3A_0, %dma_wait3A_42] : memref<10240x32xf32, #tpu.memory_space<vmem_shared>> -> memref<640x32xf32, #tpu.memory_space<vmem_shared>>
      tpu.wait_dma2 semaphore(%run_scoped3A : memref<!tpu.dma_semaphore, #tpu.memory_space<semaphore_mem>>) src(%arg11 : memref<640x32xf32, #tpu.memory_space<vmem>>) dst(%dma_wait3A_43 : memref<640x32xf32, #tpu.memory_space<vmem_shared>>)
      tpu.yield
    }) : () -> ()
    "tpu.region"() ({
      %run_scoped3A = tpu.sem_alloc : memref<!tpu.dma_semaphore, #tpu.memory_space<semaphore_mem>>
      %dma_start3A_37 = arith.constant 0 : i32
      %dma_start3A_38 = tpu.memref_slice %arg2[%mul3A_0, %dma_start3A_37] : memref<10240x32xf32, #tpu.memory_space<hbm>> -> memref<640x32xf32, #tpu.memory_space<hbm>>
      %dma_start3A_39 = arith.constant 0 : i32
      %dma_start3A_40 = tpu.memref_slice %arg2[%mul3A_0, %dma_start3A_39] : memref<10240x32xf32, #tpu.memory_space<hbm>> -> memref<640x32xf32, #tpu.memory_space<hbm>>
      tpu.enqueue_dma source(%dma_start3A_40 : memref<640x32xf32, #tpu.memory_space<hbm>>) target(%arg11 : memref<640x32xf32, #tpu.memory_space<vmem>>) target_semaphore(%run_scoped3A : memref<!tpu.dma_semaphore, #tpu.memory_space<semaphore_mem>>)
      %dma_wait3A = arith.constant 0 : i32
      %dma_wait3A_41 = tpu.memref_slice %arg2[%mul3A_0, %dma_wait3A] : memref<10240x32xf32, #tpu.memory_space<hbm>> -> memref<640x32xf32, #tpu.memory_space<hbm>>
      %dma_wait3A_42 = arith.constant 0 : i32
      %dma_wait3A_43 = tpu.memref_slice %arg2[%mul3A_0, %dma_wait3A_42] : memref<10240x32xf32, #tpu.memory_space<hbm>> -> memref<640x32xf32, #tpu.memory_space<hbm>>
      tpu.wait_dma2 semaphore(%run_scoped3A : memref<!tpu.dma_semaphore, #tpu.memory_space<semaphore_mem>>) src(%dma_wait3A_43 : memref<640x32xf32, #tpu.memory_space<hbm>>) dst(%arg11 : memref<640x32xf32, #tpu.memory_space<vmem>>)
      tpu.yield
    }) : () -> ()
    "tpu.region"() ({
      %run_scoped3A = tpu.sem_alloc : memref<!tpu.dma_semaphore, #tpu.memory_space<semaphore_mem>>
      %dma_start3A_37 = arith.constant 0 : i32
      %dma_start3A_38 = tpu.memref_slice %arg12[%mul3A_0, %dma_start3A_37] : memref<10240x32xf32, #tpu.memory_space<vmem_shared>> -> memref<640x32xf32, #tpu.memory_space<vmem_shared>>
      %dma_start3A_39 = arith.constant 0 : i32
      %dma_start3A_40 = tpu.memref_slice %arg12[%mul3A_0, %dma_start3A_39] : memref<10240x32xf32, #tpu.memory_space<vmem_shared>> -> memref<640x32xf32, #tpu.memory_space<vmem_shared>>
      tpu.enqueue_dma source(%arg11 : memref<640x32xf32, #tpu.memory_space<vmem>>) target(%dma_start3A_40 : memref<640x32xf32, #tpu.memory_space<vmem_shared>>) target_semaphore(%run_scoped3A : memref<!tpu.dma_semaphore, #tpu.memory_space<semaphore_mem>>)
      %dma_wait3A = arith.constant 0 : i32
      %dma_wait3A_41 = tpu.memref_slice %arg12[%mul3A_0, %dma_wait3A] : memref<10240x32xf32, #tpu.memory_space<vmem_shared>> -> memref<640x32xf32, #tpu.memory_space<vmem_shared>>
      %dma_wait3A_42 = arith.constant 0 : i32
      %dma_wait3A_43 = tpu.memref_slice %arg12[%mul3A_0, %dma_wait3A_42] : memref<10240x32xf32, #tpu.memory_space<vmem_shared>> -> memref<640x32xf32, #tpu.memory_space<vmem_shared>>
      tpu.wait_dma2 semaphore(%run_scoped3A : memref<!tpu.dma_semaphore, #tpu.memory_space<semaphore_mem>>) src(%arg11 : memref<640x32xf32, #tpu.memory_space<vmem>>) dst(%dma_wait3A_43 : memref<640x32xf32, #tpu.memory_space<vmem_shared>>)
      tpu.yield
    }) : () -> ()
    "tpu.region"() ({
      %run_scoped3A = tpu.sem_alloc : memref<!tpu.dma_semaphore, #tpu.memory_space<semaphore_mem>>
      %dma_start3A_37 = arith.constant 0 : i32
      %dma_start3A_38 = arith.constant 0 : i32
      %dma_start3A_39 = tpu.memref_slice %arg4[%arg0, %arg1, %dma_start3A_37, %dma_start3A_38] : memref<2x16x88x128xi32, #tpu.memory_space<hbm>> -> memref<1x1x88x128xi32, #tpu.memory_space<hbm>>
      %dma_start3A_40 = tpu.memref_squeeze %dma_start3A_39 : memref<1x1x88x128xi32, #tpu.memory_space<hbm>> -> memref<88x128xi32, #tpu.memory_space<hbm>>
      %dma_start3A_41 = arith.constant 0 : i32
      %dma_start3A_42 = arith.constant 0 : i32
      %dma_start3A_43 = tpu.memref_slice %arg4[%arg0, %arg1, %dma_start3A_41, %dma_start3A_42] : memref<2x16x88x128xi32, #tpu.memory_space<hbm>> -> memref<1x1x88x128xi32, #tpu.memory_space<hbm>>
      %dma_start3A_44 = tpu.memref_squeeze %dma_start3A_43 : memref<1x1x88x128xi32, #tpu.memory_space<hbm>> -> memref<88x128xi32, #tpu.memory_space<hbm>>
      tpu.enqueue_dma source(%dma_start3A_44 : memref<88x128xi32, #tpu.memory_space<hbm>>) target(%arg7 : memref<88x128xi32, #tpu.memory_space<vmem>>) target_semaphore(%run_scoped3A : memref<!tpu.dma_semaphore, #tpu.memory_space<semaphore_mem>>)
      %dma_wait3A = arith.constant 0 : i32
      %dma_wait3A_45 = arith.constant 0 : i32
      %dma_wait3A_46 = tpu.memref_slice %arg4[%arg0, %arg1, %dma_wait3A, %dma_wait3A_45] : memref<2x16x88x128xi32, #tpu.memory_space<hbm>> -> memref<1x1x88x128xi32, #tpu.memory_space<hbm>>
      %dma_wait3A_47 = tpu.memref_squeeze %dma_wait3A_46 : memref<1x1x88x128xi32, #tpu.memory_space<hbm>> -> memref<88x128xi32, #tpu.memory_space<hbm>>
      %dma_wait3A_48 = arith.constant 0 : i32
      %dma_wait3A_49 = arith.constant 0 : i32
      %dma_wait3A_50 = tpu.memref_slice %arg4[%arg0, %arg1, %dma_wait3A_48, %dma_wait3A_49] : memref<2x16x88x128xi32, #tpu.memory_space<hbm>> -> memref<1x1x88x128xi32, #tpu.memory_space<hbm>>
      %dma_wait3A_51 = tpu.memref_squeeze %dma_wait3A_50 : memref<1x1x88x128xi32, #tpu.memory_space<hbm>> -> memref<88x128xi32, #tpu.memory_space<hbm>>
      tpu.wait_dma2 semaphore(%run_scoped3A : memref<!tpu.dma_semaphore, #tpu.memory_space<semaphore_mem>>) src(%dma_wait3A_51 : memref<88x128xi32, #tpu.memory_space<hbm>>) dst(%arg7 : memref<88x128xi32, #tpu.memory_space<vmem>>)
      tpu.yield
    }) : () -> ()
    "tpu.region"() ({
      %run_scoped3A = tpu.sem_alloc : memref<!tpu.dma_semaphore, #tpu.memory_space<semaphore_mem>>
      %dma_start3A_37 = arith.constant 0 : i32
      %dma_start3A_38 = arith.constant 0 : i32
      %dma_start3A_39 = tpu.memref_slice %arg5[%arg0, %arg1, %dma_start3A_37, %dma_start3A_38] : memref<2x16x88x128xi32, #tpu.memory_space<hbm>> -> memref<1x1x88x128xi32, #tpu.memory_space<hbm>>
      %dma_start3A_40 = tpu.memref_squeeze %dma_start3A_39 : memref<1x1x88x128xi32, #tpu.memory_space<hbm>> -> memref<88x128xi32, #tpu.memory_space<hbm>>
      %dma_start3A_41 = arith.constant 0 : i32
      %dma_start3A_42 = arith.constant 0 : i32
      %dma_start3A_43 = tpu.memref_slice %arg5[%arg0, %arg1, %dma_start3A_41, %dma_start3A_42] : memref<2x16x88x128xi32, #tpu.memory_space<hbm>> -> memref<1x1x88x128xi32, #tpu.memory_space<hbm>>
      %dma_start3A_44 = tpu.memref_squeeze %dma_start3A_43 : memref<1x1x88x128xi32, #tpu.memory_space<hbm>> -> memref<88x128xi32, #tpu.memory_space<hbm>>
      tpu.enqueue_dma source(%dma_start3A_44 : memref<88x128xi32, #tpu.memory_space<hbm>>) target(%arg8 : memref<88x128xi32, #tpu.memory_space<vmem>>) target_semaphore(%run_scoped3A : memref<!tpu.dma_semaphore, #tpu.memory_space<semaphore_mem>>)
      %dma_wait3A = arith.constant 0 : i32
      %dma_wait3A_45 = arith.constant 0 : i32
      %dma_wait3A_46 = tpu.memref_slice %arg5[%arg0, %arg1, %dma_wait3A, %dma_wait3A_45] : memref<2x16x88x128xi32, #tpu.memory_space<hbm>> -> memref<1x1x88x128xi32, #tpu.memory_space<hbm>>
      %dma_wait3A_47 = tpu.memref_squeeze %dma_wait3A_46 : memref<1x1x88x128xi32, #tpu.memory_space<hbm>> -> memref<88x128xi32, #tpu.memory_space<hbm>>
      %dma_wait3A_48 = arith.constant 0 : i32
      %dma_wait3A_49 = arith.constant 0 : i32
      %dma_wait3A_50 = tpu.memref_slice %arg5[%arg0, %arg1, %dma_wait3A_48, %dma_wait3A_49] : memref<2x16x88x128xi32, #tpu.memory_space<hbm>> -> memref<1x1x88x128xi32, #tpu.memory_space<hbm>>
      %dma_wait3A_51 = tpu.memref_squeeze %dma_wait3A_50 : memref<1x1x88x128xi32, #tpu.memory_space<hbm>> -> memref<88x128xi32, #tpu.memory_space<hbm>>
      tpu.wait_dma2 semaphore(%run_scoped3A : memref<!tpu.dma_semaphore, #tpu.memory_space<semaphore_mem>>) src(%dma_wait3A_51 : memref<88x128xi32, #tpu.memory_space<hbm>>) dst(%arg8 : memref<88x128xi32, #tpu.memory_space<vmem>>)
      tpu.yield
    }) : () -> ()
    %barrier3A = arith.constant 0 : index
    tpu.barrier barrier_id(%barrier3A)
    %dma_start3A = arith.constant 0 : i32
    %dma_start3A_3 = arith.constant 0 : i32
    %dma_start3A_4 = tpu.memref_slice %arg7[%dma_start3A, %dma_start3A_3] : memref<88x128xi32, #tpu.memory_space<vmem>> -> memref<1x128xi32, #tpu.memory_space<vmem>>
    %dma_start3A_5 = tpu.memref_squeeze %dma_start3A_4 : memref<1x128xi32, #tpu.memory_space<vmem>> -> memref<128xi32, #tpu.memory_space<vmem>>
    %dma_start3A_6 = arith.constant 0 : i32
    %dma_start3A_7 = arith.constant 0 : i32
    %dma_start3A_8 = tpu.memref_slice %arg12[%dma_start3A_6, %dma_start3A_7] : memref<10240x32xf32, #tpu.memory_space<vmem_shared>> -> memref<10240x32xf32, #tpu.memory_space<vmem_shared>>
    tpu.enqueue_indirect_dma source(%dma_start3A_8 : memref<10240x32xf32, #tpu.memory_space<vmem_shared>>) target(%arg9 : memref<128x32xf32, #tpu.memory_space<vmem>>) offsets(%dma_start3A_5 : memref<128xi32, #tpu.memory_space<vmem>>) semaphore(%arg14 : memref<!tpu.dma_semaphore, #tpu.memory_space<semaphore_mem>>)
    %jit3A_9 = arith.constant 2 : i32
    %div3A = arith.divsi %select_n3A, %jit3A_9 : i32
    %sign3A = arith.constant 0 : i32
    %sign3A_10 = arith.cmpi sgt, %select_n3A, %sign3A : i32
    %sign3A_11 = arith.extui %sign3A_10 : i1 to i32
    %sign3A_12 = arith.constant 0 : i32
    %sign3A_13 = arith.cmpi slt, %select_n3A, %sign3A_12 : i32
    %sign3A_14 = arith.extui %sign3A_13 : i1 to i32
    %sign3A_15 = arith.subi %sign3A_11, %sign3A_14 : i32
    %sign3A_16 = arith.constant 0 : i32
    %sign3A_17 = arith.cmpi sgt, %jit3A_9, %sign3A_16 : i32
    %sign3A_18 = arith.extui %sign3A_17 : i1 to i32
    %sign3A_19 = arith.constant 0 : i32
    %sign3A_20 = arith.cmpi slt, %jit3A_9, %sign3A_19 : i32
    %sign3A_21 = arith.extui %sign3A_20 : i1 to i32
    %sign3A_22 = arith.subi %sign3A_18, %sign3A_21 : i32
    %ne3A = arith.cmpi ne, %sign3A_15, %sign3A_22 : i32
    %rem3A = arith.remsi %select_n3A, %jit3A_9 : i32
    %ne3A_23 = arith.constant 0 : i32
    %ne3A_24 = arith.cmpi ne, %rem3A, %ne3A_23 : i32
    %and3A = arith.andi %ne3A, %ne3A_24 : i1
    %sub3A = arith.constant 1 : i32
    %sub3A_25 = arith.subi %div3A, %sub3A : i32
    %select_n3A_26 = arith.select %and3A, %sub3A_25, %div3A : i32
    %while3A = arith.constant 0 : i32
    %while3A_27 = arith.constant 0 : i32
    %while3A_28 = arith.subi %select_n3A_26, %while3A_27 : i32
    %while3A_29 = arith.addi %while3A_27, %while3A_28 : i32
    %while3A_30 = arith.constant 1 : i32
    %while3A_31 = arith.divsi %while3A_28, %while3A_30 : i32
    %while3A_32 = arith.muli %while3A_31, %while3A_30 : i32
    %while3A_33 = arith.addi %while3A_27, %while3A_32 : i32
    %while3A_34 = arith.constant 1 : i32
    scf.for %while3A_37 = %while3A_27 to %while3A_33 step %while3A_34  : i32 {
      %mul3A_38 = arith.constant 2 : i32
      %mul3A_39 = arith.muli %mul3A_38, %while3A_37 : i32
      %dma_wait3A = arith.constant 0 : i32
      %dma_wait3A_40 = tpu.memref_slice %arg7[%mul3A_39, %dma_wait3A] : memref<88x128xi32, #tpu.memory_space<vmem>> -> memref<1x128xi32, #tpu.memory_space<vmem>>
      %dma_wait3A_41 = tpu.memref_squeeze %dma_wait3A_40 : memref<1x128xi32, #tpu.memory_space<vmem>> -> memref<128xi32, #tpu.memory_space<vmem>>
      %dma_wait3A_42 = arith.constant 0 : i32
      %dma_wait3A_43 = arith.constant 0 : i32
      %dma_wait3A_44 = tpu.memref_slice %arg12[%dma_wait3A_42, %dma_wait3A_43] : memref<10240x32xf32, #tpu.memory_space<vmem_shared>> -> memref<10240x32xf32, #tpu.memory_space<vmem_shared>>
      tpu.wait_indirect_dma semaphore(%arg14 : memref<!tpu.dma_semaphore, #tpu.memory_space<semaphore_mem>>) src(%dma_wait3A_44 : memref<10240x32xf32, #tpu.memory_space<vmem_shared>>) dst(%arg9 : memref<128x32xf32, #tpu.memory_space<vmem>>)
      %add3A = arith.constant 1 : i32
      %add3A_45 = arith.addi %mul3A_39, %add3A : i32
      %dma_start3A_46 = arith.constant 0 : i32
      %dma_start3A_47 = tpu.memref_slice %arg7[%add3A_45, %dma_start3A_46] : memref<88x128xi32, #tpu.memory_space<vmem>> -> memref<1x128xi32, #tpu.memory_space<vmem>>
      %dma_start3A_48 = tpu.memref_squeeze %dma_start3A_47 : memref<1x128xi32, #tpu.memory_space<vmem>> -> memref<128xi32, #tpu.memory_space<vmem>>
      %dma_start3A_49 = arith.constant 0 : i32
      %dma_start3A_50 = arith.constant 0 : i32
      %dma_start3A_51 = tpu.memref_slice %arg12[%dma_start3A_49, %dma_start3A_50] : memref<10240x32xf32, #tpu.memory_space<vmem_shared>> -> memref<10240x32xf32, #tpu.memory_space<vmem_shared>>
      tpu.enqueue_indirect_dma source(%dma_start3A_51 : memref<10240x32xf32, #tpu.memory_space<vmem_shared>>) target(%arg10 : memref<128x32xf32, #tpu.memory_space<vmem>>) offsets(%dma_start3A_48 : memref<128xi32, #tpu.memory_space<vmem>>) semaphore(%arg15 : memref<!tpu.dma_semaphore, #tpu.memory_space<semaphore_mem>>)
      "tpu.region"() ({
        %run_scoped3A = tpu.sem_alloc : memref<!tpu.dma_semaphore, #tpu.memory_space<semaphore_mem>>
        %dma_start3A_65 = arith.constant 0 : i32
        %dma_start3A_66 = tpu.memref_slice %arg8[%mul3A_39, %dma_start3A_65] : memref<88x128xi32, #tpu.memory_space<vmem>> -> memref<1x128xi32, #tpu.memory_space<vmem>>
        %dma_start3A_67 = tpu.memref_squeeze %dma_start3A_66 : memref<1x128xi32, #tpu.memory_space<vmem>> -> memref<128xi32, #tpu.memory_space<vmem>>
        %dma_start3A_68 = arith.constant 0 : i32
        %dma_start3A_69 = arith.constant 0 : i32
        %dma_start3A_70 = tpu.memref_slice %arg13[%dma_start3A_68, %dma_start3A_69] : memref<10240x32xf32, #tpu.memory_space<vmem_shared>> -> memref<10240x32xf32, #tpu.memory_space<vmem_shared>>
        tpu.enqueue_indirect_dma source(%arg9 : memref<128x32xf32, #tpu.memory_space<vmem>>) target(%dma_start3A_70 : memref<10240x32xf32, #tpu.memory_space<vmem_shared>>) offsets(%dma_start3A_67 : memref<128xi32, #tpu.memory_space<vmem>>) semaphore(%run_scoped3A : memref<!tpu.dma_semaphore, #tpu.memory_space<semaphore_mem>>) {add = true}
        %dma_wait3A_71 = arith.constant 0 : i32
        %dma_wait3A_72 = tpu.memref_slice %arg8[%mul3A_39, %dma_wait3A_71] : memref<88x128xi32, #tpu.memory_space<vmem>> -> memref<1x128xi32, #tpu.memory_space<vmem>>
        %dma_wait3A_73 = tpu.memref_squeeze %dma_wait3A_72 : memref<1x128xi32, #tpu.memory_space<vmem>> -> memref<128xi32, #tpu.memory_space<vmem>>
        %dma_wait3A_74 = arith.constant 0 : i32
        %dma_wait3A_75 = arith.constant 0 : i32
        %dma_wait3A_76 = tpu.memref_slice %arg13[%dma_wait3A_74, %dma_wait3A_75] : memref<10240x32xf32, #tpu.memory_space<vmem_shared>> -> memref<10240x32xf32, #tpu.memory_space<vmem_shared>>
        tpu.wait_indirect_dma semaphore(%run_scoped3A : memref<!tpu.dma_semaphore, #tpu.memory_space<semaphore_mem>>) src(%arg9 : memref<128x32xf32, #tpu.memory_space<vmem>>) dst(%dma_wait3A_76 : memref<10240x32xf32, #tpu.memory_space<vmem_shared>>)
        tpu.yield
      }) : () -> ()
      %add3A_52 = arith.constant 1 : i32
      %add3A_53 = arith.addi %mul3A_39, %add3A_52 : i32
      %dma_wait3A_54 = arith.constant 0 : i32
      %dma_wait3A_55 = tpu.memref_slice %arg7[%add3A_53, %dma_wait3A_54] : memref<88x128xi32, #tpu.memory_space<vmem>> -> memref<1x128xi32, #tpu.memory_space<vmem>>
      %dma_wait3A_56 = tpu.memref_squeeze %dma_wait3A_55 : memref<1x128xi32, #tpu.memory_space<vmem>> -> memref<128xi32, #tpu.memory_space<vmem>>
      %dma_wait3A_57 = arith.constant 0 : i32
      %dma_wait3A_58 = arith.constant 0 : i32
      %dma_wait3A_59 = tpu.memref_slice %arg12[%dma_wait3A_57, %dma_wait3A_58] : memref<10240x32xf32, #tpu.memory_space<vmem_shared>> -> memref<10240x32xf32, #tpu.memory_space<vmem_shared>>
      tpu.wait_indirect_dma semaphore(%arg15 : memref<!tpu.dma_semaphore, #tpu.memory_space<semaphore_mem>>) src(%dma_wait3A_59 : memref<10240x32xf32, #tpu.memory_space<vmem_shared>>) dst(%arg10 : memref<128x32xf32, #tpu.memory_space<vmem>>)
      %add3A_60 = arith.constant 2 : i32
      %add3A_61 = arith.addi %mul3A_39, %add3A_60 : i32
      %lt3A = arith.cmpi slt, %add3A_61, %select_n3A : i32
      %convert_element_type3A = arith.extui %lt3A : i1 to i32
      %cond3A = arith.constant 0 : i32
      %cond3A_62 = arith.cmpi ne, %convert_element_type3A, %cond3A : i32
      scf.if %cond3A_62 {
        %add3A_65 = arith.constant 2 : i32
        %add3A_66 = arith.addi %mul3A_39, %add3A_65 : i32
        %dma_start3A_67 = arith.constant 0 : i32
        %dma_start3A_68 = tpu.memref_slice %arg7[%add3A_66, %dma_start3A_67] : memref<88x128xi32, #tpu.memory_space<vmem>> -> memref<1x128xi32, #tpu.memory_space<vmem>>
        %dma_start3A_69 = tpu.memref_squeeze %dma_start3A_68 : memref<1x128xi32, #tpu.memory_space<vmem>> -> memref<128xi32, #tpu.memory_space<vmem>>
        %dma_start3A_70 = arith.constant 0 : i32
        %dma_start3A_71 = arith.constant 0 : i32
        %dma_start3A_72 = tpu.memref_slice %arg12[%dma_start3A_70, %dma_start3A_71] : memref<10240x32xf32, #tpu.memory_space<vmem_shared>> -> memref<10240x32xf32, #tpu.memory_space<vmem_shared>>
        tpu.enqueue_indirect_dma source(%dma_start3A_72 : memref<10240x32xf32, #tpu.memory_space<vmem_shared>>) target(%arg9 : memref<128x32xf32, #tpu.memory_space<vmem>>) offsets(%dma_start3A_69 : memref<128xi32, #tpu.memory_space<vmem>>) semaphore(%arg14 : memref<!tpu.dma_semaphore, #tpu.memory_space<semaphore_mem>>)
      } else {
      }
      %add3A_63 = arith.constant 1 : i32
      %add3A_64 = arith.addi %mul3A_39, %add3A_63 : i32
      "tpu.region"() ({
        %run_scoped3A = tpu.sem_alloc : memref<!tpu.dma_semaphore, #tpu.memory_space<semaphore_mem>>
        %dma_start3A_65 = arith.constant 0 : i32
        %dma_start3A_66 = tpu.memref_slice %arg8[%add3A_64, %dma_start3A_65] : memref<88x128xi32, #tpu.memory_space<vmem>> -> memref<1x128xi32, #tpu.memory_space<vmem>>
        %dma_start3A_67 = tpu.memref_squeeze %dma_start3A_66 : memref<1x128xi32, #tpu.memory_space<vmem>> -> memref<128xi32, #tpu.memory_space<vmem>>
        %dma_start3A_68 = arith.constant 0 : i32
        %dma_start3A_69 = arith.constant 0 : i32
        %dma_start3A_70 = tpu.memref_slice %arg13[%dma_start3A_68, %dma_start3A_69] : memref<10240x32xf32, #tpu.memory_space<vmem_shared>> -> memref<10240x32xf32, #tpu.memory_space<vmem_shared>>
        tpu.enqueue_indirect_dma source(%arg10 : memref<128x32xf32, #tpu.memory_space<vmem>>) target(%dma_start3A_70 : memref<10240x32xf32, #tpu.memory_space<vmem_shared>>) offsets(%dma_start3A_67 : memref<128xi32, #tpu.memory_space<vmem>>) semaphore(%run_scoped3A : memref<!tpu.dma_semaphore, #tpu.memory_space<semaphore_mem>>) {add = true}
        %dma_wait3A_71 = arith.constant 0 : i32
        %dma_wait3A_72 = tpu.memref_slice %arg8[%add3A_64, %dma_wait3A_71] : memref<88x128xi32, #tpu.memory_space<vmem>> -> memref<1x128xi32, #tpu.memory_space<vmem>>
        %dma_wait3A_73 = tpu.memref_squeeze %dma_wait3A_72 : memref<1x128xi32, #tpu.memory_space<vmem>> -> memref<128xi32, #tpu.memory_space<vmem>>
        %dma_wait3A_74 = arith.constant 0 : i32
        %dma_wait3A_75 = arith.constant 0 : i32
        %dma_wait3A_76 = tpu.memref_slice %arg13[%dma_wait3A_74, %dma_wait3A_75] : memref<10240x32xf32, #tpu.memory_space<vmem_shared>> -> memref<10240x32xf32, #tpu.memory_space<vmem_shared>>
        tpu.wait_indirect_dma semaphore(%run_scoped3A : memref<!tpu.dma_semaphore, #tpu.memory_space<semaphore_mem>>) src(%arg10 : memref<128x32xf32, #tpu.memory_space<vmem>>) dst(%dma_wait3A_76 : memref<10240x32xf32, #tpu.memory_space<vmem_shared>>)
        tpu.yield
      }) : () -> ()
    }
    %while3A_35 = arith.constant 1 : i32
    scf.for %while3A_37 = %while3A_33 to %while3A_29 step %while3A_35  : i32 {
      %mul3A_38 = arith.constant 2 : i32
      %mul3A_39 = arith.muli %mul3A_38, %while3A_37 : i32
      %dma_wait3A = arith.constant 0 : i32
      %dma_wait3A_40 = tpu.memref_slice %arg7[%mul3A_39, %dma_wait3A] : memref<88x128xi32, #tpu.memory_space<vmem>> -> memref<1x128xi32, #tpu.memory_space<vmem>>
      %dma_wait3A_41 = tpu.memref_squeeze %dma_wait3A_40 : memref<1x128xi32, #tpu.memory_space<vmem>> -> memref<128xi32, #tpu.memory_space<vmem>>
      %dma_wait3A_42 = arith.constant 0 : i32
      %dma_wait3A_43 = arith.constant 0 : i32
      %dma_wait3A_44 = tpu.memref_slice %arg12[%dma_wait3A_42, %dma_wait3A_43] : memref<10240x32xf32, #tpu.memory_space<vmem_shared>> -> memref<10240x32xf32, #tpu.memory_space<vmem_shared>>
      tpu.wait_indirect_dma semaphore(%arg14 : memref<!tpu.dma_semaphore, #tpu.memory_space<semaphore_mem>>) src(%dma_wait3A_44 : memref<10240x32xf32, #tpu.memory_space<vmem_shared>>) dst(%arg9 : memref<128x32xf32, #tpu.memory_space<vmem>>)
      %add3A = arith.constant 1 : i32
      %add3A_45 = arith.addi %mul3A_39, %add3A : i32
      %dma_start3A_46 = arith.constant 0 : i32
      %dma_start3A_47 = tpu.memref_slice %arg7[%add3A_45, %dma_start3A_46] : memref<88x128xi32, #tpu.memory_space<vmem>> -> memref<1x128xi32, #tpu.memory_space<vmem>>
      %dma_start3A_48 = tpu.memref_squeeze %dma_start3A_47 : memref<1x128xi32, #tpu.memory_space<vmem>> -> memref<128xi32, #tpu.memory_space<vmem>>
      %dma_start3A_49 = arith.constant 0 : i32
      %dma_start3A_50 = arith.constant 0 : i32
      %dma_start3A_51 = tpu.memref_slice %arg12[%dma_start3A_49, %dma_start3A_50] : memref<10240x32xf32, #tpu.memory_space<vmem_shared>> -> memref<10240x32xf32, #tpu.memory_space<vmem_shared>>
      tpu.enqueue_indirect_dma source(%dma_start3A_51 : memref<10240x32xf32, #tpu.memory_space<vmem_shared>>) target(%arg10 : memref<128x32xf32, #tpu.memory_space<vmem>>) offsets(%dma_start3A_48 : memref<128xi32, #tpu.memory_space<vmem>>) semaphore(%arg15 : memref<!tpu.dma_semaphore, #tpu.memory_space<semaphore_mem>>)
      "tpu.region"() ({
        %run_scoped3A = tpu.sem_alloc : memref<!tpu.dma_semaphore, #tpu.memory_space<semaphore_mem>>
        %dma_start3A_65 = arith.constant 0 : i32
        %dma_start3A_66 = tpu.memref_slice %arg8[%mul3A_39, %dma_start3A_65] : memref<88x128xi32, #tpu.memory_space<vmem>> -> memref<1x128xi32, #tpu.memory_space<vmem>>
        %dma_start3A_67 = tpu.memref_squeeze %dma_start3A_66 : memref<1x128xi32, #tpu.memory_space<vmem>> -> memref<128xi32, #tpu.memory_space<vmem>>
        %dma_start3A_68 = arith.constant 0 : i32
        %dma_start3A_69 = arith.constant 0 : i32
        %dma_start3A_70 = tpu.memref_slice %arg13[%dma_start3A_68, %dma_start3A_69] : memref<10240x32xf32, #tpu.memory_space<vmem_shared>> -> memref<10240x32xf32, #tpu.memory_space<vmem_shared>>
        tpu.enqueue_indirect_dma source(%arg9 : memref<128x32xf32, #tpu.memory_space<vmem>>) target(%dma_start3A_70 : memref<10240x32xf32, #tpu.memory_space<vmem_shared>>) offsets(%dma_start3A_67 : memref<128xi32, #tpu.memory_space<vmem>>) semaphore(%run_scoped3A : memref<!tpu.dma_semaphore, #tpu.memory_space<semaphore_mem>>) {add = true}
        %dma_wait3A_71 = arith.constant 0 : i32
        %dma_wait3A_72 = tpu.memref_slice %arg8[%mul3A_39, %dma_wait3A_71] : memref<88x128xi32, #tpu.memory_space<vmem>> -> memref<1x128xi32, #tpu.memory_space<vmem>>
        %dma_wait3A_73 = tpu.memref_squeeze %dma_wait3A_72 : memref<1x128xi32, #tpu.memory_space<vmem>> -> memref<128xi32, #tpu.memory_space<vmem>>
        %dma_wait3A_74 = arith.constant 0 : i32
        %dma_wait3A_75 = arith.constant 0 : i32
        %dma_wait3A_76 = tpu.memref_slice %arg13[%dma_wait3A_74, %dma_wait3A_75] : memref<10240x32xf32, #tpu.memory_space<vmem_shared>> -> memref<10240x32xf32, #tpu.memory_space<vmem_shared>>
        tpu.wait_indirect_dma semaphore(%run_scoped3A : memref<!tpu.dma_semaphore, #tpu.memory_space<semaphore_mem>>) src(%arg9 : memref<128x32xf32, #tpu.memory_space<vmem>>) dst(%dma_wait3A_76 : memref<10240x32xf32, #tpu.memory_space<vmem_shared>>)
        tpu.yield
      }) : () -> ()
      %add3A_52 = arith.constant 1 : i32
      %add3A_53 = arith.addi %mul3A_39, %add3A_52 : i32
      %dma_wait3A_54 = arith.constant 0 : i32
      %dma_wait3A_55 = tpu.memref_slice %arg7[%add3A_53, %dma_wait3A_54] : memref<88x128xi32, #tpu.memory_space<vmem>> -> memref<1x128xi32, #tpu.memory_space<vmem>>
      %dma_wait3A_56 = tpu.memref_squeeze %dma_wait3A_55 : memref<1x128xi32, #tpu.memory_space<vmem>> -> memref<128xi32, #tpu.memory_space<vmem>>
      %dma_wait3A_57 = arith.constant 0 : i32
      %dma_wait3A_58 = arith.constant 0 : i32
      %dma_wait3A_59 = tpu.memref_slice %arg12[%dma_wait3A_57, %dma_wait3A_58] : memref<10240x32xf32, #tpu.memory_space<vmem_shared>> -> memref<10240x32xf32, #tpu.memory_space<vmem_shared>>
      tpu.wait_indirect_dma semaphore(%arg15 : memref<!tpu.dma_semaphore, #tpu.memory_space<semaphore_mem>>) src(%dma_wait3A_59 : memref<10240x32xf32, #tpu.memory_space<vmem_shared>>) dst(%arg10 : memref<128x32xf32, #tpu.memory_space<vmem>>)
      %add3A_60 = arith.constant 2 : i32
      %add3A_61 = arith.addi %mul3A_39, %add3A_60 : i32
      %lt3A = arith.cmpi slt, %add3A_61, %select_n3A : i32
      %convert_element_type3A = arith.extui %lt3A : i1 to i32
      %cond3A = arith.constant 0 : i32
      %cond3A_62 = arith.cmpi ne, %convert_element_type3A, %cond3A : i32
      scf.if %cond3A_62 {
        %add3A_65 = arith.constant 2 : i32
        %add3A_66 = arith.addi %mul3A_39, %add3A_65 : i32
        %dma_start3A_67 = arith.constant 0 : i32
        %dma_start3A_68 = tpu.memref_slice %arg7[%add3A_66, %dma_start3A_67] : memref<88x128xi32, #tpu.memory_space<vmem>> -> memref<1x128xi32, #tpu.memory_space<vmem>>
        %dma_start3A_69 = tpu.memref_squeeze %dma_start3A_68 : memref<1x128xi32, #tpu.memory_space<vmem>> -> memref<128xi32, #tpu.memory_space<vmem>>
        %dma_start3A_70 = arith.constant 0 : i32
        %dma_start3A_71 = arith.constant 0 : i32
        %dma_start3A_72 = tpu.memref_slice %arg12[%dma_start3A_70, %dma_start3A_71] : memref<10240x32xf32, #tpu.memory_space<vmem_shared>> -> memref<10240x32xf32, #tpu.memory_space<vmem_shared>>
        tpu.enqueue_indirect_dma source(%dma_start3A_72 : memref<10240x32xf32, #tpu.memory_space<vmem_shared>>) target(%arg9 : memref<128x32xf32, #tpu.memory_space<vmem>>) offsets(%dma_start3A_69 : memref<128xi32, #tpu.memory_space<vmem>>) semaphore(%arg14 : memref<!tpu.dma_semaphore, #tpu.memory_space<semaphore_mem>>)
      } else {
      }
      %add3A_63 = arith.constant 1 : i32
      %add3A_64 = arith.addi %mul3A_39, %add3A_63 : i32
      "tpu.region"() ({
        %run_scoped3A = tpu.sem_alloc : memref<!tpu.dma_semaphore, #tpu.memory_space<semaphore_mem>>
        %dma_start3A_65 = arith.constant 0 : i32
        %dma_start3A_66 = tpu.memref_slice %arg8[%add3A_64, %dma_start3A_65] : memref<88x128xi32, #tpu.memory_space<vmem>> -> memref<1x128xi32, #tpu.memory_space<vmem>>
        %dma_start3A_67 = tpu.memref_squeeze %dma_start3A_66 : memref<1x128xi32, #tpu.memory_space<vmem>> -> memref<128xi32, #tpu.memory_space<vmem>>
        %dma_start3A_68 = arith.constant 0 : i32
        %dma_start3A_69 = arith.constant 0 : i32
        %dma_start3A_70 = tpu.memref_slice %arg13[%dma_start3A_68, %dma_start3A_69] : memref<10240x32xf32, #tpu.memory_space<vmem_shared>> -> memref<10240x32xf32, #tpu.memory_space<vmem_shared>>
        tpu.enqueue_indirect_dma source(%arg10 : memref<128x32xf32, #tpu.memory_space<vmem>>) target(%dma_start3A_70 : memref<10240x32xf32, #tpu.memory_space<vmem_shared>>) offsets(%dma_start3A_67 : memref<128xi32, #tpu.memory_space<vmem>>) semaphore(%run_scoped3A : memref<!tpu.dma_semaphore, #tpu.memory_space<semaphore_mem>>) {add = true}
        %dma_wait3A_71 = arith.constant 0 : i32
        %dma_wait3A_72 = tpu.memref_slice %arg8[%add3A_64, %dma_wait3A_71] : memref<88x128xi32, #tpu.memory_space<vmem>> -> memref<1x128xi32, #tpu.memory_space<vmem>>
        %dma_wait3A_73 = tpu.memref_squeeze %dma_wait3A_72 : memref<1x128xi32, #tpu.memory_space<vmem>> -> memref<128xi32, #tpu.memory_space<vmem>>
        %dma_wait3A_74 = arith.constant 0 : i32
        %dma_wait3A_75 = arith.constant 0 : i32
        %dma_wait3A_76 = tpu.memref_slice %arg13[%dma_wait3A_74, %dma_wait3A_75] : memref<10240x32xf32, #tpu.memory_space<vmem_shared>> -> memref<10240x32xf32, #tpu.memory_space<vmem_shared>>
        tpu.wait_indirect_dma semaphore(%run_scoped3A : memref<!tpu.dma_semaphore, #tpu.memory_space<semaphore_mem>>) src(%arg10 : memref<128x32xf32, #tpu.memory_space<vmem>>) dst(%dma_wait3A_76 : memref<10240x32xf32, #tpu.memory_space<vmem_shared>>)
        tpu.yield
      }) : () -> ()
    }
    %barrier3A_36 = arith.constant 0 : index
    tpu.barrier barrier_id(%barrier3A_36)
    "tpu.region"() ({
      %run_scoped3A = tpu.sem_alloc : memref<!tpu.dma_semaphore, #tpu.memory_space<semaphore_mem>>
      %dma_start3A_37 = arith.constant 0 : i32
      %dma_start3A_38 = tpu.memref_slice %arg13[%mul3A_0, %dma_start3A_37] : memref<10240x32xf32, #tpu.memory_space<vmem_shared>> -> memref<640x32xf32, #tpu.memory_space<vmem_shared>>
      %dma_start3A_39 = arith.constant 0 : i32
      %dma_start3A_40 = tpu.memref_slice %arg13[%mul3A_0, %dma_start3A_39] : memref<10240x32xf32, #tpu.memory_space<vmem_shared>> -> memref<640x32xf32, #tpu.memory_space<vmem_shared>>
      tpu.enqueue_dma source(%dma_start3A_40 : memref<640x32xf32, #tpu.memory_space<vmem_shared>>) target(%arg11 : memref<640x32xf32, #tpu.memory_space<vmem>>) target_semaphore(%run_scoped3A : memref<!tpu.dma_semaphore, #tpu.memory_space<semaphore_mem>>)
      %dma_wait3A = arith.constant 0 : i32
      %dma_wait3A_41 = tpu.memref_slice %arg13[%mul3A_0, %dma_wait3A] : memref<10240x32xf32, #tpu.memory_space<vmem_shared>> -> memref<640x32xf32, #tpu.memory_space<vmem_shared>>
      %dma_wait3A_42 = arith.constant 0 : i32
      %dma_wait3A_43 = tpu.memref_slice %arg13[%mul3A_0, %dma_wait3A_42] : memref<10240x32xf32, #tpu.memory_space<vmem_shared>> -> memref<640x32xf32, #tpu.memory_space<vmem_shared>>
      tpu.wait_dma2 semaphore(%run_scoped3A : memref<!tpu.dma_semaphore, #tpu.memory_space<semaphore_mem>>) src(%dma_wait3A_43 : memref<640x32xf32, #tpu.memory_space<vmem_shared>>) dst(%arg11 : memref<640x32xf32, #tpu.memory_space<vmem>>)
      tpu.yield
    }) : () -> ()
    "tpu.region"() ({
      %run_scoped3A = tpu.sem_alloc : memref<!tpu.dma_semaphore, #tpu.memory_space<semaphore_mem>>
      %dma_start3A_37 = arith.constant 0 : i32
      %dma_start3A_38 = tpu.memref_slice %arg6[%arg0, %mul3A_0, %dma_start3A_37] : memref<2x10240x32xf32, #tpu.memory_space<hbm>> -> memref<1x640x32xf32, #tpu.memory_space<hbm>>
      %dma_start3A_39 = tpu.memref_squeeze %dma_start3A_38 : memref<1x640x32xf32, #tpu.memory_space<hbm>> -> memref<640x32xf32, #tpu.memory_space<hbm>>
      %dma_start3A_40 = arith.constant 0 : i32
      %dma_start3A_41 = tpu.memref_slice %arg6[%arg0, %mul3A_0, %dma_start3A_40] : memref<2x10240x32xf32, #tpu.memory_space<hbm>> -> memref<1x640x32xf32, #tpu.memory_space<hbm>>
      %dma_start3A_42 = tpu.memref_squeeze %dma_start3A_41 : memref<1x640x32xf32, #tpu.memory_space<hbm>> -> memref<640x32xf32, #tpu.memory_space<hbm>>
      tpu.enqueue_dma source(%arg11 : memref<640x32xf32, #tpu.memory_space<vmem>>) target(%dma_start3A_42 : memref<640x32xf32, #tpu.memory_space<hbm>>) target_semaphore(%run_scoped3A : memref<!tpu.dma_semaphore, #tpu.memory_space<semaphore_mem>>)
      %dma_wait3A = arith.constant 0 : i32
      %dma_wait3A_43 = tpu.memref_slice %arg6[%arg0, %mul3A_0, %dma_wait3A] : memref<2x10240x32xf32, #tpu.memory_space<hbm>> -> memref<1x640x32xf32, #tpu.memory_space<hbm>>
      %dma_wait3A_44 = tpu.memref_squeeze %dma_wait3A_43 : memref<1x640x32xf32, #tpu.memory_space<hbm>> -> memref<640x32xf32, #tpu.memory_space<hbm>>
      %dma_wait3A_45 = arith.constant 0 : i32
      %dma_wait3A_46 = tpu.memref_slice %arg6[%arg0, %mul3A_0, %dma_wait3A_45] : memref<2x10240x32xf32, #tpu.memory_space<hbm>> -> memref<1x640x32xf32, #tpu.memory_space<hbm>>
      %dma_wait3A_47 = tpu.memref_squeeze %dma_wait3A_46 : memref<1x640x32xf32, #tpu.memory_space<hbm>> -> memref<640x32xf32, #tpu.memory_space<hbm>>
      tpu.wait_dma2 semaphore(%run_scoped3A : memref<!tpu.dma_semaphore, #tpu.memory_space<semaphore_mem>>) src(%arg11 : memref<640x32xf32, #tpu.memory_space<vmem>>) dst(%dma_wait3A_47 : memref<640x32xf32, #tpu.memory_space<hbm>>)
      tpu.yield
    }) : () -> ()
    return
  }
}

#map = affine_map<(d0, d1) -> (0, 0, 0)>
#map1 = affine_map<(d0, d1) -> (0, 0)>
module attributes {stable_mosaic.version = 14 : i64} {
  func.func @_deg_kernel(%arg0: i32, %arg1: i32, %arg2: memref<32x80x128xi32, #tpu.memory_space<hbm>>, %arg3: memref<10240x8xf32, #tpu.memory_space<hbm>>, %arg4: memref<128x8xf32, #tpu.memory_space<hbm>>, %arg5: memref<2x10240x8xf32, #tpu.memory_space<hbm>>, %arg6: memref<80x128xi32, #tpu.memory_space<vmem>>, %arg7: memref<128x8xf32, #tpu.memory_space<vmem>>, %arg8: memref<640x8xf32, #tpu.memory_space<vmem>>, %arg9: memref<10240x8xf32, #tpu.memory_space<vmem_shared>>, %arg10: memref<!tpu.dma_semaphore, #tpu.memory_space<semaphore_mem>>) attributes {dimension_semantics = [#tpu.dimension_semantics<core_parallel>, #tpu.dimension_semantics<subcore_parallel>], iteration_bounds = array<i64: 2, 16>, scalar_prefetch = 0 : i64, scratch_operands = 5 : i64, tpu.core_type = #tpu.core_type<sc_vector_subcore>, window_params = [{transform_indices = #map}, {transform_indices = #map1}, {transform_indices = #map1}, {transform_indices = #map}]} {
    %mul3A = arith.constant 2 : i32
    %mul3A_0 = arith.muli %arg1, %mul3A : i32
    %add3A = arith.addi %mul3A_0, %arg0 : i32
    %mul3A_1 = arith.constant 640 : i32
    %mul3A_2 = arith.muli %arg1, %mul3A_1 : i32
    "tpu.region"() ({
      %run_scoped3A = tpu.sem_alloc : memref<!tpu.dma_semaphore, #tpu.memory_space<semaphore_mem>>
      %dma_start3A = arith.constant 0 : i32
      %dma_start3A_9 = tpu.memref_slice %arg3[%mul3A_2, %dma_start3A] : memref<10240x8xf32, #tpu.memory_space<hbm>> -> memref<640x8xf32, #tpu.memory_space<hbm>>
      %dma_start3A_10 = arith.constant 0 : i32
      %dma_start3A_11 = tpu.memref_slice %arg3[%mul3A_2, %dma_start3A_10] : memref<10240x8xf32, #tpu.memory_space<hbm>> -> memref<640x8xf32, #tpu.memory_space<hbm>>
      tpu.enqueue_dma source(%dma_start3A_11 : memref<640x8xf32, #tpu.memory_space<hbm>>) target(%arg8 : memref<640x8xf32, #tpu.memory_space<vmem>>) target_semaphore(%run_scoped3A : memref<!tpu.dma_semaphore, #tpu.memory_space<semaphore_mem>>)
      %dma_wait3A = arith.constant 0 : i32
      %dma_wait3A_12 = tpu.memref_slice %arg3[%mul3A_2, %dma_wait3A] : memref<10240x8xf32, #tpu.memory_space<hbm>> -> memref<640x8xf32, #tpu.memory_space<hbm>>
      %dma_wait3A_13 = arith.constant 0 : i32
      %dma_wait3A_14 = tpu.memref_slice %arg3[%mul3A_2, %dma_wait3A_13] : memref<10240x8xf32, #tpu.memory_space<hbm>> -> memref<640x8xf32, #tpu.memory_space<hbm>>
      tpu.wait_dma2 semaphore(%run_scoped3A : memref<!tpu.dma_semaphore, #tpu.memory_space<semaphore_mem>>) src(%dma_wait3A_14 : memref<640x8xf32, #tpu.memory_space<hbm>>) dst(%arg8 : memref<640x8xf32, #tpu.memory_space<vmem>>)
      tpu.yield
    }) : () -> ()
    "tpu.region"() ({
      %run_scoped3A = tpu.sem_alloc : memref<!tpu.dma_semaphore, #tpu.memory_space<semaphore_mem>>
      %dma_start3A = arith.constant 0 : i32
      %dma_start3A_9 = tpu.memref_slice %arg9[%mul3A_2, %dma_start3A] : memref<10240x8xf32, #tpu.memory_space<vmem_shared>> -> memref<640x8xf32, #tpu.memory_space<vmem_shared>>
      %dma_start3A_10 = arith.constant 0 : i32
      %dma_start3A_11 = tpu.memref_slice %arg9[%mul3A_2, %dma_start3A_10] : memref<10240x8xf32, #tpu.memory_space<vmem_shared>> -> memref<640x8xf32, #tpu.memory_space<vmem_shared>>
      tpu.enqueue_dma source(%arg8 : memref<640x8xf32, #tpu.memory_space<vmem>>) target(%dma_start3A_11 : memref<640x8xf32, #tpu.memory_space<vmem_shared>>) target_semaphore(%run_scoped3A : memref<!tpu.dma_semaphore, #tpu.memory_space<semaphore_mem>>)
      %dma_wait3A = arith.constant 0 : i32
      %dma_wait3A_12 = tpu.memref_slice %arg9[%mul3A_2, %dma_wait3A] : memref<10240x8xf32, #tpu.memory_space<vmem_shared>> -> memref<640x8xf32, #tpu.memory_space<vmem_shared>>
      %dma_wait3A_13 = arith.constant 0 : i32
      %dma_wait3A_14 = tpu.memref_slice %arg9[%mul3A_2, %dma_wait3A_13] : memref<10240x8xf32, #tpu.memory_space<vmem_shared>> -> memref<640x8xf32, #tpu.memory_space<vmem_shared>>
      tpu.wait_dma2 semaphore(%run_scoped3A : memref<!tpu.dma_semaphore, #tpu.memory_space<semaphore_mem>>) src(%arg8 : memref<640x8xf32, #tpu.memory_space<vmem>>) dst(%dma_wait3A_14 : memref<640x8xf32, #tpu.memory_space<vmem_shared>>)
      tpu.yield
    }) : () -> ()
    "tpu.region"() ({
      %run_scoped3A = tpu.sem_alloc : memref<!tpu.dma_semaphore, #tpu.memory_space<semaphore_mem>>
      tpu.enqueue_dma source(%arg4 : memref<128x8xf32, #tpu.memory_space<hbm>>) target(%arg7 : memref<128x8xf32, #tpu.memory_space<vmem>>) target_semaphore(%run_scoped3A : memref<!tpu.dma_semaphore, #tpu.memory_space<semaphore_mem>>)
      tpu.wait_dma2 semaphore(%run_scoped3A : memref<!tpu.dma_semaphore, #tpu.memory_space<semaphore_mem>>) src(%arg4 : memref<128x8xf32, #tpu.memory_space<hbm>>) dst(%arg7 : memref<128x8xf32, #tpu.memory_space<vmem>>)
      tpu.yield
    }) : () -> ()
    "tpu.region"() ({
      %run_scoped3A = tpu.sem_alloc : memref<!tpu.dma_semaphore, #tpu.memory_space<semaphore_mem>>
      %dma_start3A = arith.constant 0 : i32
      %dma_start3A_9 = arith.constant 0 : i32
      %dma_start3A_10 = tpu.memref_slice %arg2[%add3A, %dma_start3A, %dma_start3A_9] : memref<32x80x128xi32, #tpu.memory_space<hbm>> -> memref<1x80x128xi32, #tpu.memory_space<hbm>>
      %dma_start3A_11 = tpu.memref_squeeze %dma_start3A_10 : memref<1x80x128xi32, #tpu.memory_space<hbm>> -> memref<80x128xi32, #tpu.memory_space<hbm>>
      %dma_start3A_12 = arith.constant 0 : i32
      %dma_start3A_13 = arith.constant 0 : i32
      %dma_start3A_14 = tpu.memref_slice %arg2[%add3A, %dma_start3A_12, %dma_start3A_13] : memref<32x80x128xi32, #tpu.memory_space<hbm>> -> memref<1x80x128xi32, #tpu.memory_space<hbm>>
      %dma_start3A_15 = tpu.memref_squeeze %dma_start3A_14 : memref<1x80x128xi32, #tpu.memory_space<hbm>> -> memref<80x128xi32, #tpu.memory_space<hbm>>
      tpu.enqueue_dma source(%dma_start3A_15 : memref<80x128xi32, #tpu.memory_space<hbm>>) target(%arg6 : memref<80x128xi32, #tpu.memory_space<vmem>>) target_semaphore(%run_scoped3A : memref<!tpu.dma_semaphore, #tpu.memory_space<semaphore_mem>>)
      %dma_wait3A = arith.constant 0 : i32
      %dma_wait3A_16 = arith.constant 0 : i32
      %dma_wait3A_17 = tpu.memref_slice %arg2[%add3A, %dma_wait3A, %dma_wait3A_16] : memref<32x80x128xi32, #tpu.memory_space<hbm>> -> memref<1x80x128xi32, #tpu.memory_space<hbm>>
      %dma_wait3A_18 = tpu.memref_squeeze %dma_wait3A_17 : memref<1x80x128xi32, #tpu.memory_space<hbm>> -> memref<80x128xi32, #tpu.memory_space<hbm>>
      %dma_wait3A_19 = arith.constant 0 : i32
      %dma_wait3A_20 = arith.constant 0 : i32
      %dma_wait3A_21 = tpu.memref_slice %arg2[%add3A, %dma_wait3A_19, %dma_wait3A_20] : memref<32x80x128xi32, #tpu.memory_space<hbm>> -> memref<1x80x128xi32, #tpu.memory_space<hbm>>
      %dma_wait3A_22 = tpu.memref_squeeze %dma_wait3A_21 : memref<1x80x128xi32, #tpu.memory_space<hbm>> -> memref<80x128xi32, #tpu.memory_space<hbm>>
      tpu.wait_dma2 semaphore(%run_scoped3A : memref<!tpu.dma_semaphore, #tpu.memory_space<semaphore_mem>>) src(%dma_wait3A_22 : memref<80x128xi32, #tpu.memory_space<hbm>>) dst(%arg6 : memref<80x128xi32, #tpu.memory_space<vmem>>)
      tpu.yield
    }) : () -> ()
    %barrier3A = arith.constant 0 : index
    tpu.barrier barrier_id(%barrier3A)
    %scan3A = arith.constant 0 : i32
    %scan3A_3 = arith.constant 0 : i32
    %scan3A_4 = arith.constant 80 : i32
    %scan3A_5 = arith.addi %scan3A_3, %scan3A_4 : i32
    %scan3A_6 = arith.constant 1 : i32
    scf.for %scan3A_9 = %scan3A_3 to %scan3A_5 step %scan3A_6  : i32 {
      "tpu.region"() ({
        %run_scoped3A = tpu.sem_alloc : memref<!tpu.dma_semaphore, #tpu.memory_space<semaphore_mem>>
        %dma_start3A = arith.constant 0 : i32
        %dma_start3A_10 = tpu.memref_slice %arg6[%scan3A_9, %dma_start3A] : memref<80x128xi32, #tpu.memory_space<vmem>> -> memref<1x128xi32, #tpu.memory_space<vmem>>
        %dma_start3A_11 = tpu.memref_squeeze %dma_start3A_10 : memref<1x128xi32, #tpu.memory_space<vmem>> -> memref<128xi32, #tpu.memory_space<vmem>>
        %dma_start3A_12 = arith.constant 0 : i32
        %dma_start3A_13 = arith.constant 0 : i32
        %dma_start3A_14 = tpu.memref_slice %arg9[%dma_start3A_12, %dma_start3A_13] : memref<10240x8xf32, #tpu.memory_space<vmem_shared>> -> memref<10240x8xf32, #tpu.memory_space<vmem_shared>>
        tpu.enqueue_indirect_dma source(%arg7 : memref<128x8xf32, #tpu.memory_space<vmem>>) target(%dma_start3A_14 : memref<10240x8xf32, #tpu.memory_space<vmem_shared>>) offsets(%dma_start3A_11 : memref<128xi32, #tpu.memory_space<vmem>>) semaphore(%run_scoped3A : memref<!tpu.dma_semaphore, #tpu.memory_space<semaphore_mem>>) {add = true}
        %dma_wait3A = arith.constant 0 : i32
        %dma_wait3A_15 = tpu.memref_slice %arg6[%scan3A_9, %dma_wait3A] : memref<80x128xi32, #tpu.memory_space<vmem>> -> memref<1x128xi32, #tpu.memory_space<vmem>>
        %dma_wait3A_16 = tpu.memref_squeeze %dma_wait3A_15 : memref<1x128xi32, #tpu.memory_space<vmem>> -> memref<128xi32, #tpu.memory_space<vmem>>
        %dma_wait3A_17 = arith.constant 0 : i32
        %dma_wait3A_18 = arith.constant 0 : i32
        %dma_wait3A_19 = tpu.memref_slice %arg9[%dma_wait3A_17, %dma_wait3A_18] : memref<10240x8xf32, #tpu.memory_space<vmem_shared>> -> memref<10240x8xf32, #tpu.memory_space<vmem_shared>>
        tpu.wait_indirect_dma semaphore(%run_scoped3A : memref<!tpu.dma_semaphore, #tpu.memory_space<semaphore_mem>>) src(%arg7 : memref<128x8xf32, #tpu.memory_space<vmem>>) dst(%dma_wait3A_19 : memref<10240x8xf32, #tpu.memory_space<vmem_shared>>)
        tpu.yield
      }) : () -> ()
    }
    %scan3A_7 = arith.constant 80 : i32
    %barrier3A_8 = arith.constant 0 : index
    tpu.barrier barrier_id(%barrier3A_8)
    "tpu.region"() ({
      %run_scoped3A = tpu.sem_alloc : memref<!tpu.dma_semaphore, #tpu.memory_space<semaphore_mem>>
      %dma_start3A = arith.constant 0 : i32
      %dma_start3A_9 = tpu.memref_slice %arg9[%mul3A_2, %dma_start3A] : memref<10240x8xf32, #tpu.memory_space<vmem_shared>> -> memref<640x8xf32, #tpu.memory_space<vmem_shared>>
      %dma_start3A_10 = arith.constant 0 : i32
      %dma_start3A_11 = tpu.memref_slice %arg9[%mul3A_2, %dma_start3A_10] : memref<10240x8xf32, #tpu.memory_space<vmem_shared>> -> memref<640x8xf32, #tpu.memory_space<vmem_shared>>
      tpu.enqueue_dma source(%dma_start3A_11 : memref<640x8xf32, #tpu.memory_space<vmem_shared>>) target(%arg8 : memref<640x8xf32, #tpu.memory_space<vmem>>) target_semaphore(%run_scoped3A : memref<!tpu.dma_semaphore, #tpu.memory_space<semaphore_mem>>)
      %dma_wait3A = arith.constant 0 : i32
      %dma_wait3A_12 = tpu.memref_slice %arg9[%mul3A_2, %dma_wait3A] : memref<10240x8xf32, #tpu.memory_space<vmem_shared>> -> memref<640x8xf32, #tpu.memory_space<vmem_shared>>
      %dma_wait3A_13 = arith.constant 0 : i32
      %dma_wait3A_14 = tpu.memref_slice %arg9[%mul3A_2, %dma_wait3A_13] : memref<10240x8xf32, #tpu.memory_space<vmem_shared>> -> memref<640x8xf32, #tpu.memory_space<vmem_shared>>
      tpu.wait_dma2 semaphore(%run_scoped3A : memref<!tpu.dma_semaphore, #tpu.memory_space<semaphore_mem>>) src(%dma_wait3A_14 : memref<640x8xf32, #tpu.memory_space<vmem_shared>>) dst(%arg8 : memref<640x8xf32, #tpu.memory_space<vmem>>)
      tpu.yield
    }) : () -> ()
    "tpu.region"() ({
      %run_scoped3A = tpu.sem_alloc : memref<!tpu.dma_semaphore, #tpu.memory_space<semaphore_mem>>
      %dma_start3A = arith.constant 0 : i32
      %dma_start3A_9 = tpu.memref_slice %arg5[%arg0, %mul3A_2, %dma_start3A] : memref<2x10240x8xf32, #tpu.memory_space<hbm>> -> memref<1x640x8xf32, #tpu.memory_space<hbm>>
      %dma_start3A_10 = tpu.memref_squeeze %dma_start3A_9 : memref<1x640x8xf32, #tpu.memory_space<hbm>> -> memref<640x8xf32, #tpu.memory_space<hbm>>
      %dma_start3A_11 = arith.constant 0 : i32
      %dma_start3A_12 = tpu.memref_slice %arg5[%arg0, %mul3A_2, %dma_start3A_11] : memref<2x10240x8xf32, #tpu.memory_space<hbm>> -> memref<1x640x8xf32, #tpu.memory_space<hbm>>
      %dma_start3A_13 = tpu.memref_squeeze %dma_start3A_12 : memref<1x640x8xf32, #tpu.memory_space<hbm>> -> memref<640x8xf32, #tpu.memory_space<hbm>>
      tpu.enqueue_dma source(%arg8 : memref<640x8xf32, #tpu.memory_space<vmem>>) target(%dma_start3A_13 : memref<640x8xf32, #tpu.memory_space<hbm>>) target_semaphore(%run_scoped3A : memref<!tpu.dma_semaphore, #tpu.memory_space<semaphore_mem>>)
      %dma_wait3A = arith.constant 0 : i32
      %dma_wait3A_14 = tpu.memref_slice %arg5[%arg0, %mul3A_2, %dma_wait3A] : memref<2x10240x8xf32, #tpu.memory_space<hbm>> -> memref<1x640x8xf32, #tpu.memory_space<hbm>>
      %dma_wait3A_15 = tpu.memref_squeeze %dma_wait3A_14 : memref<1x640x8xf32, #tpu.memory_space<hbm>> -> memref<640x8xf32, #tpu.memory_space<hbm>>
      %dma_wait3A_16 = arith.constant 0 : i32
      %dma_wait3A_17 = tpu.memref_slice %arg5[%arg0, %mul3A_2, %dma_wait3A_16] : memref<2x10240x8xf32, #tpu.memory_space<hbm>> -> memref<1x640x8xf32, #tpu.memory_space<hbm>>
      %dma_wait3A_18 = tpu.memref_squeeze %dma_wait3A_17 : memref<1x640x8xf32, #tpu.memory_space<hbm>> -> memref<640x8xf32, #tpu.memory_space<hbm>>
      tpu.wait_dma2 semaphore(%run_scoped3A : memref<!tpu.dma_semaphore, #tpu.memory_space<semaphore_mem>>) src(%arg8 : memref<640x8xf32, #tpu.memory_space<vmem>>) dst(%dma_wait3A_18 : memref<640x8xf32, #tpu.memory_space<hbm>>)
      tpu.yield
    }) : () -> ()
    return
  }
}

#map = affine_map<(d0, d1) -> (0, 0)>
#map1 = affine_map<(d0, d1) -> (0, 0, 0, 0)>
module attributes {stable_mosaic.version = 14 : i64} {
  func.func @_gather2_kernel(%arg0: i32, %arg1: i32, %arg2: memref<10240x32xf32, #tpu.memory_space<hbm>>, %arg3: memref<2x16x84x128xi32, #tpu.memory_space<hbm>>, %arg4: memref<2x16x84x128xi32, #tpu.memory_space<hbm>>, %arg5: memref<655360x32xf32, #tpu.memory_space<hbm>>, %arg6: memref<84x128xi32, #tpu.memory_space<vmem>>, %arg7: memref<84x128xi32, #tpu.memory_space<vmem>>, %arg8: memref<128x32xf32, #tpu.memory_space<vmem>>, %arg9: memref<128x32xf32, #tpu.memory_space<vmem>>, %arg10: memref<640x32xf32, #tpu.memory_space<vmem>>, %arg11: memref<10240x32xf32, #tpu.memory_space<vmem_shared>>, %arg12: memref<!tpu.dma_semaphore, #tpu.memory_space<semaphore_mem>>, %arg13: memref<!tpu.dma_semaphore, #tpu.memory_space<semaphore_mem>>) attributes {dimension_semantics = [#tpu.dimension_semantics<core_parallel>, #tpu.dimension_semantics<subcore_parallel>], iteration_bounds = array<i64: 2, 16>, scalar_prefetch = 0 : i64, scratch_operands = 8 : i64, tpu.core_type = #tpu.core_type<sc_vector_subcore>, window_params = [{transform_indices = #map}, {transform_indices = #map1}, {transform_indices = #map1}, {transform_indices = #map}]} {
    %mul3A = arith.constant 640 : i32
    %mul3A_0 = arith.muli %arg1, %mul3A : i32
    %eq3A = arith.constant 0 : i32
    %eq3A_1 = arith.cmpi eq, %arg0, %eq3A : i32
    %jit3A = arith.constant 84 : i32
    %jit3A_2 = arith.constant 76 : i32
    %select_n3A = arith.select %eq3A_1, %jit3A, %jit3A_2 : i32
    %eq3A_3 = arith.constant 0 : i32
    %eq3A_4 = arith.cmpi eq, %arg0, %eq3A_3 : i32
    %mul3A_5 = arith.constant 84 : i32
    %mul3A_6 = arith.muli %arg1, %mul3A_5 : i32
    %mul3A_7 = arith.constant 76 : i32
    %mul3A_8 = arith.muli %arg1, %mul3A_7 : i32
    %add3A = arith.constant 1344 : i32
    %add3A_9 = arith.addi %add3A, %mul3A_8 : i32
    %select_n3A_10 = arith.select %eq3A_4, %mul3A_6, %add3A_9 : i32
    "tpu.region"() ({
      %run_scoped3A = tpu.sem_alloc : memref<!tpu.dma_semaphore, #tpu.memory_space<semaphore_mem>>
      %dma_start3A_26 = arith.constant 0 : i32
      %dma_start3A_27 = tpu.memref_slice %arg2[%mul3A_0, %dma_start3A_26] : memref<10240x32xf32, #tpu.memory_space<hbm>> -> memref<640x32xf32, #tpu.memory_space<hbm>>
      %dma_start3A_28 = arith.constant 0 : i32
      %dma_start3A_29 = tpu.memref_slice %arg2[%mul3A_0, %dma_start3A_28] : memref<10240x32xf32, #tpu.memory_space<hbm>> -> memref<640x32xf32, #tpu.memory_space<hbm>>
      tpu.enqueue_dma source(%dma_start3A_29 : memref<640x32xf32, #tpu.memory_space<hbm>>) target(%arg10 : memref<640x32xf32, #tpu.memory_space<vmem>>) target_semaphore(%run_scoped3A : memref<!tpu.dma_semaphore, #tpu.memory_space<semaphore_mem>>)
      %dma_wait3A = arith.constant 0 : i32
      %dma_wait3A_30 = tpu.memref_slice %arg2[%mul3A_0, %dma_wait3A] : memref<10240x32xf32, #tpu.memory_space<hbm>> -> memref<640x32xf32, #tpu.memory_space<hbm>>
      %dma_wait3A_31 = arith.constant 0 : i32
      %dma_wait3A_32 = tpu.memref_slice %arg2[%mul3A_0, %dma_wait3A_31] : memref<10240x32xf32, #tpu.memory_space<hbm>> -> memref<640x32xf32, #tpu.memory_space<hbm>>
      tpu.wait_dma2 semaphore(%run_scoped3A : memref<!tpu.dma_semaphore, #tpu.memory_space<semaphore_mem>>) src(%dma_wait3A_32 : memref<640x32xf32, #tpu.memory_space<hbm>>) dst(%arg10 : memref<640x32xf32, #tpu.memory_space<vmem>>)
      tpu.yield
    }) : () -> ()
    "tpu.region"() ({
      %run_scoped3A = tpu.sem_alloc : memref<!tpu.dma_semaphore, #tpu.memory_space<semaphore_mem>>
      %dma_start3A_26 = arith.constant 0 : i32
      %dma_start3A_27 = tpu.memref_slice %arg11[%mul3A_0, %dma_start3A_26] : memref<10240x32xf32, #tpu.memory_space<vmem_shared>> -> memref<640x32xf32, #tpu.memory_space<vmem_shared>>
      %dma_start3A_28 = arith.constant 0 : i32
      %dma_start3A_29 = tpu.memref_slice %arg11[%mul3A_0, %dma_start3A_28] : memref<10240x32xf32, #tpu.memory_space<vmem_shared>> -> memref<640x32xf32, #tpu.memory_space<vmem_shared>>
      tpu.enqueue_dma source(%arg10 : memref<640x32xf32, #tpu.memory_space<vmem>>) target(%dma_start3A_29 : memref<640x32xf32, #tpu.memory_space<vmem_shared>>) target_semaphore(%run_scoped3A : memref<!tpu.dma_semaphore, #tpu.memory_space<semaphore_mem>>)
      %dma_wait3A = arith.constant 0 : i32
      %dma_wait3A_30 = tpu.memref_slice %arg11[%mul3A_0, %dma_wait3A] : memref<10240x32xf32, #tpu.memory_space<vmem_shared>> -> memref<640x32xf32, #tpu.memory_space<vmem_shared>>
      %dma_wait3A_31 = arith.constant 0 : i32
      %dma_wait3A_32 = tpu.memref_slice %arg11[%mul3A_0, %dma_wait3A_31] : memref<10240x32xf32, #tpu.memory_space<vmem_shared>> -> memref<640x32xf32, #tpu.memory_space<vmem_shared>>
      tpu.wait_dma2 semaphore(%run_scoped3A : memref<!tpu.dma_semaphore, #tpu.memory_space<semaphore_mem>>) src(%arg10 : memref<640x32xf32, #tpu.memory_space<vmem>>) dst(%dma_wait3A_32 : memref<640x32xf32, #tpu.memory_space<vmem_shared>>)
      tpu.yield
    }) : () -> ()
    "tpu.region"() ({
      %run_scoped3A = tpu.sem_alloc : memref<!tpu.dma_semaphore, #tpu.memory_space<semaphore_mem>>
      %dma_start3A_26 = arith.constant 0 : i32
      %dma_start3A_27 = arith.constant 0 : i32
      %dma_start3A_28 = tpu.memref_slice %arg3[%arg0, %arg1, %dma_start3A_26, %dma_start3A_27] : memref<2x16x84x128xi32, #tpu.memory_space<hbm>> -> memref<1x1x84x128xi32, #tpu.memory_space<hbm>>
      %dma_start3A_29 = tpu.memref_squeeze %dma_start3A_28 : memref<1x1x84x128xi32, #tpu.memory_space<hbm>> -> memref<84x128xi32, #tpu.memory_space<hbm>>
      %dma_start3A_30 = arith.constant 0 : i32
      %dma_start3A_31 = arith.constant 0 : i32
      %dma_start3A_32 = tpu.memref_slice %arg3[%arg0, %arg1, %dma_start3A_30, %dma_start3A_31] : memref<2x16x84x128xi32, #tpu.memory_space<hbm>> -> memref<1x1x84x128xi32, #tpu.memory_space<hbm>>
      %dma_start3A_33 = tpu.memref_squeeze %dma_start3A_32 : memref<1x1x84x128xi32, #tpu.memory_space<hbm>> -> memref<84x128xi32, #tpu.memory_space<hbm>>
      tpu.enqueue_dma source(%dma_start3A_33 : memref<84x128xi32, #tpu.memory_space<hbm>>) target(%arg6 : memref<84x128xi32, #tpu.memory_space<vmem>>) target_semaphore(%run_scoped3A : memref<!tpu.dma_semaphore, #tpu.memory_space<semaphore_mem>>)
      %dma_wait3A = arith.constant 0 : i32
      %dma_wait3A_34 = arith.constant 0 : i32
      %dma_wait3A_35 = tpu.memref_slice %arg3[%arg0, %arg1, %dma_wait3A, %dma_wait3A_34] : memref<2x16x84x128xi32, #tpu.memory_space<hbm>> -> memref<1x1x84x128xi32, #tpu.memory_space<hbm>>
      %dma_wait3A_36 = tpu.memref_squeeze %dma_wait3A_35 : memref<1x1x84x128xi32, #tpu.memory_space<hbm>> -> memref<84x128xi32, #tpu.memory_space<hbm>>
      %dma_wait3A_37 = arith.constant 0 : i32
      %dma_wait3A_38 = arith.constant 0 : i32
      %dma_wait3A_39 = tpu.memref_slice %arg3[%arg0, %arg1, %dma_wait3A_37, %dma_wait3A_38] : memref<2x16x84x128xi32, #tpu.memory_space<hbm>> -> memref<1x1x84x128xi32, #tpu.memory_space<hbm>>
      %dma_wait3A_40 = tpu.memref_squeeze %dma_wait3A_39 : memref<1x1x84x128xi32, #tpu.memory_space<hbm>> -> memref<84x128xi32, #tpu.memory_space<hbm>>
      tpu.wait_dma2 semaphore(%run_scoped3A : memref<!tpu.dma_semaphore, #tpu.memory_space<semaphore_mem>>) src(%dma_wait3A_40 : memref<84x128xi32, #tpu.memory_space<hbm>>) dst(%arg6 : memref<84x128xi32, #tpu.memory_space<vmem>>)
      tpu.yield
    }) : () -> ()
    "tpu.region"() ({
      %run_scoped3A = tpu.sem_alloc : memref<!tpu.dma_semaphore, #tpu.memory_space<semaphore_mem>>
      %dma_start3A_26 = arith.constant 0 : i32
      %dma_start3A_27 = arith.constant 0 : i32
      %dma_start3A_28 = tpu.memref_slice %arg4[%arg0, %arg1, %dma_start3A_26, %dma_start3A_27] : memref<2x16x84x128xi32, #tpu.memory_space<hbm>> -> memref<1x1x84x128xi32, #tpu.memory_space<hbm>>
      %dma_start3A_29 = tpu.memref_squeeze %dma_start3A_28 : memref<1x1x84x128xi32, #tpu.memory_space<hbm>> -> memref<84x128xi32, #tpu.memory_space<hbm>>
      %dma_start3A_30 = arith.constant 0 : i32
      %dma_start3A_31 = arith.constant 0 : i32
      %dma_start3A_32 = tpu.memref_slice %arg4[%arg0, %arg1, %dma_start3A_30, %dma_start3A_31] : memref<2x16x84x128xi32, #tpu.memory_space<hbm>> -> memref<1x1x84x128xi32, #tpu.memory_space<hbm>>
      %dma_start3A_33 = tpu.memref_squeeze %dma_start3A_32 : memref<1x1x84x128xi32, #tpu.memory_space<hbm>> -> memref<84x128xi32, #tpu.memory_space<hbm>>
      tpu.enqueue_dma source(%dma_start3A_33 : memref<84x128xi32, #tpu.memory_space<hbm>>) target(%arg7 : memref<84x128xi32, #tpu.memory_space<vmem>>) target_semaphore(%run_scoped3A : memref<!tpu.dma_semaphore, #tpu.memory_space<semaphore_mem>>)
      %dma_wait3A = arith.constant 0 : i32
      %dma_wait3A_34 = arith.constant 0 : i32
      %dma_wait3A_35 = tpu.memref_slice %arg4[%arg0, %arg1, %dma_wait3A, %dma_wait3A_34] : memref<2x16x84x128xi32, #tpu.memory_space<hbm>> -> memref<1x1x84x128xi32, #tpu.memory_space<hbm>>
      %dma_wait3A_36 = tpu.memref_squeeze %dma_wait3A_35 : memref<1x1x84x128xi32, #tpu.memory_space<hbm>> -> memref<84x128xi32, #tpu.memory_space<hbm>>
      %dma_wait3A_37 = arith.constant 0 : i32
      %dma_wait3A_38 = arith.constant 0 : i32
      %dma_wait3A_39 = tpu.memref_slice %arg4[%arg0, %arg1, %dma_wait3A_37, %dma_wait3A_38] : memref<2x16x84x128xi32, #tpu.memory_space<hbm>> -> memref<1x1x84x128xi32, #tpu.memory_space<hbm>>
      %dma_wait3A_40 = tpu.memref_squeeze %dma_wait3A_39 : memref<1x1x84x128xi32, #tpu.memory_space<hbm>> -> memref<84x128xi32, #tpu.memory_space<hbm>>
      tpu.wait_dma2 semaphore(%run_scoped3A : memref<!tpu.dma_semaphore, #tpu.memory_space<semaphore_mem>>) src(%dma_wait3A_40 : memref<84x128xi32, #tpu.memory_space<hbm>>) dst(%arg7 : memref<84x128xi32, #tpu.memory_space<vmem>>)
      tpu.yield
    }) : () -> ()
    %barrier3A = arith.constant 0 : index
    tpu.barrier barrier_id(%barrier3A)
    %dma_start3A = arith.constant 0 : i32
    %dma_start3A_11 = arith.constant 0 : i32
    %dma_start3A_12 = tpu.memref_slice %arg6[%dma_start3A, %dma_start3A_11] : memref<84x128xi32, #tpu.memory_space<vmem>> -> memref<1x128xi32, #tpu.memory_space<vmem>>
    %dma_start3A_13 = tpu.memref_squeeze %dma_start3A_12 : memref<1x128xi32, #tpu.memory_space<vmem>> -> memref<128xi32, #tpu.memory_space<vmem>>
    %dma_start3A_14 = arith.constant 0 : i32
    %dma_start3A_15 = arith.constant 0 : i32
    %dma_start3A_16 = tpu.memref_slice %arg11[%dma_start3A_14, %dma_start3A_15] : memref<10240x32xf32, #tpu.memory_space<vmem_shared>> -> memref<10240x32xf32, #tpu.memory_space<vmem_shared>>
    tpu.enqueue_indirect_dma source(%dma_start3A_16 : memref<10240x32xf32, #tpu.memory_space<vmem_shared>>) target(%arg8 : memref<128x32xf32, #tpu.memory_space<vmem>>) offsets(%dma_start3A_13 : memref<128xi32, #tpu.memory_space<vmem>>) semaphore(%arg12 : memref<!tpu.dma_semaphore, #tpu.memory_space<semaphore_mem>>)
    %while3A = arith.constant 0 : i32
    %while3A_17 = arith.constant 0 : i32
    %while3A_18 = arith.subi %select_n3A, %while3A_17 : i32
    %while3A_19 = arith.addi %while3A_17, %while3A_18 : i32
    %while3A_20 = arith.constant 1 : i32
    %while3A_21 = arith.divsi %while3A_18, %while3A_20 : i32
    %while3A_22 = arith.muli %while3A_21, %while3A_20 : i32
    %while3A_23 = arith.addi %while3A_17, %while3A_22 : i32
    %while3A_24 = arith.constant 1 : i32
    scf.for %while3A_26 = %while3A_17 to %while3A_23 step %while3A_24  : i32 {
      %add3A_27 = arith.addi %select_n3A_10, %while3A_26 : i32
      %dma_wait3A = arith.constant 0 : i32
      %dma_wait3A_28 = tpu.memref_slice %arg6[%while3A_26, %dma_wait3A] : memref<84x128xi32, #tpu.memory_space<vmem>> -> memref<1x128xi32, #tpu.memory_space<vmem>>
      %dma_wait3A_29 = tpu.memref_squeeze %dma_wait3A_28 : memref<1x128xi32, #tpu.memory_space<vmem>> -> memref<128xi32, #tpu.memory_space<vmem>>
      %dma_wait3A_30 = arith.constant 0 : i32
      %dma_wait3A_31 = arith.constant 0 : i32
      %dma_wait3A_32 = tpu.memref_slice %arg11[%dma_wait3A_30, %dma_wait3A_31] : memref<10240x32xf32, #tpu.memory_space<vmem_shared>> -> memref<10240x32xf32, #tpu.memory_space<vmem_shared>>
      tpu.wait_indirect_dma semaphore(%arg12 : memref<!tpu.dma_semaphore, #tpu.memory_space<semaphore_mem>>) src(%dma_wait3A_32 : memref<10240x32xf32, #tpu.memory_space<vmem_shared>>) dst(%arg8 : memref<128x32xf32, #tpu.memory_space<vmem>>)
      %dma_start3A_33 = arith.constant 0 : i32
      %dma_start3A_34 = tpu.memref_slice %arg7[%while3A_26, %dma_start3A_33] : memref<84x128xi32, #tpu.memory_space<vmem>> -> memref<1x128xi32, #tpu.memory_space<vmem>>
      %dma_start3A_35 = tpu.memref_squeeze %dma_start3A_34 : memref<1x128xi32, #tpu.memory_space<vmem>> -> memref<128xi32, #tpu.memory_space<vmem>>
      %dma_start3A_36 = arith.constant 0 : i32
      %dma_start3A_37 = arith.constant 0 : i32
      %dma_start3A_38 = tpu.memref_slice %arg11[%dma_start3A_36, %dma_start3A_37] : memref<10240x32xf32, #tpu.memory_space<vmem_shared>> -> memref<10240x32xf32, #tpu.memory_space<vmem_shared>>
      tpu.enqueue_indirect_dma source(%dma_start3A_38 : memref<10240x32xf32, #tpu.memory_space<vmem_shared>>) target(%arg9 : memref<128x32xf32, #tpu.memory_space<vmem>>) offsets(%dma_start3A_35 : memref<128xi32, #tpu.memory_space<vmem>>) semaphore(%arg13 : memref<!tpu.dma_semaphore, #tpu.memory_space<semaphore_mem>>)
      %mul3A_39 = arith.constant 256 : i32
      %mul3A_40 = arith.muli %add3A_27, %mul3A_39 : i32
      "tpu.region"() ({
        %run_scoped3A = tpu.sem_alloc : memref<!tpu.dma_semaphore, #tpu.memory_space<semaphore_mem>>
        %dma_start3A_54 = arith.constant 0 : i32
        %dma_start3A_55 = tpu.memref_slice %arg5[%mul3A_40, %dma_start3A_54] : memref<655360x32xf32, #tpu.memory_space<hbm>> -> memref<128x32xf32, #tpu.memory_space<hbm>>
        %dma_start3A_56 = arith.constant 0 : i32
        %dma_start3A_57 = tpu.memref_slice %arg5[%mul3A_40, %dma_start3A_56] : memref<655360x32xf32, #tpu.memory_space<hbm>> -> memref<128x32xf32, #tpu.memory_space<hbm>>
        tpu.enqueue_dma source(%arg8 : memref<128x32xf32, #tpu.memory_space<vmem>>) target(%dma_start3A_57 : memref<128x32xf32, #tpu.memory_space<hbm>>) target_semaphore(%run_scoped3A : memref<!tpu.dma_semaphore, #tpu.memory_space<semaphore_mem>>)
        %dma_wait3A_58 = arith.constant 0 : i32
        %dma_wait3A_59 = tpu.memref_slice %arg5[%mul3A_40, %dma_wait3A_58] : memref<655360x32xf32, #tpu.memory_space<hbm>> -> memref<128x32xf32, #tpu.memory_space<hbm>>
        %dma_wait3A_60 = arith.constant 0 : i32
        %dma_wait3A_61 = tpu.memref_slice %arg5[%mul3A_40, %dma_wait3A_60] : memref<655360x32xf32, #tpu.memory_space<hbm>> -> memref<128x32xf32, #tpu.memory_space<hbm>>
        tpu.wait_dma2 semaphore(%run_scoped3A : memref<!tpu.dma_semaphore, #tpu.memory_space<semaphore_mem>>) src(%arg8 : memref<128x32xf32, #tpu.memory_space<vmem>>) dst(%dma_wait3A_61 : memref<128x32xf32, #tpu.memory_space<hbm>>)
        tpu.yield
      }) : () -> ()
      %dma_wait3A_41 = arith.constant 0 : i32
      %dma_wait3A_42 = tpu.memref_slice %arg7[%while3A_26, %dma_wait3A_41] : memref<84x128xi32, #tpu.memory_space<vmem>> -> memref<1x128xi32, #tpu.memory_space<vmem>>
      %dma_wait3A_43 = tpu.memref_squeeze %dma_wait3A_42 : memref<1x128xi32, #tpu.memory_space<vmem>> -> memref<128xi32, #tpu.memory_space<vmem>>
      %dma_wait3A_44 = arith.constant 0 : i32
      %dma_wait3A_45 = arith.constant 0 : i32
      %dma_wait3A_46 = tpu.memref_slice %arg11[%dma_wait3A_44, %dma_wait3A_45] : memref<10240x32xf32, #tpu.memory_space<vmem_shared>> -> memref<10240x32xf32, #tpu.memory_space<vmem_shared>>
      tpu.wait_indirect_dma semaphore(%arg13 : memref<!tpu.dma_semaphore, #tpu.memory_space<semaphore_mem>>) src(%dma_wait3A_46 : memref<10240x32xf32, #tpu.memory_space<vmem_shared>>) dst(%arg9 : memref<128x32xf32, #tpu.memory_space<vmem>>)
      %add3A_47 = arith.constant 1 : i32
      %add3A_48 = arith.addi %while3A_26, %add3A_47 : i32
      %lt3A = arith.cmpi slt, %add3A_48, %select_n3A : i32
      %convert_element_type3A = arith.extui %lt3A : i1 to i32
      %cond3A = arith.constant 0 : i32
      %cond3A_49 = arith.cmpi ne, %convert_element_type3A, %cond3A : i32
      scf.if %cond3A_49 {
        %add3A_54 = arith.constant 1 : i32
        %add3A_55 = arith.addi %while3A_26, %add3A_54 : i32
        %dma_start3A_56 = arith.constant 0 : i32
        %dma_start3A_57 = tpu.memref_slice %arg6[%add3A_55, %dma_start3A_56] : memref<84x128xi32, #tpu.memory_space<vmem>> -> memref<1x128xi32, #tpu.memory_space<vmem>>
        %dma_start3A_58 = tpu.memref_squeeze %dma_start3A_57 : memref<1x128xi32, #tpu.memory_space<vmem>> -> memref<128xi32, #tpu.memory_space<vmem>>
        %dma_start3A_59 = arith.constant 0 : i32
        %dma_start3A_60 = arith.constant 0 : i32
        %dma_start3A_61 = tpu.memref_slice %arg11[%dma_start3A_59, %dma_start3A_60] : memref<10240x32xf32, #tpu.memory_space<vmem_shared>> -> memref<10240x32xf32, #tpu.memory_space<vmem_shared>>
        tpu.enqueue_indirect_dma source(%dma_start3A_61 : memref<10240x32xf32, #tpu.memory_space<vmem_shared>>) target(%arg8 : memref<128x32xf32, #tpu.memory_space<vmem>>) offsets(%dma_start3A_58 : memref<128xi32, #tpu.memory_space<vmem>>) semaphore(%arg12 : memref<!tpu.dma_semaphore, #tpu.memory_space<semaphore_mem>>)
      } else {
      }
      %mul3A_50 = arith.constant 256 : i32
      %mul3A_51 = arith.muli %add3A_27, %mul3A_50 : i32
      %add3A_52 = arith.constant 128 : i32
      %add3A_53 = arith.addi %mul3A_51, %add3A_52 : i32
      "tpu.region"() ({
        %run_scoped3A = tpu.sem_alloc : memref<!tpu.dma_semaphore, #tpu.memory_space<semaphore_mem>>
        %dma_start3A_54 = arith.constant 0 : i32
        %dma_start3A_55 = tpu.memref_slice %arg5[%add3A_53, %dma_start3A_54] : memref<655360x32xf32, #tpu.memory_space<hbm>> -> memref<128x32xf32, #tpu.memory_space<hbm>>
        %dma_start3A_56 = arith.constant 0 : i32
        %dma_start3A_57 = tpu.memref_slice %arg5[%add3A_53, %dma_start3A_56] : memref<655360x32xf32, #tpu.memory_space<hbm>> -> memref<128x32xf32, #tpu.memory_space<hbm>>
        tpu.enqueue_dma source(%arg9 : memref<128x32xf32, #tpu.memory_space<vmem>>) target(%dma_start3A_57 : memref<128x32xf32, #tpu.memory_space<hbm>>) target_semaphore(%run_scoped3A : memref<!tpu.dma_semaphore, #tpu.memory_space<semaphore_mem>>)
        %dma_wait3A_58 = arith.constant 0 : i32
        %dma_wait3A_59 = tpu.memref_slice %arg5[%add3A_53, %dma_wait3A_58] : memref<655360x32xf32, #tpu.memory_space<hbm>> -> memref<128x32xf32, #tpu.memory_space<hbm>>
        %dma_wait3A_60 = arith.constant 0 : i32
        %dma_wait3A_61 = tpu.memref_slice %arg5[%add3A_53, %dma_wait3A_60] : memref<655360x32xf32, #tpu.memory_space<hbm>> -> memref<128x32xf32, #tpu.memory_space<hbm>>
        tpu.wait_dma2 semaphore(%run_scoped3A : memref<!tpu.dma_semaphore, #tpu.memory_space<semaphore_mem>>) src(%arg9 : memref<128x32xf32, #tpu.memory_space<vmem>>) dst(%dma_wait3A_61 : memref<128x32xf32, #tpu.memory_space<hbm>>)
        tpu.yield
      }) : () -> ()
    }
    %while3A_25 = arith.constant 1 : i32
    scf.for %while3A_26 = %while3A_23 to %while3A_19 step %while3A_25  : i32 {
      %add3A_27 = arith.addi %select_n3A_10, %while3A_26 : i32
      %dma_wait3A = arith.constant 0 : i32
      %dma_wait3A_28 = tpu.memref_slice %arg6[%while3A_26, %dma_wait3A] : memref<84x128xi32, #tpu.memory_space<vmem>> -> memref<1x128xi32, #tpu.memory_space<vmem>>
      %dma_wait3A_29 = tpu.memref_squeeze %dma_wait3A_28 : memref<1x128xi32, #tpu.memory_space<vmem>> -> memref<128xi32, #tpu.memory_space<vmem>>
      %dma_wait3A_30 = arith.constant 0 : i32
      %dma_wait3A_31 = arith.constant 0 : i32
      %dma_wait3A_32 = tpu.memref_slice %arg11[%dma_wait3A_30, %dma_wait3A_31] : memref<10240x32xf32, #tpu.memory_space<vmem_shared>> -> memref<10240x32xf32, #tpu.memory_space<vmem_shared>>
      tpu.wait_indirect_dma semaphore(%arg12 : memref<!tpu.dma_semaphore, #tpu.memory_space<semaphore_mem>>) src(%dma_wait3A_32 : memref<10240x32xf32, #tpu.memory_space<vmem_shared>>) dst(%arg8 : memref<128x32xf32, #tpu.memory_space<vmem>>)
      %dma_start3A_33 = arith.constant 0 : i32
      %dma_start3A_34 = tpu.memref_slice %arg7[%while3A_26, %dma_start3A_33] : memref<84x128xi32, #tpu.memory_space<vmem>> -> memref<1x128xi32, #tpu.memory_space<vmem>>
      %dma_start3A_35 = tpu.memref_squeeze %dma_start3A_34 : memref<1x128xi32, #tpu.memory_space<vmem>> -> memref<128xi32, #tpu.memory_space<vmem>>
      %dma_start3A_36 = arith.constant 0 : i32
      %dma_start3A_37 = arith.constant 0 : i32
      %dma_start3A_38 = tpu.memref_slice %arg11[%dma_start3A_36, %dma_start3A_37] : memref<10240x32xf32, #tpu.memory_space<vmem_shared>> -> memref<10240x32xf32, #tpu.memory_space<vmem_shared>>
      tpu.enqueue_indirect_dma source(%dma_start3A_38 : memref<10240x32xf32, #tpu.memory_space<vmem_shared>>) target(%arg9 : memref<128x32xf32, #tpu.memory_space<vmem>>) offsets(%dma_start3A_35 : memref<128xi32, #tpu.memory_space<vmem>>) semaphore(%arg13 : memref<!tpu.dma_semaphore, #tpu.memory_space<semaphore_mem>>)
      %mul3A_39 = arith.constant 256 : i32
      %mul3A_40 = arith.muli %add3A_27, %mul3A_39 : i32
      "tpu.region"() ({
        %run_scoped3A = tpu.sem_alloc : memref<!tpu.dma_semaphore, #tpu.memory_space<semaphore_mem>>
        %dma_start3A_54 = arith.constant 0 : i32
        %dma_start3A_55 = tpu.memref_slice %arg5[%mul3A_40, %dma_start3A_54] : memref<655360x32xf32, #tpu.memory_space<hbm>> -> memref<128x32xf32, #tpu.memory_space<hbm>>
        %dma_start3A_56 = arith.constant 0 : i32
        %dma_start3A_57 = tpu.memref_slice %arg5[%mul3A_40, %dma_start3A_56] : memref<655360x32xf32, #tpu.memory_space<hbm>> -> memref<128x32xf32, #tpu.memory_space<hbm>>
        tpu.enqueue_dma source(%arg8 : memref<128x32xf32, #tpu.memory_space<vmem>>) target(%dma_start3A_57 : memref<128x32xf32, #tpu.memory_space<hbm>>) target_semaphore(%run_scoped3A : memref<!tpu.dma_semaphore, #tpu.memory_space<semaphore_mem>>)
        %dma_wait3A_58 = arith.constant 0 : i32
        %dma_wait3A_59 = tpu.memref_slice %arg5[%mul3A_40, %dma_wait3A_58] : memref<655360x32xf32, #tpu.memory_space<hbm>> -> memref<128x32xf32, #tpu.memory_space<hbm>>
        %dma_wait3A_60 = arith.constant 0 : i32
        %dma_wait3A_61 = tpu.memref_slice %arg5[%mul3A_40, %dma_wait3A_60] : memref<655360x32xf32, #tpu.memory_space<hbm>> -> memref<128x32xf32, #tpu.memory_space<hbm>>
        tpu.wait_dma2 semaphore(%run_scoped3A : memref<!tpu.dma_semaphore, #tpu.memory_space<semaphore_mem>>) src(%arg8 : memref<128x32xf32, #tpu.memory_space<vmem>>) dst(%dma_wait3A_61 : memref<128x32xf32, #tpu.memory_space<hbm>>)
        tpu.yield
      }) : () -> ()
      %dma_wait3A_41 = arith.constant 0 : i32
      %dma_wait3A_42 = tpu.memref_slice %arg7[%while3A_26, %dma_wait3A_41] : memref<84x128xi32, #tpu.memory_space<vmem>> -> memref<1x128xi32, #tpu.memory_space<vmem>>
      %dma_wait3A_43 = tpu.memref_squeeze %dma_wait3A_42 : memref<1x128xi32, #tpu.memory_space<vmem>> -> memref<128xi32, #tpu.memory_space<vmem>>
      %dma_wait3A_44 = arith.constant 0 : i32
      %dma_wait3A_45 = arith.constant 0 : i32
      %dma_wait3A_46 = tpu.memref_slice %arg11[%dma_wait3A_44, %dma_wait3A_45] : memref<10240x32xf32, #tpu.memory_space<vmem_shared>> -> memref<10240x32xf32, #tpu.memory_space<vmem_shared>>
      tpu.wait_indirect_dma semaphore(%arg13 : memref<!tpu.dma_semaphore, #tpu.memory_space<semaphore_mem>>) src(%dma_wait3A_46 : memref<10240x32xf32, #tpu.memory_space<vmem_shared>>) dst(%arg9 : memref<128x32xf32, #tpu.memory_space<vmem>>)
      %add3A_47 = arith.constant 1 : i32
      %add3A_48 = arith.addi %while3A_26, %add3A_47 : i32
      %lt3A = arith.cmpi slt, %add3A_48, %select_n3A : i32
      %convert_element_type3A = arith.extui %lt3A : i1 to i32
      %cond3A = arith.constant 0 : i32
      %cond3A_49 = arith.cmpi ne, %convert_element_type3A, %cond3A : i32
      scf.if %cond3A_49 {
        %add3A_54 = arith.constant 1 : i32
        %add3A_55 = arith.addi %while3A_26, %add3A_54 : i32
        %dma_start3A_56 = arith.constant 0 : i32
        %dma_start3A_57 = tpu.memref_slice %arg6[%add3A_55, %dma_start3A_56] : memref<84x128xi32, #tpu.memory_space<vmem>> -> memref<1x128xi32, #tpu.memory_space<vmem>>
        %dma_start3A_58 = tpu.memref_squeeze %dma_start3A_57 : memref<1x128xi32, #tpu.memory_space<vmem>> -> memref<128xi32, #tpu.memory_space<vmem>>
        %dma_start3A_59 = arith.constant 0 : i32
        %dma_start3A_60 = arith.constant 0 : i32
        %dma_start3A_61 = tpu.memref_slice %arg11[%dma_start3A_59, %dma_start3A_60] : memref<10240x32xf32, #tpu.memory_space<vmem_shared>> -> memref<10240x32xf32, #tpu.memory_space<vmem_shared>>
        tpu.enqueue_indirect_dma source(%dma_start3A_61 : memref<10240x32xf32, #tpu.memory_space<vmem_shared>>) target(%arg8 : memref<128x32xf32, #tpu.memory_space<vmem>>) offsets(%dma_start3A_58 : memref<128xi32, #tpu.memory_space<vmem>>) semaphore(%arg12 : memref<!tpu.dma_semaphore, #tpu.memory_space<semaphore_mem>>)
      } else {
      }
      %mul3A_50 = arith.constant 256 : i32
      %mul3A_51 = arith.muli %add3A_27, %mul3A_50 : i32
      %add3A_52 = arith.constant 128 : i32
      %add3A_53 = arith.addi %mul3A_51, %add3A_52 : i32
      "tpu.region"() ({
        %run_scoped3A = tpu.sem_alloc : memref<!tpu.dma_semaphore, #tpu.memory_space<semaphore_mem>>
        %dma_start3A_54 = arith.constant 0 : i32
        %dma_start3A_55 = tpu.memref_slice %arg5[%add3A_53, %dma_start3A_54] : memref<655360x32xf32, #tpu.memory_space<hbm>> -> memref<128x32xf32, #tpu.memory_space<hbm>>
        %dma_start3A_56 = arith.constant 0 : i32
        %dma_start3A_57 = tpu.memref_slice %arg5[%add3A_53, %dma_start3A_56] : memref<655360x32xf32, #tpu.memory_space<hbm>> -> memref<128x32xf32, #tpu.memory_space<hbm>>
        tpu.enqueue_dma source(%arg9 : memref<128x32xf32, #tpu.memory_space<vmem>>) target(%dma_start3A_57 : memref<128x32xf32, #tpu.memory_space<hbm>>) target_semaphore(%run_scoped3A : memref<!tpu.dma_semaphore, #tpu.memory_space<semaphore_mem>>)
        %dma_wait3A_58 = arith.constant 0 : i32
        %dma_wait3A_59 = tpu.memref_slice %arg5[%add3A_53, %dma_wait3A_58] : memref<655360x32xf32, #tpu.memory_space<hbm>> -> memref<128x32xf32, #tpu.memory_space<hbm>>
        %dma_wait3A_60 = arith.constant 0 : i32
        %dma_wait3A_61 = tpu.memref_slice %arg5[%add3A_53, %dma_wait3A_60] : memref<655360x32xf32, #tpu.memory_space<hbm>> -> memref<128x32xf32, #tpu.memory_space<hbm>>
        tpu.wait_dma2 semaphore(%run_scoped3A : memref<!tpu.dma_semaphore, #tpu.memory_space<semaphore_mem>>) src(%arg9 : memref<128x32xf32, #tpu.memory_space<vmem>>) dst(%dma_wait3A_61 : memref<128x32xf32, #tpu.memory_space<hbm>>)
        tpu.yield
      }) : () -> ()
    }
    return
  }
}

#map = affine_map<(d0, d1) -> (0, 0)>
#map1 = affine_map<(d0, d1) -> (0, 0, 0, 0)>
#map2 = affine_map<(d0, d1) -> (0, 0, 0)>
module attributes {stable_mosaic.version = 14 : i64} {
  func.func @agg(%arg0: i32, %arg1: i32, %arg2: memref<10240x64xbf16, #tpu.memory_space<hbm>>, %arg3: memref<10240x64xbf16, #tpu.memory_space<hbm>>, %arg4: memref<2x16x88x128xi32, #tpu.memory_space<hbm>>, %arg5: memref<2x16x88x128xi32, #tpu.memory_space<hbm>>, %arg6: memref<2x10240x64xbf16, #tpu.memory_space<hbm>>, %arg7: memref<88x128xi32, #tpu.memory_space<vmem>>, %arg8: memref<88x128xi32, #tpu.memory_space<vmem>>, %arg9: memref<128x64xbf16, #tpu.memory_space<vmem>>, %arg10: memref<128x64xbf16, #tpu.memory_space<vmem>>, %arg11: memref<640x64xbf16, #tpu.memory_space<vmem>>, %arg12: memref<10240x64xbf16, #tpu.memory_space<vmem_shared>>, %arg13: memref<10240x64xbf16, #tpu.memory_space<vmem_shared>>, %arg14: memref<!tpu.dma_semaphore, #tpu.memory_space<semaphore_mem>>, %arg15: memref<!tpu.dma_semaphore, #tpu.memory_space<semaphore_mem>>) attributes {dimension_semantics = [#tpu.dimension_semantics<core_parallel>, #tpu.dimension_semantics<subcore_parallel>], iteration_bounds = array<i64: 2, 16>, scalar_prefetch = 0 : i64, scratch_operands = 9 : i64, tpu.core_type = #tpu.core_type<sc_vector_subcore>, window_params = [{transform_indices = #map}, {transform_indices = #map}, {transform_indices = #map1}, {transform_indices = #map1}, {transform_indices = #map2}]} {
    %mul3A = arith.constant 640 : i32
    %mul3A_0 = arith.muli %arg1, %mul3A : i32
    %eq3A = arith.constant 0 : i32
    %eq3A_1 = arith.cmpi eq, %arg0, %eq3A : i32
    %jit3A = arith.constant 88 : i32
    %jit3A_2 = arith.constant 72 : i32
    %select_n3A = arith.select %eq3A_1, %jit3A, %jit3A_2 : i32
    "tpu.region"() ({
      %run_scoped3A = tpu.sem_alloc : memref<!tpu.dma_semaphore, #tpu.memory_space<semaphore_mem>>
      %dma_start3A_37 = arith.constant 0 : i32
      %dma_start3A_38 = tpu.memref_slice %arg3[%mul3A_0, %dma_start3A_37] : memref<10240x64xbf16, #tpu.memory_space<hbm>> -> memref<640x64xbf16, #tpu.memory_space<hbm>>
      %dma_start3A_39 = arith.constant 0 : i32
      %dma_start3A_40 = tpu.memref_slice %arg3[%mul3A_0, %dma_start3A_39] : memref<10240x64xbf16, #tpu.memory_space<hbm>> -> memref<640x64xbf16, #tpu.memory_space<hbm>>
      tpu.enqueue_dma source(%dma_start3A_40 : memref<640x64xbf16, #tpu.memory_space<hbm>>) target(%arg11 : memref<640x64xbf16, #tpu.memory_space<vmem>>) target_semaphore(%run_scoped3A : memref<!tpu.dma_semaphore, #tpu.memory_space<semaphore_mem>>)
      %dma_wait3A = arith.constant 0 : i32
      %dma_wait3A_41 = tpu.memref_slice %arg3[%mul3A_0, %dma_wait3A] : memref<10240x64xbf16, #tpu.memory_space<hbm>> -> memref<640x64xbf16, #tpu.memory_space<hbm>>
      %dma_wait3A_42 = arith.constant 0 : i32
      %dma_wait3A_43 = tpu.memref_slice %arg3[%mul3A_0, %dma_wait3A_42] : memref<10240x64xbf16, #tpu.memory_space<hbm>> -> memref<640x64xbf16, #tpu.memory_space<hbm>>
      tpu.wait_dma2 semaphore(%run_scoped3A : memref<!tpu.dma_semaphore, #tpu.memory_space<semaphore_mem>>) src(%dma_wait3A_43 : memref<640x64xbf16, #tpu.memory_space<hbm>>) dst(%arg11 : memref<640x64xbf16, #tpu.memory_space<vmem>>)
      tpu.yield
    }) : () -> ()
    "tpu.region"() ({
      %run_scoped3A = tpu.sem_alloc : memref<!tpu.dma_semaphore, #tpu.memory_space<semaphore_mem>>
      %dma_start3A_37 = arith.constant 0 : i32
      %dma_start3A_38 = tpu.memref_slice %arg13[%mul3A_0, %dma_start3A_37] : memref<10240x64xbf16, #tpu.memory_space<vmem_shared>> -> memref<640x64xbf16, #tpu.memory_space<vmem_shared>>
      %dma_start3A_39 = arith.constant 0 : i32
      %dma_start3A_40 = tpu.memref_slice %arg13[%mul3A_0, %dma_start3A_39] : memref<10240x64xbf16, #tpu.memory_space<vmem_shared>> -> memref<640x64xbf16, #tpu.memory_space<vmem_shared>>
      tpu.enqueue_dma source(%arg11 : memref<640x64xbf16, #tpu.memory_space<vmem>>) target(%dma_start3A_40 : memref<640x64xbf16, #tpu.memory_space<vmem_shared>>) target_semaphore(%run_scoped3A : memref<!tpu.dma_semaphore, #tpu.memory_space<semaphore_mem>>)
      %dma_wait3A = arith.constant 0 : i32
      %dma_wait3A_41 = tpu.memref_slice %arg13[%mul3A_0, %dma_wait3A] : memref<10240x64xbf16, #tpu.memory_space<vmem_shared>> -> memref<640x64xbf16, #tpu.memory_space<vmem_shared>>
      %dma_wait3A_42 = arith.constant 0 : i32
      %dma_wait3A_43 = tpu.memref_slice %arg13[%mul3A_0, %dma_wait3A_42] : memref<10240x64xbf16, #tpu.memory_space<vmem_shared>> -> memref<640x64xbf16, #tpu.memory_space<vmem_shared>>
      tpu.wait_dma2 semaphore(%run_scoped3A : memref<!tpu.dma_semaphore, #tpu.memory_space<semaphore_mem>>) src(%arg11 : memref<640x64xbf16, #tpu.memory_space<vmem>>) dst(%dma_wait3A_43 : memref<640x64xbf16, #tpu.memory_space<vmem_shared>>)
      tpu.yield
    }) : () -> ()
    "tpu.region"() ({
      %run_scoped3A = tpu.sem_alloc : memref<!tpu.dma_semaphore, #tpu.memory_space<semaphore_mem>>
      %dma_start3A_37 = arith.constant 0 : i32
      %dma_start3A_38 = tpu.memref_slice %arg2[%mul3A_0, %dma_start3A_37] : memref<10240x64xbf16, #tpu.memory_space<hbm>> -> memref<640x64xbf16, #tpu.memory_space<hbm>>
      %dma_start3A_39 = arith.constant 0 : i32
      %dma_start3A_40 = tpu.memref_slice %arg2[%mul3A_0, %dma_start3A_39] : memref<10240x64xbf16, #tpu.memory_space<hbm>> -> memref<640x64xbf16, #tpu.memory_space<hbm>>
      tpu.enqueue_dma source(%dma_start3A_40 : memref<640x64xbf16, #tpu.memory_space<hbm>>) target(%arg11 : memref<640x64xbf16, #tpu.memory_space<vmem>>) target_semaphore(%run_scoped3A : memref<!tpu.dma_semaphore, #tpu.memory_space<semaphore_mem>>)
      %dma_wait3A = arith.constant 0 : i32
      %dma_wait3A_41 = tpu.memref_slice %arg2[%mul3A_0, %dma_wait3A] : memref<10240x64xbf16, #tpu.memory_space<hbm>> -> memref<640x64xbf16, #tpu.memory_space<hbm>>
      %dma_wait3A_42 = arith.constant 0 : i32
      %dma_wait3A_43 = tpu.memref_slice %arg2[%mul3A_0, %dma_wait3A_42] : memref<10240x64xbf16, #tpu.memory_space<hbm>> -> memref<640x64xbf16, #tpu.memory_space<hbm>>
      tpu.wait_dma2 semaphore(%run_scoped3A : memref<!tpu.dma_semaphore, #tpu.memory_space<semaphore_mem>>) src(%dma_wait3A_43 : memref<640x64xbf16, #tpu.memory_space<hbm>>) dst(%arg11 : memref<640x64xbf16, #tpu.memory_space<vmem>>)
      tpu.yield
    }) : () -> ()
    "tpu.region"() ({
      %run_scoped3A = tpu.sem_alloc : memref<!tpu.dma_semaphore, #tpu.memory_space<semaphore_mem>>
      %dma_start3A_37 = arith.constant 0 : i32
      %dma_start3A_38 = tpu.memref_slice %arg12[%mul3A_0, %dma_start3A_37] : memref<10240x64xbf16, #tpu.memory_space<vmem_shared>> -> memref<640x64xbf16, #tpu.memory_space<vmem_shared>>
      %dma_start3A_39 = arith.constant 0 : i32
      %dma_start3A_40 = tpu.memref_slice %arg12[%mul3A_0, %dma_start3A_39] : memref<10240x64xbf16, #tpu.memory_space<vmem_shared>> -> memref<640x64xbf16, #tpu.memory_space<vmem_shared>>
      tpu.enqueue_dma source(%arg11 : memref<640x64xbf16, #tpu.memory_space<vmem>>) target(%dma_start3A_40 : memref<640x64xbf16, #tpu.memory_space<vmem_shared>>) target_semaphore(%run_scoped3A : memref<!tpu.dma_semaphore, #tpu.memory_space<semaphore_mem>>)
      %dma_wait3A = arith.constant 0 : i32
      %dma_wait3A_41 = tpu.memref_slice %arg12[%mul3A_0, %dma_wait3A] : memref<10240x64xbf16, #tpu.memory_space<vmem_shared>> -> memref<640x64xbf16, #tpu.memory_space<vmem_shared>>
      %dma_wait3A_42 = arith.constant 0 : i32
      %dma_wait3A_43 = tpu.memref_slice %arg12[%mul3A_0, %dma_wait3A_42] : memref<10240x64xbf16, #tpu.memory_space<vmem_shared>> -> memref<640x64xbf16, #tpu.memory_space<vmem_shared>>
      tpu.wait_dma2 semaphore(%run_scoped3A : memref<!tpu.dma_semaphore, #tpu.memory_space<semaphore_mem>>) src(%arg11 : memref<640x64xbf16, #tpu.memory_space<vmem>>) dst(%dma_wait3A_43 : memref<640x64xbf16, #tpu.memory_space<vmem_shared>>)
      tpu.yield
    }) : () -> ()
    "tpu.region"() ({
      %run_scoped3A = tpu.sem_alloc : memref<!tpu.dma_semaphore, #tpu.memory_space<semaphore_mem>>
      %dma_start3A_37 = arith.constant 0 : i32
      %dma_start3A_38 = arith.constant 0 : i32
      %dma_start3A_39 = tpu.memref_slice %arg4[%arg0, %arg1, %dma_start3A_37, %dma_start3A_38] : memref<2x16x88x128xi32, #tpu.memory_space<hbm>> -> memref<1x1x88x128xi32, #tpu.memory_space<hbm>>
      %dma_start3A_40 = tpu.memref_squeeze %dma_start3A_39 : memref<1x1x88x128xi32, #tpu.memory_space<hbm>> -> memref<88x128xi32, #tpu.memory_space<hbm>>
      %dma_start3A_41 = arith.constant 0 : i32
      %dma_start3A_42 = arith.constant 0 : i32
      %dma_start3A_43 = tpu.memref_slice %arg4[%arg0, %arg1, %dma_start3A_41, %dma_start3A_42] : memref<2x16x88x128xi32, #tpu.memory_space<hbm>> -> memref<1x1x88x128xi32, #tpu.memory_space<hbm>>
      %dma_start3A_44 = tpu.memref_squeeze %dma_start3A_43 : memref<1x1x88x128xi32, #tpu.memory_space<hbm>> -> memref<88x128xi32, #tpu.memory_space<hbm>>
      tpu.enqueue_dma source(%dma_start3A_44 : memref<88x128xi32, #tpu.memory_space<hbm>>) target(%arg7 : memref<88x128xi32, #tpu.memory_space<vmem>>) target_semaphore(%run_scoped3A : memref<!tpu.dma_semaphore, #tpu.memory_space<semaphore_mem>>)
      %dma_wait3A = arith.constant 0 : i32
      %dma_wait3A_45 = arith.constant 0 : i32
      %dma_wait3A_46 = tpu.memref_slice %arg4[%arg0, %arg1, %dma_wait3A, %dma_wait3A_45] : memref<2x16x88x128xi32, #tpu.memory_space<hbm>> -> memref<1x1x88x128xi32, #tpu.memory_space<hbm>>
      %dma_wait3A_47 = tpu.memref_squeeze %dma_wait3A_46 : memref<1x1x88x128xi32, #tpu.memory_space<hbm>> -> memref<88x128xi32, #tpu.memory_space<hbm>>
      %dma_wait3A_48 = arith.constant 0 : i32
      %dma_wait3A_49 = arith.constant 0 : i32
      %dma_wait3A_50 = tpu.memref_slice %arg4[%arg0, %arg1, %dma_wait3A_48, %dma_wait3A_49] : memref<2x16x88x128xi32, #tpu.memory_space<hbm>> -> memref<1x1x88x128xi32, #tpu.memory_space<hbm>>
      %dma_wait3A_51 = tpu.memref_squeeze %dma_wait3A_50 : memref<1x1x88x128xi32, #tpu.memory_space<hbm>> -> memref<88x128xi32, #tpu.memory_space<hbm>>
      tpu.wait_dma2 semaphore(%run_scoped3A : memref<!tpu.dma_semaphore, #tpu.memory_space<semaphore_mem>>) src(%dma_wait3A_51 : memref<88x128xi32, #tpu.memory_space<hbm>>) dst(%arg7 : memref<88x128xi32, #tpu.memory_space<vmem>>)
      tpu.yield
    }) : () -> ()
    "tpu.region"() ({
      %run_scoped3A = tpu.sem_alloc : memref<!tpu.dma_semaphore, #tpu.memory_space<semaphore_mem>>
      %dma_start3A_37 = arith.constant 0 : i32
      %dma_start3A_38 = arith.constant 0 : i32
      %dma_start3A_39 = tpu.memref_slice %arg5[%arg0, %arg1, %dma_start3A_37, %dma_start3A_38] : memref<2x16x88x128xi32, #tpu.memory_space<hbm>> -> memref<1x1x88x128xi32, #tpu.memory_space<hbm>>
      %dma_start3A_40 = tpu.memref_squeeze %dma_start3A_39 : memref<1x1x88x128xi32, #tpu.memory_space<hbm>> -> memref<88x128xi32, #tpu.memory_space<hbm>>
      %dma_start3A_41 = arith.constant 0 : i32
      %dma_start3A_42 = arith.constant 0 : i32
      %dma_start3A_43 = tpu.memref_slice %arg5[%arg0, %arg1, %dma_start3A_41, %dma_start3A_42] : memref<2x16x88x128xi32, #tpu.memory_space<hbm>> -> memref<1x1x88x128xi32, #tpu.memory_space<hbm>>
      %dma_start3A_44 = tpu.memref_squeeze %dma_start3A_43 : memref<1x1x88x128xi32, #tpu.memory_space<hbm>> -> memref<88x128xi32, #tpu.memory_space<hbm>>
      tpu.enqueue_dma source(%dma_start3A_44 : memref<88x128xi32, #tpu.memory_space<hbm>>) target(%arg8 : memref<88x128xi32, #tpu.memory_space<vmem>>) target_semaphore(%run_scoped3A : memref<!tpu.dma_semaphore, #tpu.memory_space<semaphore_mem>>)
      %dma_wait3A = arith.constant 0 : i32
      %dma_wait3A_45 = arith.constant 0 : i32
      %dma_wait3A_46 = tpu.memref_slice %arg5[%arg0, %arg1, %dma_wait3A, %dma_wait3A_45] : memref<2x16x88x128xi32, #tpu.memory_space<hbm>> -> memref<1x1x88x128xi32, #tpu.memory_space<hbm>>
      %dma_wait3A_47 = tpu.memref_squeeze %dma_wait3A_46 : memref<1x1x88x128xi32, #tpu.memory_space<hbm>> -> memref<88x128xi32, #tpu.memory_space<hbm>>
      %dma_wait3A_48 = arith.constant 0 : i32
      %dma_wait3A_49 = arith.constant 0 : i32
      %dma_wait3A_50 = tpu.memref_slice %arg5[%arg0, %arg1, %dma_wait3A_48, %dma_wait3A_49] : memref<2x16x88x128xi32, #tpu.memory_space<hbm>> -> memref<1x1x88x128xi32, #tpu.memory_space<hbm>>
      %dma_wait3A_51 = tpu.memref_squeeze %dma_wait3A_50 : memref<1x1x88x128xi32, #tpu.memory_space<hbm>> -> memref<88x128xi32, #tpu.memory_space<hbm>>
      tpu.wait_dma2 semaphore(%run_scoped3A : memref<!tpu.dma_semaphore, #tpu.memory_space<semaphore_mem>>) src(%dma_wait3A_51 : memref<88x128xi32, #tpu.memory_space<hbm>>) dst(%arg8 : memref<88x128xi32, #tpu.memory_space<vmem>>)
      tpu.yield
    }) : () -> ()
    %barrier3A = arith.constant 0 : index
    tpu.barrier barrier_id(%barrier3A)
    %dma_start3A = arith.constant 0 : i32
    %dma_start3A_3 = arith.constant 0 : i32
    %dma_start3A_4 = tpu.memref_slice %arg7[%dma_start3A, %dma_start3A_3] : memref<88x128xi32, #tpu.memory_space<vmem>> -> memref<1x128xi32, #tpu.memory_space<vmem>>
    %dma_start3A_5 = tpu.memref_squeeze %dma_start3A_4 : memref<1x128xi32, #tpu.memory_space<vmem>> -> memref<128xi32, #tpu.memory_space<vmem>>
    %dma_start3A_6 = arith.constant 0 : i32
    %dma_start3A_7 = arith.constant 0 : i32
    %dma_start3A_8 = tpu.memref_slice %arg12[%dma_start3A_6, %dma_start3A_7] : memref<10240x64xbf16, #tpu.memory_space<vmem_shared>> -> memref<10240x64xbf16, #tpu.memory_space<vmem_shared>>
    tpu.enqueue_indirect_dma source(%dma_start3A_8 : memref<10240x64xbf16, #tpu.memory_space<vmem_shared>>) target(%arg9 : memref<128x64xbf16, #tpu.memory_space<vmem>>) offsets(%dma_start3A_5 : memref<128xi32, #tpu.memory_space<vmem>>) semaphore(%arg14 : memref<!tpu.dma_semaphore, #tpu.memory_space<semaphore_mem>>)
    %jit3A_9 = arith.constant 2 : i32
    %div3A = arith.divsi %select_n3A, %jit3A_9 : i32
    %sign3A = arith.constant 0 : i32
    %sign3A_10 = arith.cmpi sgt, %select_n3A, %sign3A : i32
    %sign3A_11 = arith.extui %sign3A_10 : i1 to i32
    %sign3A_12 = arith.constant 0 : i32
    %sign3A_13 = arith.cmpi slt, %select_n3A, %sign3A_12 : i32
    %sign3A_14 = arith.extui %sign3A_13 : i1 to i32
    %sign3A_15 = arith.subi %sign3A_11, %sign3A_14 : i32
    %sign3A_16 = arith.constant 0 : i32
    %sign3A_17 = arith.cmpi sgt, %jit3A_9, %sign3A_16 : i32
    %sign3A_18 = arith.extui %sign3A_17 : i1 to i32
    %sign3A_19 = arith.constant 0 : i32
    %sign3A_20 = arith.cmpi slt, %jit3A_9, %sign3A_19 : i32
    %sign3A_21 = arith.extui %sign3A_20 : i1 to i32
    %sign3A_22 = arith.subi %sign3A_18, %sign3A_21 : i32
    %ne3A = arith.cmpi ne, %sign3A_15, %sign3A_22 : i32
    %rem3A = arith.remsi %select_n3A, %jit3A_9 : i32
    %ne3A_23 = arith.constant 0 : i32
    %ne3A_24 = arith.cmpi ne, %rem3A, %ne3A_23 : i32
    %and3A = arith.andi %ne3A, %ne3A_24 : i1
    %sub3A = arith.constant 1 : i32
    %sub3A_25 = arith.subi %div3A, %sub3A : i32
    %select_n3A_26 = arith.select %and3A, %sub3A_25, %div3A : i32
    %while3A = arith.constant 0 : i32
    %while3A_27 = arith.constant 0 : i32
    %while3A_28 = arith.subi %select_n3A_26, %while3A_27 : i32
    %while3A_29 = arith.addi %while3A_27, %while3A_28 : i32
    %while3A_30 = arith.constant 1 : i32
    %while3A_31 = arith.divsi %while3A_28, %while3A_30 : i32
    %while3A_32 = arith.muli %while3A_31, %while3A_30 : i32
    %while3A_33 = arith.addi %while3A_27, %while3A_32 : i32
    %while3A_34 = arith.constant 1 : i32
    scf.for %while3A_37 = %while3A_27 to %while3A_33 step %while3A_34  : i32 {
      %mul3A_38 = arith.constant 2 : i32
      %mul3A_39 = arith.muli %mul3A_38, %while3A_37 : i32
      %dma_wait3A = arith.constant 0 : i32
      %dma_wait3A_40 = tpu.memref_slice %arg7[%mul3A_39, %dma_wait3A] : memref<88x128xi32, #tpu.memory_space<vmem>> -> memref<1x128xi32, #tpu.memory_space<vmem>>
      %dma_wait3A_41 = tpu.memref_squeeze %dma_wait3A_40 : memref<1x128xi32, #tpu.memory_space<vmem>> -> memref<128xi32, #tpu.memory_space<vmem>>
      %dma_wait3A_42 = arith.constant 0 : i32
      %dma_wait3A_43 = arith.constant 0 : i32
      %dma_wait3A_44 = tpu.memref_slice %arg12[%dma_wait3A_42, %dma_wait3A_43] : memref<10240x64xbf16, #tpu.memory_space<vmem_shared>> -> memref<10240x64xbf16, #tpu.memory_space<vmem_shared>>
      tpu.wait_indirect_dma semaphore(%arg14 : memref<!tpu.dma_semaphore, #tpu.memory_space<semaphore_mem>>) src(%dma_wait3A_44 : memref<10240x64xbf16, #tpu.memory_space<vmem_shared>>) dst(%arg9 : memref<128x64xbf16, #tpu.memory_space<vmem>>)
      %add3A = arith.constant 1 : i32
      %add3A_45 = arith.addi %mul3A_39, %add3A : i32
      %dma_start3A_46 = arith.constant 0 : i32
      %dma_start3A_47 = tpu.memref_slice %arg7[%add3A_45, %dma_start3A_46] : memref<88x128xi32, #tpu.memory_space<vmem>> -> memref<1x128xi32, #tpu.memory_space<vmem>>
      %dma_start3A_48 = tpu.memref_squeeze %dma_start3A_47 : memref<1x128xi32, #tpu.memory_space<vmem>> -> memref<128xi32, #tpu.memory_space<vmem>>
      %dma_start3A_49 = arith.constant 0 : i32
      %dma_start3A_50 = arith.constant 0 : i32
      %dma_start3A_51 = tpu.memref_slice %arg12[%dma_start3A_49, %dma_start3A_50] : memref<10240x64xbf16, #tpu.memory_space<vmem_shared>> -> memref<10240x64xbf16, #tpu.memory_space<vmem_shared>>
      tpu.enqueue_indirect_dma source(%dma_start3A_51 : memref<10240x64xbf16, #tpu.memory_space<vmem_shared>>) target(%arg10 : memref<128x64xbf16, #tpu.memory_space<vmem>>) offsets(%dma_start3A_48 : memref<128xi32, #tpu.memory_space<vmem>>) semaphore(%arg15 : memref<!tpu.dma_semaphore, #tpu.memory_space<semaphore_mem>>)
      "tpu.region"() ({
        %run_scoped3A = tpu.sem_alloc : memref<!tpu.dma_semaphore, #tpu.memory_space<semaphore_mem>>
        %dma_start3A_65 = arith.constant 0 : i32
        %dma_start3A_66 = tpu.memref_slice %arg8[%mul3A_39, %dma_start3A_65] : memref<88x128xi32, #tpu.memory_space<vmem>> -> memref<1x128xi32, #tpu.memory_space<vmem>>
        %dma_start3A_67 = tpu.memref_squeeze %dma_start3A_66 : memref<1x128xi32, #tpu.memory_space<vmem>> -> memref<128xi32, #tpu.memory_space<vmem>>
        %dma_start3A_68 = arith.constant 0 : i32
        %dma_start3A_69 = arith.constant 0 : i32
        %dma_start3A_70 = tpu.memref_slice %arg13[%dma_start3A_68, %dma_start3A_69] : memref<10240x64xbf16, #tpu.memory_space<vmem_shared>> -> memref<10240x64xbf16, #tpu.memory_space<vmem_shared>>
        tpu.enqueue_indirect_dma source(%arg9 : memref<128x64xbf16, #tpu.memory_space<vmem>>) target(%dma_start3A_70 : memref<10240x64xbf16, #tpu.memory_space<vmem_shared>>) offsets(%dma_start3A_67 : memref<128xi32, #tpu.memory_space<vmem>>) semaphore(%run_scoped3A : memref<!tpu.dma_semaphore, #tpu.memory_space<semaphore_mem>>) {add = true}
        %dma_wait3A_71 = arith.constant 0 : i32
        %dma_wait3A_72 = tpu.memref_slice %arg8[%mul3A_39, %dma_wait3A_71] : memref<88x128xi32, #tpu.memory_space<vmem>> -> memref<1x128xi32, #tpu.memory_space<vmem>>
        %dma_wait3A_73 = tpu.memref_squeeze %dma_wait3A_72 : memref<1x128xi32, #tpu.memory_space<vmem>> -> memref<128xi32, #tpu.memory_space<vmem>>
        %dma_wait3A_74 = arith.constant 0 : i32
        %dma_wait3A_75 = arith.constant 0 : i32
        %dma_wait3A_76 = tpu.memref_slice %arg13[%dma_wait3A_74, %dma_wait3A_75] : memref<10240x64xbf16, #tpu.memory_space<vmem_shared>> -> memref<10240x64xbf16, #tpu.memory_space<vmem_shared>>
        tpu.wait_indirect_dma semaphore(%run_scoped3A : memref<!tpu.dma_semaphore, #tpu.memory_space<semaphore_mem>>) src(%arg9 : memref<128x64xbf16, #tpu.memory_space<vmem>>) dst(%dma_wait3A_76 : memref<10240x64xbf16, #tpu.memory_space<vmem_shared>>)
        tpu.yield
      }) : () -> ()
      %add3A_52 = arith.constant 1 : i32
      %add3A_53 = arith.addi %mul3A_39, %add3A_52 : i32
      %dma_wait3A_54 = arith.constant 0 : i32
      %dma_wait3A_55 = tpu.memref_slice %arg7[%add3A_53, %dma_wait3A_54] : memref<88x128xi32, #tpu.memory_space<vmem>> -> memref<1x128xi32, #tpu.memory_space<vmem>>
      %dma_wait3A_56 = tpu.memref_squeeze %dma_wait3A_55 : memref<1x128xi32, #tpu.memory_space<vmem>> -> memref<128xi32, #tpu.memory_space<vmem>>
      %dma_wait3A_57 = arith.constant 0 : i32
      %dma_wait3A_58 = arith.constant 0 : i32
      %dma_wait3A_59 = tpu.memref_slice %arg12[%dma_wait3A_57, %dma_wait3A_58] : memref<10240x64xbf16, #tpu.memory_space<vmem_shared>> -> memref<10240x64xbf16, #tpu.memory_space<vmem_shared>>
      tpu.wait_indirect_dma semaphore(%arg15 : memref<!tpu.dma_semaphore, #tpu.memory_space<semaphore_mem>>) src(%dma_wait3A_59 : memref<10240x64xbf16, #tpu.memory_space<vmem_shared>>) dst(%arg10 : memref<128x64xbf16, #tpu.memory_space<vmem>>)
      %add3A_60 = arith.constant 2 : i32
      %add3A_61 = arith.addi %mul3A_39, %add3A_60 : i32
      %lt3A = arith.cmpi slt, %add3A_61, %select_n3A : i32
      %convert_element_type3A = arith.extui %lt3A : i1 to i32
      %cond3A = arith.constant 0 : i32
      %cond3A_62 = arith.cmpi ne, %convert_element_type3A, %cond3A : i32
      scf.if %cond3A_62 {
        %add3A_65 = arith.constant 2 : i32
        %add3A_66 = arith.addi %mul3A_39, %add3A_65 : i32
        %dma_start3A_67 = arith.constant 0 : i32
        %dma_start3A_68 = tpu.memref_slice %arg7[%add3A_66, %dma_start3A_67] : memref<88x128xi32, #tpu.memory_space<vmem>> -> memref<1x128xi32, #tpu.memory_space<vmem>>
        %dma_start3A_69 = tpu.memref_squeeze %dma_start3A_68 : memref<1x128xi32, #tpu.memory_space<vmem>> -> memref<128xi32, #tpu.memory_space<vmem>>
        %dma_start3A_70 = arith.constant 0 : i32
        %dma_start3A_71 = arith.constant 0 : i32
        %dma_start3A_72 = tpu.memref_slice %arg12[%dma_start3A_70, %dma_start3A_71] : memref<10240x64xbf16, #tpu.memory_space<vmem_shared>> -> memref<10240x64xbf16, #tpu.memory_space<vmem_shared>>
        tpu.enqueue_indirect_dma source(%dma_start3A_72 : memref<10240x64xbf16, #tpu.memory_space<vmem_shared>>) target(%arg9 : memref<128x64xbf16, #tpu.memory_space<vmem>>) offsets(%dma_start3A_69 : memref<128xi32, #tpu.memory_space<vmem>>) semaphore(%arg14 : memref<!tpu.dma_semaphore, #tpu.memory_space<semaphore_mem>>)
      } else {
      }
      %add3A_63 = arith.constant 1 : i32
      %add3A_64 = arith.addi %mul3A_39, %add3A_63 : i32
      "tpu.region"() ({
        %run_scoped3A = tpu.sem_alloc : memref<!tpu.dma_semaphore, #tpu.memory_space<semaphore_mem>>
        %dma_start3A_65 = arith.constant 0 : i32
        %dma_start3A_66 = tpu.memref_slice %arg8[%add3A_64, %dma_start3A_65] : memref<88x128xi32, #tpu.memory_space<vmem>> -> memref<1x128xi32, #tpu.memory_space<vmem>>
        %dma_start3A_67 = tpu.memref_squeeze %dma_start3A_66 : memref<1x128xi32, #tpu.memory_space<vmem>> -> memref<128xi32, #tpu.memory_space<vmem>>
        %dma_start3A_68 = arith.constant 0 : i32
        %dma_start3A_69 = arith.constant 0 : i32
        %dma_start3A_70 = tpu.memref_slice %arg13[%dma_start3A_68, %dma_start3A_69] : memref<10240x64xbf16, #tpu.memory_space<vmem_shared>> -> memref<10240x64xbf16, #tpu.memory_space<vmem_shared>>
        tpu.enqueue_indirect_dma source(%arg10 : memref<128x64xbf16, #tpu.memory_space<vmem>>) target(%dma_start3A_70 : memref<10240x64xbf16, #tpu.memory_space<vmem_shared>>) offsets(%dma_start3A_67 : memref<128xi32, #tpu.memory_space<vmem>>) semaphore(%run_scoped3A : memref<!tpu.dma_semaphore, #tpu.memory_space<semaphore_mem>>) {add = true}
        %dma_wait3A_71 = arith.constant 0 : i32
        %dma_wait3A_72 = tpu.memref_slice %arg8[%add3A_64, %dma_wait3A_71] : memref<88x128xi32, #tpu.memory_space<vmem>> -> memref<1x128xi32, #tpu.memory_space<vmem>>
        %dma_wait3A_73 = tpu.memref_squeeze %dma_wait3A_72 : memref<1x128xi32, #tpu.memory_space<vmem>> -> memref<128xi32, #tpu.memory_space<vmem>>
        %dma_wait3A_74 = arith.constant 0 : i32
        %dma_wait3A_75 = arith.constant 0 : i32
        %dma_wait3A_76 = tpu.memref_slice %arg13[%dma_wait3A_74, %dma_wait3A_75] : memref<10240x64xbf16, #tpu.memory_space<vmem_shared>> -> memref<10240x64xbf16, #tpu.memory_space<vmem_shared>>
        tpu.wait_indirect_dma semaphore(%run_scoped3A : memref<!tpu.dma_semaphore, #tpu.memory_space<semaphore_mem>>) src(%arg10 : memref<128x64xbf16, #tpu.memory_space<vmem>>) dst(%dma_wait3A_76 : memref<10240x64xbf16, #tpu.memory_space<vmem_shared>>)
        tpu.yield
      }) : () -> ()
    }
    %while3A_35 = arith.constant 1 : i32
    scf.for %while3A_37 = %while3A_33 to %while3A_29 step %while3A_35  : i32 {
      %mul3A_38 = arith.constant 2 : i32
      %mul3A_39 = arith.muli %mul3A_38, %while3A_37 : i32
      %dma_wait3A = arith.constant 0 : i32
      %dma_wait3A_40 = tpu.memref_slice %arg7[%mul3A_39, %dma_wait3A] : memref<88x128xi32, #tpu.memory_space<vmem>> -> memref<1x128xi32, #tpu.memory_space<vmem>>
      %dma_wait3A_41 = tpu.memref_squeeze %dma_wait3A_40 : memref<1x128xi32, #tpu.memory_space<vmem>> -> memref<128xi32, #tpu.memory_space<vmem>>
      %dma_wait3A_42 = arith.constant 0 : i32
      %dma_wait3A_43 = arith.constant 0 : i32
      %dma_wait3A_44 = tpu.memref_slice %arg12[%dma_wait3A_42, %dma_wait3A_43] : memref<10240x64xbf16, #tpu.memory_space<vmem_shared>> -> memref<10240x64xbf16, #tpu.memory_space<vmem_shared>>
      tpu.wait_indirect_dma semaphore(%arg14 : memref<!tpu.dma_semaphore, #tpu.memory_space<semaphore_mem>>) src(%dma_wait3A_44 : memref<10240x64xbf16, #tpu.memory_space<vmem_shared>>) dst(%arg9 : memref<128x64xbf16, #tpu.memory_space<vmem>>)
      %add3A = arith.constant 1 : i32
      %add3A_45 = arith.addi %mul3A_39, %add3A : i32
      %dma_start3A_46 = arith.constant 0 : i32
      %dma_start3A_47 = tpu.memref_slice %arg7[%add3A_45, %dma_start3A_46] : memref<88x128xi32, #tpu.memory_space<vmem>> -> memref<1x128xi32, #tpu.memory_space<vmem>>
      %dma_start3A_48 = tpu.memref_squeeze %dma_start3A_47 : memref<1x128xi32, #tpu.memory_space<vmem>> -> memref<128xi32, #tpu.memory_space<vmem>>
      %dma_start3A_49 = arith.constant 0 : i32
      %dma_start3A_50 = arith.constant 0 : i32
      %dma_start3A_51 = tpu.memref_slice %arg12[%dma_start3A_49, %dma_start3A_50] : memref<10240x64xbf16, #tpu.memory_space<vmem_shared>> -> memref<10240x64xbf16, #tpu.memory_space<vmem_shared>>
      tpu.enqueue_indirect_dma source(%dma_start3A_51 : memref<10240x64xbf16, #tpu.memory_space<vmem_shared>>) target(%arg10 : memref<128x64xbf16, #tpu.memory_space<vmem>>) offsets(%dma_start3A_48 : memref<128xi32, #tpu.memory_space<vmem>>) semaphore(%arg15 : memref<!tpu.dma_semaphore, #tpu.memory_space<semaphore_mem>>)
      "tpu.region"() ({
        %run_scoped3A = tpu.sem_alloc : memref<!tpu.dma_semaphore, #tpu.memory_space<semaphore_mem>>
        %dma_start3A_65 = arith.constant 0 : i32
        %dma_start3A_66 = tpu.memref_slice %arg8[%mul3A_39, %dma_start3A_65] : memref<88x128xi32, #tpu.memory_space<vmem>> -> memref<1x128xi32, #tpu.memory_space<vmem>>
        %dma_start3A_67 = tpu.memref_squeeze %dma_start3A_66 : memref<1x128xi32, #tpu.memory_space<vmem>> -> memref<128xi32, #tpu.memory_space<vmem>>
        %dma_start3A_68 = arith.constant 0 : i32
        %dma_start3A_69 = arith.constant 0 : i32
        %dma_start3A_70 = tpu.memref_slice %arg13[%dma_start3A_68, %dma_start3A_69] : memref<10240x64xbf16, #tpu.memory_space<vmem_shared>> -> memref<10240x64xbf16, #tpu.memory_space<vmem_shared>>
        tpu.enqueue_indirect_dma source(%arg9 : memref<128x64xbf16, #tpu.memory_space<vmem>>) target(%dma_start3A_70 : memref<10240x64xbf16, #tpu.memory_space<vmem_shared>>) offsets(%dma_start3A_67 : memref<128xi32, #tpu.memory_space<vmem>>) semaphore(%run_scoped3A : memref<!tpu.dma_semaphore, #tpu.memory_space<semaphore_mem>>) {add = true}
        %dma_wait3A_71 = arith.constant 0 : i32
        %dma_wait3A_72 = tpu.memref_slice %arg8[%mul3A_39, %dma_wait3A_71] : memref<88x128xi32, #tpu.memory_space<vmem>> -> memref<1x128xi32, #tpu.memory_space<vmem>>
        %dma_wait3A_73 = tpu.memref_squeeze %dma_wait3A_72 : memref<1x128xi32, #tpu.memory_space<vmem>> -> memref<128xi32, #tpu.memory_space<vmem>>
        %dma_wait3A_74 = arith.constant 0 : i32
        %dma_wait3A_75 = arith.constant 0 : i32
        %dma_wait3A_76 = tpu.memref_slice %arg13[%dma_wait3A_74, %dma_wait3A_75] : memref<10240x64xbf16, #tpu.memory_space<vmem_shared>> -> memref<10240x64xbf16, #tpu.memory_space<vmem_shared>>
        tpu.wait_indirect_dma semaphore(%run_scoped3A : memref<!tpu.dma_semaphore, #tpu.memory_space<semaphore_mem>>) src(%arg9 : memref<128x64xbf16, #tpu.memory_space<vmem>>) dst(%dma_wait3A_76 : memref<10240x64xbf16, #tpu.memory_space<vmem_shared>>)
        tpu.yield
      }) : () -> ()
      %add3A_52 = arith.constant 1 : i32
      %add3A_53 = arith.addi %mul3A_39, %add3A_52 : i32
      %dma_wait3A_54 = arith.constant 0 : i32
      %dma_wait3A_55 = tpu.memref_slice %arg7[%add3A_53, %dma_wait3A_54] : memref<88x128xi32, #tpu.memory_space<vmem>> -> memref<1x128xi32, #tpu.memory_space<vmem>>
      %dma_wait3A_56 = tpu.memref_squeeze %dma_wait3A_55 : memref<1x128xi32, #tpu.memory_space<vmem>> -> memref<128xi32, #tpu.memory_space<vmem>>
      %dma_wait3A_57 = arith.constant 0 : i32
      %dma_wait3A_58 = arith.constant 0 : i32
      %dma_wait3A_59 = tpu.memref_slice %arg12[%dma_wait3A_57, %dma_wait3A_58] : memref<10240x64xbf16, #tpu.memory_space<vmem_shared>> -> memref<10240x64xbf16, #tpu.memory_space<vmem_shared>>
      tpu.wait_indirect_dma semaphore(%arg15 : memref<!tpu.dma_semaphore, #tpu.memory_space<semaphore_mem>>) src(%dma_wait3A_59 : memref<10240x64xbf16, #tpu.memory_space<vmem_shared>>) dst(%arg10 : memref<128x64xbf16, #tpu.memory_space<vmem>>)
      %add3A_60 = arith.constant 2 : i32
      %add3A_61 = arith.addi %mul3A_39, %add3A_60 : i32
      %lt3A = arith.cmpi slt, %add3A_61, %select_n3A : i32
      %convert_element_type3A = arith.extui %lt3A : i1 to i32
      %cond3A = arith.constant 0 : i32
      %cond3A_62 = arith.cmpi ne, %convert_element_type3A, %cond3A : i32
      scf.if %cond3A_62 {
        %add3A_65 = arith.constant 2 : i32
        %add3A_66 = arith.addi %mul3A_39, %add3A_65 : i32
        %dma_start3A_67 = arith.constant 0 : i32
        %dma_start3A_68 = tpu.memref_slice %arg7[%add3A_66, %dma_start3A_67] : memref<88x128xi32, #tpu.memory_space<vmem>> -> memref<1x128xi32, #tpu.memory_space<vmem>>
        %dma_start3A_69 = tpu.memref_squeeze %dma_start3A_68 : memref<1x128xi32, #tpu.memory_space<vmem>> -> memref<128xi32, #tpu.memory_space<vmem>>
        %dma_start3A_70 = arith.constant 0 : i32
        %dma_start3A_71 = arith.constant 0 : i32
        %dma_start3A_72 = tpu.memref_slice %arg12[%dma_start3A_70, %dma_start3A_71] : memref<10240x64xbf16, #tpu.memory_space<vmem_shared>> -> memref<10240x64xbf16, #tpu.memory_space<vmem_shared>>
        tpu.enqueue_indirect_dma source(%dma_start3A_72 : memref<10240x64xbf16, #tpu.memory_space<vmem_shared>>) target(%arg9 : memref<128x64xbf16, #tpu.memory_space<vmem>>) offsets(%dma_start3A_69 : memref<128xi32, #tpu.memory_space<vmem>>) semaphore(%arg14 : memref<!tpu.dma_semaphore, #tpu.memory_space<semaphore_mem>>)
      } else {
      }
      %add3A_63 = arith.constant 1 : i32
      %add3A_64 = arith.addi %mul3A_39, %add3A_63 : i32
      "tpu.region"() ({
        %run_scoped3A = tpu.sem_alloc : memref<!tpu.dma_semaphore, #tpu.memory_space<semaphore_mem>>
        %dma_start3A_65 = arith.constant 0 : i32
        %dma_start3A_66 = tpu.memref_slice %arg8[%add3A_64, %dma_start3A_65] : memref<88x128xi32, #tpu.memory_space<vmem>> -> memref<1x128xi32, #tpu.memory_space<vmem>>
        %dma_start3A_67 = tpu.memref_squeeze %dma_start3A_66 : memref<1x128xi32, #tpu.memory_space<vmem>> -> memref<128xi32, #tpu.memory_space<vmem>>
        %dma_start3A_68 = arith.constant 0 : i32
        %dma_start3A_69 = arith.constant 0 : i32
        %dma_start3A_70 = tpu.memref_slice %arg13[%dma_start3A_68, %dma_start3A_69] : memref<10240x64xbf16, #tpu.memory_space<vmem_shared>> -> memref<10240x64xbf16, #tpu.memory_space<vmem_shared>>
        tpu.enqueue_indirect_dma source(%arg10 : memref<128x64xbf16, #tpu.memory_space<vmem>>) target(%dma_start3A_70 : memref<10240x64xbf16, #tpu.memory_space<vmem_shared>>) offsets(%dma_start3A_67 : memref<128xi32, #tpu.memory_space<vmem>>) semaphore(%run_scoped3A : memref<!tpu.dma_semaphore, #tpu.memory_space<semaphore_mem>>) {add = true}
        %dma_wait3A_71 = arith.constant 0 : i32
        %dma_wait3A_72 = tpu.memref_slice %arg8[%add3A_64, %dma_wait3A_71] : memref<88x128xi32, #tpu.memory_space<vmem>> -> memref<1x128xi32, #tpu.memory_space<vmem>>
        %dma_wait3A_73 = tpu.memref_squeeze %dma_wait3A_72 : memref<1x128xi32, #tpu.memory_space<vmem>> -> memref<128xi32, #tpu.memory_space<vmem>>
        %dma_wait3A_74 = arith.constant 0 : i32
        %dma_wait3A_75 = arith.constant 0 : i32
        %dma_wait3A_76 = tpu.memref_slice %arg13[%dma_wait3A_74, %dma_wait3A_75] : memref<10240x64xbf16, #tpu.memory_space<vmem_shared>> -> memref<10240x64xbf16, #tpu.memory_space<vmem_shared>>
        tpu.wait_indirect_dma semaphore(%run_scoped3A : memref<!tpu.dma_semaphore, #tpu.memory_space<semaphore_mem>>) src(%arg10 : memref<128x64xbf16, #tpu.memory_space<vmem>>) dst(%dma_wait3A_76 : memref<10240x64xbf16, #tpu.memory_space<vmem_shared>>)
        tpu.yield
      }) : () -> ()
    }
    %barrier3A_36 = arith.constant 0 : index
    tpu.barrier barrier_id(%barrier3A_36)
    "tpu.region"() ({
      %run_scoped3A = tpu.sem_alloc : memref<!tpu.dma_semaphore, #tpu.memory_space<semaphore_mem>>
      %dma_start3A_37 = arith.constant 0 : i32
      %dma_start3A_38 = tpu.memref_slice %arg13[%mul3A_0, %dma_start3A_37] : memref<10240x64xbf16, #tpu.memory_space<vmem_shared>> -> memref<640x64xbf16, #tpu.memory_space<vmem_shared>>
      %dma_start3A_39 = arith.constant 0 : i32
      %dma_start3A_40 = tpu.memref_slice %arg13[%mul3A_0, %dma_start3A_39] : memref<10240x64xbf16, #tpu.memory_space<vmem_shared>> -> memref<640x64xbf16, #tpu.memory_space<vmem_shared>>
      tpu.enqueue_dma source(%dma_start3A_40 : memref<640x64xbf16, #tpu.memory_space<vmem_shared>>) target(%arg11 : memref<640x64xbf16, #tpu.memory_space<vmem>>) target_semaphore(%run_scoped3A : memref<!tpu.dma_semaphore, #tpu.memory_space<semaphore_mem>>)
      %dma_wait3A = arith.constant 0 : i32
      %dma_wait3A_41 = tpu.memref_slice %arg13[%mul3A_0, %dma_wait3A] : memref<10240x64xbf16, #tpu.memory_space<vmem_shared>> -> memref<640x64xbf16, #tpu.memory_space<vmem_shared>>
      %dma_wait3A_42 = arith.constant 0 : i32
      %dma_wait3A_43 = tpu.memref_slice %arg13[%mul3A_0, %dma_wait3A_42] : memref<10240x64xbf16, #tpu.memory_space<vmem_shared>> -> memref<640x64xbf16, #tpu.memory_space<vmem_shared>>
      tpu.wait_dma2 semaphore(%run_scoped3A : memref<!tpu.dma_semaphore, #tpu.memory_space<semaphore_mem>>) src(%dma_wait3A_43 : memref<640x64xbf16, #tpu.memory_space<vmem_shared>>) dst(%arg11 : memref<640x64xbf16, #tpu.memory_space<vmem>>)
      tpu.yield
    }) : () -> ()
    "tpu.region"() ({
      %run_scoped3A = tpu.sem_alloc : memref<!tpu.dma_semaphore, #tpu.memory_space<semaphore_mem>>
      %dma_start3A_37 = arith.constant 0 : i32
      %dma_start3A_38 = tpu.memref_slice %arg6[%arg0, %mul3A_0, %dma_start3A_37] : memref<2x10240x64xbf16, #tpu.memory_space<hbm>> -> memref<1x640x64xbf16, #tpu.memory_space<hbm>>
      %dma_start3A_39 = tpu.memref_squeeze %dma_start3A_38 : memref<1x640x64xbf16, #tpu.memory_space<hbm>> -> memref<640x64xbf16, #tpu.memory_space<hbm>>
      %dma_start3A_40 = arith.constant 0 : i32
      %dma_start3A_41 = tpu.memref_slice %arg6[%arg0, %mul3A_0, %dma_start3A_40] : memref<2x10240x64xbf16, #tpu.memory_space<hbm>> -> memref<1x640x64xbf16, #tpu.memory_space<hbm>>
      %dma_start3A_42 = tpu.memref_squeeze %dma_start3A_41 : memref<1x640x64xbf16, #tpu.memory_space<hbm>> -> memref<640x64xbf16, #tpu.memory_space<hbm>>
      tpu.enqueue_dma source(%arg11 : memref<640x64xbf16, #tpu.memory_space<vmem>>) target(%dma_start3A_42 : memref<640x64xbf16, #tpu.memory_space<hbm>>) target_semaphore(%run_scoped3A : memref<!tpu.dma_semaphore, #tpu.memory_space<semaphore_mem>>)
      %dma_wait3A = arith.constant 0 : i32
      %dma_wait3A_43 = tpu.memref_slice %arg6[%arg0, %mul3A_0, %dma_wait3A] : memref<2x10240x64xbf16, #tpu.memory_space<hbm>> -> memref<1x640x64xbf16, #tpu.memory_space<hbm>>
      %dma_wait3A_44 = tpu.memref_squeeze %dma_wait3A_43 : memref<1x640x64xbf16, #tpu.memory_space<hbm>> -> memref<640x64xbf16, #tpu.memory_space<hbm>>
      %dma_wait3A_45 = arith.constant 0 : i32
      %dma_wait3A_46 = tpu.memref_slice %arg6[%arg0, %mul3A_0, %dma_wait3A_45] : memref<2x10240x64xbf16, #tpu.memory_space<hbm>> -> memref<1x640x64xbf16, #tpu.memory_space<hbm>>
      %dma_wait3A_47 = tpu.memref_squeeze %dma_wait3A_46 : memref<1x640x64xbf16, #tpu.memory_space<hbm>> -> memref<640x64xbf16, #tpu.memory_space<hbm>>
      tpu.wait_dma2 semaphore(%run_scoped3A : memref<!tpu.dma_semaphore, #tpu.memory_space<semaphore_mem>>) src(%arg11 : memref<640x64xbf16, #tpu.memory_space<vmem>>) dst(%dma_wait3A_47 : memref<640x64xbf16, #tpu.memory_space<hbm>>)
      tpu.yield
    }) : () -> ()
    return
  }
}

module attributes {stable_mosaic.version = 14 : i64} {
  func.func @_tc1_body(%arg0: i32, %arg1: memref<2x1024x8xf32, #tpu.memory_space<vmem>>, %arg2: memref<1024x128xf32, #tpu.memory_space<vmem>>, %arg3: memref<128x64xf32, #tpu.memory_space<vmem>>, %arg4: memref<1024x64xbf16, #tpu.memory_space<vmem>>, %arg5: memref<1024x8xf32, #tpu.memory_space<vmem>>) attributes {dimension_semantics = [#tpu.dimension_semantics<arbitrary>], iteration_bounds = array<i64: 10>, scalar_prefetch = 0 : i64, scratch_operands = 0 : i64, tpu.core_type = #tpu.core_type<tc>, window_params = [{transform_indices = @transform_0, window_bounds = array<i64: 2, 1024, 8>}, {transform_indices = @transform_1, window_bounds = array<i64: 1024, 128>}, {pipeline_mode = #tpu.pipeline_mode<synchronous>, transform_indices = @transform_2, window_bounds = array<i64: 128, 64>}, {transform_indices = @transform_3, window_bounds = array<i64: 1024, 64>}, {transform_indices = @transform_4, window_bounds = array<i64: 1024, 8>}]} {
    %get3A = arith.constant 0 : index
    %get3A_0 = arith.constant 0 : index
    %get3A_1 = arith.constant 0 : index
    %get3A_2 = vector.load %arg1[%get3A, %get3A_0, %get3A_1] : memref<2x1024x8xf32, #tpu.memory_space<vmem>>, vector<1x1024x8xf32>
    %get3A_3 = vector.shape_cast %get3A_2 : vector<1x1024x8xf32> to vector<1024x8xf32>
    %get3A_4 = arith.constant 1 : index
    %get3A_5 = arith.constant 0 : index
    %get3A_6 = arith.constant 0 : index
    %get3A_7 = vector.load %arg1[%get3A_4, %get3A_5, %get3A_6] : memref<2x1024x8xf32, #tpu.memory_space<vmem>>, vector<1x1024x8xf32>
    %get3A_8 = vector.shape_cast %get3A_7 : vector<1x1024x8xf32> to vector<1024x8xf32>
    %add3A = arith.addf %get3A_3, %get3A_8 : vector<1024x8xf32>
    %add3A_9 = arith.constant 1.000000e+00 : f32
    %add3A_10 = vector.broadcast %add3A_9 : f32 to vector<1024x8xf32>
    %add3A_11 = arith.addf %add3A, %add3A_10 : vector<1024x8xf32>
    %gt3A = arith.constant 0.000000e+00 : f32
    %gt3A_12 = vector.broadcast %gt3A : f32 to vector<1024x8xf32>
    %gt3A_13 = arith.cmpf ogt, %add3A_11, %gt3A_12 : vector<1024x8xf32>
    %max3A = arith.constant 9.99999996E-13 : f32
    %max3A_14 = vector.broadcast %max3A : f32 to vector<1024x8xf32>
    %max3A_15 = arith.maximumf %add3A_11, %max3A_14 : vector<1024x8xf32>
    %rsqrt3A = math.rsqrt %max3A_15 : vector<1024x8xf32>
    %jit3A = arith.constant 0.000000e+00 : f32
    %broadcast_in_dim3A = vector.broadcast %jit3A : f32 to vector<1024x8xf32>
    %select_n3A = arith.select %gt3A_13, %rsqrt3A, %broadcast_in_dim3A : vector<1024x8xi1>, vector<1024x8xf32>
    %get3A_16 = arith.constant 0 : index
    %get3A_17 = arith.constant 0 : index
    %get3A_18 = vector.load %arg2[%get3A_16, %get3A_17] : memref<1024x128xf32, #tpu.memory_space<vmem>>, vector<1024x128xf32>
    %get3A_19 = arith.constant 0 : index
    %get3A_20 = arith.constant 0 : index
    %get3A_21 = vector.load %arg3[%get3A_19, %get3A_20] : memref<128x64xf32, #tpu.memory_space<vmem>>, vector<128x64xf32>
    %dot_general3A = arith.constant dense<0.000000e+00> : vector<1024x64xf32>
    %dot_general3A_22 = tpu.matmul %get3A_18, %get3A_21, %dot_general3A {dimension_numbers = #tpu.dot_dimension_numbers<[1], [0], [0], [1], [0, 0, 1, 1], [], []>, transpose_lhs_hint = false} : vector<1024x128xf32>, vector<128x64xf32>, vector<1024x64xf32> -> vector<1024x64xf32>
    %slice3A = vector.extract_strided_slice %select_n3A {offsets = [0, 0], sizes = [1024, 1], strides = [1, 1]} : vector<1024x8xf32> to vector<1024x1xf32>
    %mul3A = vector.broadcast %slice3A : vector<1024x1xf32> to vector<1024x64xf32>
    %mul3A_23 = arith.mulf %mul3A, %dot_general3A_22 : vector<1024x64xf32>
    %convert_element_type3A = arith.truncf %mul3A_23 : vector<1024x64xf32> to vector<1024x64xbf16>
    %swap3A = arith.constant 0 : index
    %swap3A_24 = arith.constant 0 : index
    %swap3A_25 = vector.load %arg4[%swap3A, %swap3A_24] : memref<1024x64xbf16, #tpu.memory_space<vmem>>, vector<1024x64xbf16>
    tpu.vector_store %arg4[%swap3A, %swap3A_24], %convert_element_type3A {strides = array<i32>} : memref<1024x64xbf16, #tpu.memory_space<vmem>>, vector<1024x64xbf16>,
    %swap3A_26 = arith.constant 0 : index
    %swap3A_27 = arith.constant 0 : index
    %swap3A_28 = vector.load %arg5[%swap3A_26, %swap3A_27] : memref<1024x8xf32, #tpu.memory_space<vmem>>, vector<1024x8xf32>
    tpu.vector_store %arg5[%swap3A_26, %swap3A_27], %select_n3A {strides = array<i32>} : memref<1024x8xf32, #tpu.memory_space<vmem>>, vector<1024x8xf32>,
    return
  }
  func.func @transform_0(%arg0: i32) -> (i32, i32, i32) {
    %c0_i32 = arith.constant 0 : i32
    %c0_i32_0 = arith.constant 0 : i32
    %c0_i32_1 = arith.constant 0 : i32
    return %c0_i32, %arg0, %c0_i32_0 : i32, i32, i32
  }
  func.func @transform_1(%arg0: i32) -> (i32, i32) {
    %c0_i32 = arith.constant 0 : i32
    %c0_i32_0 = arith.constant 0 : i32
    return %arg0, %c0_i32 : i32, i32
  }
  func.func @transform_2(%arg0: i32) -> (i32, i32) {
    %c0_i32 = arith.constant 0 : i32
    %c0_i32_0 = arith.constant 0 : i32
    %c0_i32_1 = arith.constant 0 : i32
    return %c0_i32, %c0_i32_0 : i32, i32
  }
  func.func @transform_3(%arg0: i32) -> (i32, i32) {
    %c0_i32 = arith.constant 0 : i32
    %c0_i32_0 = arith.constant 0 : i32
    return %arg0, %c0_i32 : i32, i32
  }
  func.func @transform_4(%arg0: i32) -> (i32, i32) {
    %c0_i32 = arith.constant 0 : i32
    %c0_i32_0 = arith.constant 0 : i32
    return %arg0, %c0_i32 : i32, i32
  }
}

module attributes {stable_mosaic.version = 14 : i64} {
  func.func @_tc2_body(%arg0: i32, %arg1: memref<2x1024x64xbf16, #tpu.memory_space<vmem>>, %arg2: memref<1024x64xbf16, #tpu.memory_space<vmem>>, %arg3: memref<1024x8xf32, #tpu.memory_space<vmem>>, %arg4: memref<1x64xf32, #tpu.memory_space<vmem>>, %arg5: memref<64x32xf32, #tpu.memory_space<vmem>>, %arg6: memref<1024x32xf32, #tpu.memory_space<vmem>>) attributes {dimension_semantics = [#tpu.dimension_semantics<arbitrary>], iteration_bounds = array<i64: 10>, scalar_prefetch = 0 : i64, scratch_operands = 0 : i64, tpu.core_type = #tpu.core_type<tc>, window_params = [{transform_indices = @transform_0, window_bounds = array<i64: 2, 1024, 64>}, {transform_indices = @transform_1, window_bounds = array<i64: 1024, 64>}, {transform_indices = @transform_2, window_bounds = array<i64: 1024, 8>}, {pipeline_mode = #tpu.pipeline_mode<synchronous>, transform_indices = @transform_3, window_bounds = array<i64: 1, 64>}, {pipeline_mode = #tpu.pipeline_mode<synchronous>, transform_indices = @transform_4, window_bounds = array<i64: 64, 32>}, {transform_indices = @transform_5, window_bounds = array<i64: 1024, 32>}]} {
    %get3A = arith.constant 0 : index
    %get3A_0 = arith.constant 0 : index
    %get3A_1 = arith.constant 0 : index
    %get3A_2 = vector.load %arg1[%get3A, %get3A_0, %get3A_1] : memref<2x1024x64xbf16, #tpu.memory_space<vmem>>, vector<1x1024x64xbf16>
    %get3A_3 = vector.shape_cast %get3A_2 : vector<1x1024x64xbf16> to vector<1024x64xbf16>
    %convert_element_type3A = arith.extf %get3A_3 : vector<1024x64xbf16> to vector<1024x64xf32>
    %get3A_4 = arith.constant 1 : index
    %get3A_5 = arith.constant 0 : index
    %get3A_6 = arith.constant 0 : index
    %get3A_7 = vector.load %arg1[%get3A_4, %get3A_5, %get3A_6] : memref<2x1024x64xbf16, #tpu.memory_space<vmem>>, vector<1x1024x64xbf16>
    %get3A_8 = vector.shape_cast %get3A_7 : vector<1x1024x64xbf16> to vector<1024x64xbf16>
    %convert_element_type3A_9 = arith.extf %get3A_8 : vector<1024x64xbf16> to vector<1024x64xf32>
    %add3A = arith.addf %convert_element_type3A, %convert_element_type3A_9 : vector<1024x64xf32>
    %get3A_10 = arith.constant 0 : index
    %get3A_11 = arith.constant 0 : index
    %get3A_12 = vector.load %arg2[%get3A_10, %get3A_11] : memref<1024x64xbf16, #tpu.memory_space<vmem>>, vector<1024x64xbf16>
    %convert_element_type3A_13 = arith.extf %get3A_12 : vector<1024x64xbf16> to vector<1024x64xf32>
    %add3A_14 = arith.addf %add3A, %convert_element_type3A_13 : vector<1024x64xf32>
    %get3A_15 = arith.constant 0 : index
    %get3A_16 = arith.constant 0 : index
    %get3A_17 = vector.load %arg3[%get3A_15, %get3A_16] : memref<1024x8xf32, #tpu.memory_space<vmem>>, vector<1024x1xf32>
    %mul3A = vector.broadcast %get3A_17 : vector<1024x1xf32> to vector<1024x64xf32>
    %mul3A_18 = arith.mulf %mul3A, %add3A_14 : vector<1024x64xf32>
    %get3A_19 = arith.constant 0 : index
    %get3A_20 = arith.constant 0 : index
    %get3A_21 = vector.load %arg4[%get3A_19, %get3A_20] : memref<1x64xf32, #tpu.memory_space<vmem>>, vector<1x64xf32>
    %add3A_22 = vector.broadcast %get3A_21 : vector<1x64xf32> to vector<1024x64xf32>
    %add3A_23 = arith.addf %mul3A_18, %add3A_22 : vector<1024x64xf32>
    %max3A = arith.constant 0.000000e+00 : f32
    %max3A_24 = vector.broadcast %max3A : f32 to vector<1024x64xf32>
    %max3A_25 = arith.maximumf %add3A_23, %max3A_24 : vector<1024x64xf32>
    %get3A_26 = arith.constant 0 : index
    %get3A_27 = arith.constant 0 : index
    %get3A_28 = vector.load %arg5[%get3A_26, %get3A_27] : memref<64x32xf32, #tpu.memory_space<vmem>>, vector<64x32xf32>
    %dot_general3A = arith.constant dense<0.000000e+00> : vector<1024x32xf32>
    %dot_general3A_29 = tpu.matmul %max3A_25, %get3A_28, %dot_general3A {dimension_numbers = #tpu.dot_dimension_numbers<[1], [0], [0], [1], [0, 0, 1, 1], [], []>, transpose_lhs_hint = false} : vector<1024x64xf32>, vector<64x32xf32>, vector<1024x32xf32> -> vector<1024x32xf32>
    %get3A_30 = arith.constant 0 : index
    %get3A_31 = arith.constant 0 : index
    %get3A_32 = vector.load %arg3[%get3A_30, %get3A_31] : memref<1024x8xf32, #tpu.memory_space<vmem>>, vector<1024x1xf32>
    %mul3A_33 = vector.broadcast %get3A_32 : vector<1024x1xf32> to vector<1024x32xf32>
    %mul3A_34 = arith.mulf %mul3A_33, %dot_general3A_29 : vector<1024x32xf32>
    %swap3A = arith.constant 0 : index
    %swap3A_35 = arith.constant 0 : index
    %swap3A_36 = vector.load %arg6[%swap3A, %swap3A_35] : memref<1024x32xf32, #tpu.memory_space<vmem>>, vector<1024x32xf32>
    tpu.vector_store %arg6[%swap3A, %swap3A_35], %mul3A_34 {strides = array<i32>} : memref<1024x32xf32, #tpu.memory_space<vmem>>, vector<1024x32xf32>,
    return
  }
  func.func @transform_0(%arg0: i32) -> (i32, i32, i32) {
    %c0_i32 = arith.constant 0 : i32
    %c0_i32_0 = arith.constant 0 : i32
    %c0_i32_1 = arith.constant 0 : i32
    return %c0_i32, %arg0, %c0_i32_0 : i32, i32, i32
  }
  func.func @transform_1(%arg0: i32) -> (i32, i32) {
    %c0_i32 = arith.constant 0 : i32
    %c0_i32_0 = arith.constant 0 : i32
    return %arg0, %c0_i32 : i32, i32
  }
  func.func @transform_2(%arg0: i32) -> (i32, i32) {
    %c0_i32 = arith.constant 0 : i32
    %c0_i32_0 = arith.constant 0 : i32
    return %arg0, %c0_i32 : i32, i32
  }
  func.func @transform_3(%arg0: i32) -> (i32, i32) {
    %c0_i32 = arith.constant 0 : i32
    %c0_i32_0 = arith.constant 0 : i32
    %c0_i32_1 = arith.constant 0 : i32
    return %c0_i32, %c0_i32_0 : i32, i32
  }
  func.func @transform_4(%arg0: i32) -> (i32, i32) {
    %c0_i32 = arith.constant 0 : i32
    %c0_i32_0 = arith.constant 0 : i32
    %c0_i32_1 = arith.constant 0 : i32
    return %c0_i32, %c0_i32_0 : i32, i32
  }
  func.func @transform_5(%arg0: i32) -> (i32, i32) {
    %c0_i32 = arith.constant 0 : i32
    %c0_i32_0 = arith.constant 0 : i32
    return %arg0, %c0_i32 : i32, i32
  }
}

module attributes {stable_mosaic.version = 14 : i64} {
  func.func @_tc3_body(%arg0: i32, %arg1: memref<2x1024x32xf32, #tpu.memory_space<vmem>>, %arg2: memref<1024x32xf32, #tpu.memory_space<vmem>>, %arg3: memref<1024x8xf32, #tpu.memory_space<vmem>>, %arg4: memref<1x32xf32, #tpu.memory_space<vmem>>, %arg5: memref<1024x32xf32, #tpu.memory_space<vmem>>) attributes {dimension_semantics = [#tpu.dimension_semantics<arbitrary>], iteration_bounds = array<i64: 10>, scalar_prefetch = 0 : i64, scratch_operands = 0 : i64, tpu.core_type = #tpu.core_type<tc>, window_params = [{transform_indices = @transform_0, window_bounds = array<i64: 2, 1024, 32>}, {transform_indices = @transform_1, window_bounds = array<i64: 1024, 32>}, {transform_indices = @transform_2, window_bounds = array<i64: 1024, 8>}, {pipeline_mode = #tpu.pipeline_mode<synchronous>, transform_indices = @transform_3, window_bounds = array<i64: 1, 32>}, {transform_indices = @transform_4, window_bounds = array<i64: 1024, 32>}]} {
    %get3A = arith.constant 0 : index
    %get3A_0 = arith.constant 0 : index
    %get3A_1 = arith.constant 0 : index
    %get3A_2 = vector.load %arg1[%get3A, %get3A_0, %get3A_1] : memref<2x1024x32xf32, #tpu.memory_space<vmem>>, vector<1x1024x32xf32>
    %get3A_3 = vector.shape_cast %get3A_2 : vector<1x1024x32xf32> to vector<1024x32xf32>
    %get3A_4 = arith.constant 1 : index
    %get3A_5 = arith.constant 0 : index
    %get3A_6 = arith.constant 0 : index
    %get3A_7 = vector.load %arg1[%get3A_4, %get3A_5, %get3A_6] : memref<2x1024x32xf32, #tpu.memory_space<vmem>>, vector<1x1024x32xf32>
    %get3A_8 = vector.shape_cast %get3A_7 : vector<1x1024x32xf32> to vector<1024x32xf32>
    %add3A = arith.addf %get3A_3, %get3A_8 : vector<1024x32xf32>
    %get3A_9 = arith.constant 0 : index
    %get3A_10 = arith.constant 0 : index
    %get3A_11 = vector.load %arg2[%get3A_9, %get3A_10] : memref<1024x32xf32, #tpu.memory_space<vmem>>, vector<1024x32xf32>
    %add3A_12 = arith.addf %add3A, %get3A_11 : vector<1024x32xf32>
    %get3A_13 = arith.constant 0 : index
    %get3A_14 = arith.constant 0 : index
    %get3A_15 = vector.load %arg3[%get3A_13, %get3A_14] : memref<1024x8xf32, #tpu.memory_space<vmem>>, vector<1024x1xf32>
    %mul3A = vector.broadcast %get3A_15 : vector<1024x1xf32> to vector<1024x32xf32>
    %mul3A_16 = arith.mulf %mul3A, %add3A_12 : vector<1024x32xf32>
    %get3A_17 = arith.constant 0 : index
    %get3A_18 = arith.constant 0 : index
    %get3A_19 = vector.load %arg4[%get3A_17, %get3A_18] : memref<1x32xf32, #tpu.memory_space<vmem>>, vector<1x32xf32>
    %add3A_20 = vector.broadcast %get3A_19 : vector<1x32xf32> to vector<1024x32xf32>
    %add3A_21 = arith.addf %mul3A_16, %add3A_20 : vector<1024x32xf32>
    %swap3A = arith.constant 0 : index
    %swap3A_22 = arith.constant 0 : index
    %swap3A_23 = vector.load %arg5[%swap3A, %swap3A_22] : memref<1024x32xf32, #tpu.memory_space<vmem>>, vector<1024x32xf32>
    tpu.vector_store %arg5[%swap3A, %swap3A_22], %add3A_21 {strides = array<i32>} : memref<1024x32xf32, #tpu.memory_space<vmem>>, vector<1024x32xf32>,
    return
  }
  func.func @transform_0(%arg0: i32) -> (i32, i32, i32) {
    %c0_i32 = arith.constant 0 : i32
    %c0_i32_0 = arith.constant 0 : i32
    %c0_i32_1 = arith.constant 0 : i32
    return %c0_i32, %arg0, %c0_i32_0 : i32, i32, i32
  }
  func.func @transform_1(%arg0: i32) -> (i32, i32) {
    %c0_i32 = arith.constant 0 : i32
    %c0_i32_0 = arith.constant 0 : i32
    return %arg0, %c0_i32 : i32, i32
  }
  func.func @transform_2(%arg0: i32) -> (i32, i32) {
    %c0_i32 = arith.constant 0 : i32
    %c0_i32_0 = arith.constant 0 : i32
    return %arg0, %c0_i32 : i32, i32
  }
  func.func @transform_3(%arg0: i32) -> (i32, i32) {
    %c0_i32 = arith.constant 0 : i32
    %c0_i32_0 = arith.constant 0 : i32
    %c0_i32_1 = arith.constant 0 : i32
    return %c0_i32, %c0_i32_0 : i32, i32
  }
  func.func @transform_4(%arg0: i32) -> (i32, i32) {
    %c0_i32 = arith.constant 0 : i32
    %c0_i32_0 = arith.constant 0 : i32
    return %arg0, %c0_i32 : i32, i32
  }
}

module attributes {stable_mosaic.version = 14 : i64} {
  func.func @_dec_body(%arg0: i32, %arg1: memref<128x1x32x128xf32, #tpu.memory_space<vmem>>, %arg2: memref<128x1x32x128xf32, #tpu.memory_space<vmem>>, %arg3: memref<128x128xf32, #tpu.memory_space<vmem>>) attributes {dimension_semantics = [#tpu.dimension_semantics<arbitrary>], iteration_bounds = array<i64: 20>, scalar_prefetch = 0 : i64, scratch_operands = 0 : i64, tpu.core_type = #tpu.core_type<tc>, window_params = [{transform_indices = @transform_0, window_bounds = array<i64: 128, 1, 32, 128>}, {transform_indices = @transform_1, window_bounds = array<i64: 128, 1, 32, 128>}, {transform_indices = @transform_2, window_bounds = array<i64: 128, 128>}]} {
    %get3A = arith.constant 0 : index
    %get3A_0 = arith.constant 0 : index
    %get3A_1 = arith.constant 0 : index
    %get3A_2 = arith.constant 0 : index
    %get3A_3 = vector.load %arg1[%get3A, %get3A_0, %get3A_1, %get3A_2] : memref<128x1x32x128xf32, #tpu.memory_space<vmem>>, vector<128x1x32x128xf32>
    %get3A_4 = arith.constant 0 : index
    %get3A_5 = arith.constant 0 : index
    %get3A_6 = arith.constant 0 : index
    %get3A_7 = arith.constant 0 : index
    %get3A_8 = vector.load %arg2[%get3A_4, %get3A_5, %get3A_6, %get3A_7] : memref<128x1x32x128xf32, #tpu.memory_space<vmem>>, vector<128x1x32x128xf32>
    %slice3A = vector.extract_strided_slice %get3A_3 {offsets = [0, 0, 0, 0], sizes = [128, 1, 32, 32], strides = [1, 1, 1, 1]} : vector<128x1x32x128xf32> to vector<128x1x32x32xf32>
    %squeeze3A = vector.shape_cast %slice3A : vector<128x1x32x32xf32> to vector<128x32x32xf32>
    %slice3A_9 = vector.extract_strided_slice %get3A_8 {offsets = [0, 0, 0, 0], sizes = [128, 1, 32, 32], strides = [1, 1, 1, 1]} : vector<128x1x32x128xf32> to vector<128x1x32x32xf32>
    %squeeze3A_10 = vector.shape_cast %slice3A_9 : vector<128x1x32x32xf32> to vector<128x32x32xf32>
    %mul3A = arith.mulf %squeeze3A, %squeeze3A_10 : vector<128x32x32xf32>
    %reduce_sum3A = arith.constant dense<0.000000e+00> : vector<128x32xf32>
    %reduce_sum3A_11 = vector.multi_reduction <add>, %mul3A, %reduce_sum3A [2] : vector<128x32x32xf32> to vector<128x32xf32>
    %slice3A_12 = vector.extract_strided_slice %get3A_3 {offsets = [0, 0, 0, 32], sizes = [128, 1, 32, 32], strides = [1, 1, 1, 1]} : vector<128x1x32x128xf32> to vector<128x1x32x32xf32>
    %squeeze3A_13 = vector.shape_cast %slice3A_12 : vector<128x1x32x32xf32> to vector<128x32x32xf32>
    %slice3A_14 = vector.extract_strided_slice %get3A_8 {offsets = [0, 0, 0, 32], sizes = [128, 1, 32, 32], strides = [1, 1, 1, 1]} : vector<128x1x32x128xf32> to vector<128x1x32x32xf32>
    %squeeze3A_15 = vector.shape_cast %slice3A_14 : vector<128x1x32x32xf32> to vector<128x32x32xf32>
    %mul3A_16 = arith.mulf %squeeze3A_13, %squeeze3A_15 : vector<128x32x32xf32>
    %reduce_sum3A_17 = arith.constant dense<0.000000e+00> : vector<128x32xf32>
    %reduce_sum3A_18 = vector.multi_reduction <add>, %mul3A_16, %reduce_sum3A_17 [2] : vector<128x32x32xf32> to vector<128x32xf32>
    %slice3A_19 = vector.extract_strided_slice %get3A_3 {offsets = [0, 0, 0, 64], sizes = [128, 1, 32, 32], strides = [1, 1, 1, 1]} : vector<128x1x32x128xf32> to vector<128x1x32x32xf32>
    %squeeze3A_20 = vector.shape_cast %slice3A_19 : vector<128x1x32x32xf32> to vector<128x32x32xf32>
    %slice3A_21 = vector.extract_strided_slice %get3A_8 {offsets = [0, 0, 0, 64], sizes = [128, 1, 32, 32], strides = [1, 1, 1, 1]} : vector<128x1x32x128xf32> to vector<128x1x32x32xf32>
    %squeeze3A_22 = vector.shape_cast %slice3A_21 : vector<128x1x32x32xf32> to vector<128x32x32xf32>
    %mul3A_23 = arith.mulf %squeeze3A_20, %squeeze3A_22 : vector<128x32x32xf32>
    %reduce_sum3A_24 = arith.constant dense<0.000000e+00> : vector<128x32xf32>
    %reduce_sum3A_25 = vector.multi_reduction <add>, %mul3A_23, %reduce_sum3A_24 [2] : vector<128x32x32xf32> to vector<128x32xf32>
    %slice3A_26 = vector.extract_strided_slice %get3A_3 {offsets = [0, 0, 0, 96], sizes = [128, 1, 32, 32], strides = [1, 1, 1, 1]} : vector<128x1x32x128xf32> to vector<128x1x32x32xf32>
    %squeeze3A_27 = vector.shape_cast %slice3A_26 : vector<128x1x32x32xf32> to vector<128x32x32xf32>
    %slice3A_28 = vector.extract_strided_slice %get3A_8 {offsets = [0, 0, 0, 96], sizes = [128, 1, 32, 32], strides = [1, 1, 1, 1]} : vector<128x1x32x128xf32> to vector<128x1x32x32xf32>
    %squeeze3A_29 = vector.shape_cast %slice3A_28 : vector<128x1x32x32xf32> to vector<128x32x32xf32>
    %mul3A_30 = arith.mulf %squeeze3A_27, %squeeze3A_29 : vector<128x32x32xf32>
    %reduce_sum3A_31 = arith.constant dense<0.000000e+00> : vector<128x32xf32>
    %reduce_sum3A_32 = vector.multi_reduction <add>, %mul3A_30, %reduce_sum3A_31 [2] : vector<128x32x32xf32> to vector<128x32xf32>
    %concatenate3A = tpu.concatenate %reduce_sum3A_11, %reduce_sum3A_18, %reduce_sum3A_25, %reduce_sum3A_32 in 1 : vector<128x32xf32>, vector<128x32xf32>, vector<128x32xf32>, vector<128x32xf32> -> vector<128x128xf32>
    %neg3A = arith.constant 0.000000e+00 : f32
    %neg3A_33 = vector.broadcast %neg3A : f32 to vector<128x128xf32>
    %neg3A_34 = arith.subf %neg3A_33, %concatenate3A : vector<128x128xf32>
    %exp3A = math.exp %neg3A_34 : vector<128x128xf32>
    %add3A = arith.constant 1.000000e+00 : f32
    %add3A_35 = vector.broadcast %add3A : f32 to vector<128x128xf32>
    %add3A_36 = arith.addf %add3A_35, %exp3A : vector<128x128xf32>
    %div3A = arith.constant 1.000000e+00 : f32
    %div3A_37 = vector.broadcast %div3A : f32 to vector<128x128xf32>
    %div3A_38 = arith.divf %div3A_37, %add3A_36 : vector<128x128xf32>
    %swap3A = arith.constant 0 : index
    %swap3A_39 = arith.constant 0 : index
    %swap3A_40 = vector.load %arg3[%swap3A, %swap3A_39] : memref<128x128xf32, #tpu.memory_space<vmem>>, vector<128x128xf32>
    tpu.vector_store %arg3[%swap3A, %swap3A_39], %div3A_38 {strides = array<i32>} : memref<128x128xf32, #tpu.memory_space<vmem>>, vector<128x128xf32>,
    return
  }
  func.func @transform_0(%arg0: i32) -> (i32, i32, i32, i32) {
    %c0_i32 = arith.constant 0 : i32
    %c0_i32_0 = arith.constant 0 : i32
    %c0_i32_1 = arith.constant 0 : i32
    %c0_i32_2 = arith.constant 0 : i32
    return %arg0, %c0_i32, %c0_i32_0, %c0_i32_1 : i32, i32, i32, i32
  }
  func.func @transform_1(%arg0: i32) -> (i32, i32, i32, i32) {
    %c1_i32 = arith.constant 1 : i32
    %c0_i32 = arith.constant 0 : i32
    %c0_i32_0 = arith.constant 0 : i32
    %c0_i32_1 = arith.constant 0 : i32
    return %arg0, %c1_i32, %c0_i32, %c0_i32_0 : i32, i32, i32, i32
  }
  func.func @transform_2(%arg0: i32) -> (i32, i32) {
    %c0_i32 = arith.constant 0 : i32
    %c0_i32_0 = arith.constant 0 : i32
    return %arg0, %c0_i32 : i32, i32
  }
}

</mosaic_0001>

<sc_bundles>
// kernel: kernel.10.cloned.1.call-start
scs
__scs_entry_jumppad:
0x0: {  	(pc) =	sbr.rel $0x88, $3  }
0x1: {  	(tag) =	ssettag $0x0;
	lr =	simm.s32 $0x1  }
0x2: {  	[smem:$0x3F9B] =	sst lr;
	_ =	strace $0xD0000000  }
0x3: {  	_ = 	snop  }
0x4: {  	_ = 	snop  }
0x5: {  	_ = 	snop  }
0x6: {  	_ = 	snop  }
0x7: {  	_ = 	snop  }
__scs_overlays_trampoline_lowered:
0x8: {  	[smem:$0x3FAA] =	sst s0  }
0x9: {  	[smem:$0x3FAB] =	sst s1  }
0xa: {  	[smem:$0x3FAC] =	sst s2  }
0xb: {  	[smem:$0x3FAD] =	sst s3  }
0xc: {  	[smem:$0x3FAE] =	sst s4  }
0xd: {  	[smem:$0x3FAF] =	sst s5  }
0xe: {  	[smem:$0x3FB0] =	sst s6  }
0xf: {  	[smem:$0x3FB1] =	sst s7  }
0x10: {  	[smem:$0x3FB2] =	sst s8  }
0x11: {  	[smem:$0x3FB3] =	sst s9;
	s0 =	simm.s32 @!p0 $0x0  }
0x12: {  	s1 =	sld [smem:$0x3F99];
	s0 =	simm.s32 @p0 $0x1  }
0x13: {  	[smem:$0x3FB4] =	sst s0;
	s0 =	simm.s32 @!p1 $0x0  }
0x14: {  	s2 =	sld [smem:$0x3F98];
	s0 =	simm.s32 @p1 $0x1  }
0x15: {  	[smem:$0x3FB5] =	sst s0;
	s0 =	simm.s32 @!p2 $0x0  }
0x16: {  	s3 =	sld [smem:$0x3FDB];
	s0 =	simm.s32 @p2 $0x1  }
0x17: {  	s4 =	simm.s32 $0x1BF5;
	[smem:$0x3FB7] =	sst s0  }
0x18: {  	s0 =	sld [smem:$0x3F9A];
	_ =	swait.ge [sflag:s4], $0x0  }
0x19: {  	s7 =	sld [smem:$0x3F9B]  }
0x1a: {  	s8 =	sadd.s32 $0xFFFFE003, lr  }
0x1b: {  	s9 =	sadd.s32 $0xFFFFFEF7, lr;
	s5 =	simm.s32 $0xFFFFFFFF;
	p2 =	slt.u32 s8, $0xFFFFF086  }
0x1c: {  	p1 =	slt.u32 s9, $0xF7A;
	s5 =	simm.s32 @!p2 $0x0  }
0x1d: {  	s5 =	simm.s32 @p1 $0x1;
	p0 =	seq.s32 s7, s2  }
0x1e: {  	s7 =	smul.u32 @!p0 $0xF7A, s2;
	p2 =	seq.s32 @!p0 s5, $0x0  }
0x1f: {  	s9 =	smul.u32 $0xF7A, s1;
	s8 =	simm.s32 @!p0 $0x1BF5;
	p2 =	por !p2, p0  }
0x20: {  	[sflag:s8] =	ssyncset.s32 @!p0 $0xFFFFF086;
	s6 =	sadd.s32 @!p0 s3, s7;
	s7 =	simm.s32 @!p0 $0x108  }
0x21: {  	s3 =	sadd.s32 s3, s9;
	s6 =	sadd.s32 @!p0 $0x88, s6;
	s7 =	simm.s32 @p2 $0x1082  }
0x22: {  	[simem:s7], [sflag:s8] =	dma.local @!p0 [hbm:s6], $0xF7A  }
0x23: {  	s9 =	sor.u32 $0xD0000000, s2;
	s6 =	simm.s32 $0x108;
	_ =	swait.ge @!p0 [sflag:s8], $0x0  }
0x24: {  	s3 =	sadd.s32 $0x88, s3;
	s6 =	simm.s32 @!p1 $0x1082;
	[sflag:s4] =	ssyncset.s32 $0xFFFFF086  }
0x25: {  	[simem:s6], [sflag:s4] =	dma.local [hbm:s3], $0xF7A  }
0x26: {  	[smem:$0x3F9B] =	sst s1;
	(tag) =	ssettag s2;
	_ =	strace s9  }
0x27: {  	s1 =	sld [smem:$0x3FAB]  }
0x28: {  	s2 =	sld [smem:$0x3FAC]  }
0x29: {  	s4 =	sld [smem:$0x3FAE]  }
0x2a: {  	p0 =	seq.s32 s5, $0x0;
	s5 =	sld [smem:$0x3FAF]  }
0x2b: {  	s6 =	sld [smem:$0x3FB0]  }
0x2c: {  	s7 =	sld [smem:$0x3FB1]  }
0x2d: {  	s3 =	simm.s32 $0x108;
	s8 =	sld [smem:$0x3FB2]  }
0x2e: {  	s3 =	simm.s32 @!p0 $0x1082;
	s9 =	sld [smem:$0x3FB3]  }
0x2f: {  	lr =	sadd.s32 s0, s3;
	s0 =	sld [smem:$0x3FAA]  }
0x30: {  	s3 =	sld [smem:$0x3FAD]  }
0x31: {  	[smem:$0x3FB6] =	sst s10  }
0x32: {  	s10 =	sld [smem:$0x3FB4];
	_ =	sdelay $0x3  }
0x33: {  	p0 =	seq.s32 s10, $0x1;
	s10 =	sld [smem:$0x3FB6];
	_ =	sdelay $0x3  }
0x34: {  	[smem:$0x3FB6] =	sst s10  }
0x35: {  	s10 =	sld [smem:$0x3FB5];
	_ =	sdelay $0x3  }
0x36: {  	p1 =	seq.s32 s10, $0x1;
	s10 =	sld [smem:$0x3FB6];
	_ =	sdelay $0x3  }
0x37: {  	[smem:$0x3FB6] =	sst s10  }
0x38: {  	s10 =	sld [smem:$0x3FB7]  }
0x39: {  	_ = 	snop;
	(pc) =	sbr.ind lr, $3  }
0x3a: {  	_ = 	snop  }
0x3b: {  	_ = 	snop  }
0x3c: {  	p2 =	seq.s32 s10, $0x1;
	s10 =	sld [smem:$0x3FB6]  }
0x3d: {  	_ =	shalt  }
0x3e: {  	_ =	shalt  }
0x3f: {  	_ =	shalt  }
0x40: {  	_ =	shalt  }
0x41: {  	_ =	shalt  }
0x42: {  	_ =	shalt  }
0x43: {  	_ =	shalt  }
0x44: {  	_ =	shalt  }
0x45: {  	_ =	shalt  }
0x46: {  	_ =	shalt  }
0x47: {  	_ =	shalt  }
0x48: {  	_ =	shalt  }
0x49: {  	_ =	shalt  }
0x4a: {  	_ =	shalt  }
0x4b: {  	_ =	shalt  }
0x4c: {  	_ =	shalt  }
0x4d: {  	_ =	shalt  }
0x4e: {  	_ =	shalt  }
0x4f: {  	_ =	shalt  }
0x50: {  	_ =	shalt  }
0x51: {  	_ =	shalt  }
0x52: {  	_ =	shalt  }
0x53: {  	_ =	shalt  }
0x54: {  	_ =	shalt  }
0x55: {  	_ =	shalt  }
0x56: {  	_ =	shalt  }
0x57: {  	_ =	shalt  }
0x58: {  	_ =	shalt  }
0x59: {  	_ =	shalt  }
0x5a: {  	_ =	shalt  }
0x5b: {  	_ =	shalt  }
0x5c: {  	_ =	shalt  }
0x5d: {  	_ =	shalt  }
0x5e: {  	_ =	shalt  }
0x5f: {  	_ =	shalt  }
0x60: {  	_ =	shalt  }
0x61: {  	_ =	shalt  }
0x62: {  	_ =	shalt  }
0x63: {  	_ =	shalt  }
0x64: {  	_ =	shalt  }
0x65: {  	_ =	shalt  }
0x66: {  	_ =	shalt  }
0x67: {  	_ =	shalt  }
0x68: {  	_ =	shalt  }
0x69: {  	_ =	shalt  }
0x6a: {  	_ =	shalt  }
0x6b: {  	_ =	shalt  }
0x6c: {  	_ =	shalt  }
0x6d: {  	_ =	shalt  }
0x6e: {  	_ =	shalt  }
0x6f: {  	_ =	shalt  }
0x70: {  	_ =	shalt  }
0x71: {  	_ =	shalt  }
0x72: {  	_ =	shalt  }
0x73: {  	_ =	shalt  }
0x74: {  	_ =	shalt  }
0x75: {  	_ =	shalt  }
0x76: {  	_ =	shalt  }
0x77: {  	_ =	shalt  }
0x78: {  	_ =	shalt  }
0x79: {  	_ =	shalt  }
0x7a: {  	_ =	shalt  }
0x7b: {  	_ =	shalt  }
0x7c: {  	_ =	shalt  }
0x7d: {  	_ =	shalt  }
0x7e: {  	_ =	shalt  }
0x7f: {  	_ =	shalt  }
0x80: {  	_ =	shalt  }
0x81: {  	_ =	shalt  }
0x82: {  	_ =	shalt  }
0x83: {  	_ =	shalt  }
0x84: {  	_ =	shalt  }
0x85: {  	_ =	shalt  }
0x86: {  	_ =	shalt  }
0x87: {  	_ =	shalt  }
.Lfunc_end0:
.L_simem_size_0:
called_computation_lowered:
.L_overlay_start_0:
0x88: {  	s2 =	sld [smem:$0x3FD9]  }
0x89: {  	s3 =	sld [smem:$0x3FFE];
	_ =	sdelay $0x1  }
0x8a: {  	s1 =	srdreg.scid  }
0x8b: {  	s0 =	sand.u32 $0x1, s1  }
0x8c: {  	s17 =	sshll.u32 s0, $0xA;
	s2 =	sadd.s32 s3, s2  }
0x8d: {  	s2 =	sadd.s32 s2, s17  }
0x8e: {  	[smem:$0x3FC2] =	sst s2  }
0x8f: {  	_ = 	snop  }
0x90: {  	s2 =	sld [smem:$0x3FD0];
	(tm) =	ssettm $0x1  }
0x91: {  	s18 =	sld [smem:$0x3FFB];
	_ =	sdelay $0x3  }
0x92: {  	_ =	strace s18  }
0x93: {  	s3 =	sld [smem:$0x3FFC];
	_ =	sdelay $0x3  }
0x94: {  	_ =	strace s3  }
0x95: {  	s3 =	sld [smem:$0x3FFD];
	_ =	sdelay $0x3  }
0x96: {  	_ =	strace s3  }
0x97: {  	_ =	strace $0x8FFFFFFF  }
0x98: {  	s19 =	sld [smem:$0x3FDB];
	_ =	sdelay $0x1  }
0x99: {  	s4 =	simm.s32 $_scs_section_size  }
0x9a: {  	s5 =	simm.s32 $_size__tile_overlayer_lowered;
	s6 =	simm.s32 $_tile_overlayer_lowered  }
0x9b: {  	s22 =	simm.s32 $0x1BFF;
	s21 =	sshll.u32 s6, $0x1;
	s3 =	sadd.s32 s4, s19  }
0x9c: {  	s7 =	simm.s32 $0x0;
	s20 =	sshll.u32 s5, $0x1;
	s5 =	sadd.s32 s21, s3  }
0x9d: {  	[timem:s7], [sflag:s22] =	dma.local [hbm:s5], s20  }
0x9e: {  	_ =	swait.ge [sflag:s22], s20  }
0x9f: {  	s4 =	ssub.s32 $0x0, s20;
	[sflag:s22] =	ssyncset.done $0x0  }
0xa0: {  	[sflag:s22] =	ssyncadd.s32 s4;
	_ =	sdelay $0x1  }
0xa1: {  	s23 =	simm.s32 $0x1B8B  }
0xa2: {  	_ =	swait.ge [sflag:s23], $0x1  }
0xa3: {  	[sflag:s23] =	ssyncset.done $0x0  }
0xa4: {  	s25 =	simm.s32 $0x1B8E;
	s24 =	sld [smem:$0x3FFE];
	[sflag:s23] =	ssyncadd.s32 $0xFFFFFFFF  }
0xa5: {  	s26 =	simm.s32 $execute0_lowered;
	[smem:$0x3FD2] =	sst s25  }
0xa6: {  	s5 =	sshll.u32 s26, $0x1;
	_ =	strace $0x80000046;
	[dreg:$0x1] =	wrdreg $0xFFFFFFFF  }
0xa7: {  	s28 =	simm.s32 $_size_execute0_lowered;
	s3 =	sadd.s32 s3, s5;
	[dreg:$0x0] =	wrdreg $0x0  }
0xa8: {  	s5 =	sshll.u32 s28, $0x1;
	[dreg:$0x2] =	wrdreg s3  }
0xa9: {  	[dreg:$0x3] =	wrdreg s5  }
0xaa: {  	[dreg:$0x4] =	wrdreg $0xC0  }
0xab: {  	_ =	task [dreg:s7], $0x5FFFF  }
0xac: {  	[dreg:$0x1] =	wrdreg $0xFFFFFFFF  }
0xad: {  	[dreg:$0x0] =	wrdreg $0x60  }
0xae: {  	[dreg:$0x2] =	wrdreg s24  }
0xaf: {  	[dreg:$0x3] =	wrdreg s2  }
0xb0: {  	[dreg:$0x4] =	wrdreg $0x40000  }
0xb1: {  	[dreg:$0x5] =	wrdreg $0x9  }
0xb2: {  	_ =	task.clear_ibuf [dreg:s7], $0x6FFFF;
	_ =	strace $0x90000046  }
0xb3: {  	s29 =	simm.s32 $0x9;
	_ =	strace $0x80000048  }
0xb4: {  	_ =	swait.ge [sflag:s29], $0x1  }
0xb5: {  	[sflag:s29] =	ssyncadd.s32 $0xFFFFFFFF  }
0xb6: {  	_ =	strace $0x90000048  }
0xb7: {  	_ =	sfence  }
0xb8: {  	s30 =	sld [smem:$0x0];
	_ =	sdelay $0x2  }
0xb9: {  	s31 =	sshll.u32 s1, $0xD;
	s1 =	sshrl.u32 s1, $0x2  }
0xba: {  	s3 =	sand.u32 $0x4000, s31;
	s1 =	sadd.s32 s1, s30  }
0xbb: {  	s0 =	sor.u32 s3, s0;
	s1 =	sshll.u32 s1, $0x11  }
0xbc: {  	s0 =	sor.u32 s1, s0  }
0xbd: {  	s0 =	sadd.s32 $0x8F2B, s0  }
0xbe: {  	[sflag:s0] =	ssyncadd.remote.s32 $0x1  }
0xbf: {  	_ =	sfence.sel $0xFFFF  }
0xc0: {  	[dreg:$0x0] =	wrdreg $0xFFFFFFFF;
	(pc) =	sbr.abs _section_cstart, $3  }
0xc1: {  	[dreg:$0x1] =	wrdreg $0xFFFFFFFF  }
0xc2: {  	_ =	task.clear_ibuf [dreg:s7], $0x2FFFF;
	_ =	strace $0x9FFFFFFF  }
0xc3: {  	(tm) =	ssettm $0x7FFFFFFF  }
tec
execute0_lowered:
.L_overlay_start_1:
0x0: {  	(tag) =	ssettag $0x1  }
0x1: {  	s4 =	rddreg [dreg:$0x0]  }
0x2: {  	s8 =	rddreg [dreg:$0x1]  }
0x3: {  	s2 =	rddreg [dreg:$0x2];
	s3 =	srdreg.scid  }
0x4: {  	s1 =	stileid.u32;
	s0 =	rddreg [dreg:$0x3];
	s12 =	simm.s32 $0x2800  }
0x5: {  	s13 =	simm.s32 $0x80;
	s14 =	simm.s32 $0x0;
	s5 =	sand.u32 $0x1, s3  }
0x6: {  	s6 =	sshll.u32 s1, $0x1;
	s3 =	simm.s32 $0x0;
	s7 =	smul.u32 $0x1400, s1  }
0x7: {  	s6 =	sor.u32 s5, s6;
	[smem:$0x7FF] =	sst s3;
	s10 =	smul.u32 $0x14000, s5  }
0x8: {  	s5 =	ssub.s32 $0x2, s5;
	s6 =	smul.u32 $0x500, s6;
	s9 =	sshrl.u32 s7, $0x3  }
0x9: {  	_ =	strace $0x80000047;
	s31 =	sshrl.u32 s5, $0x1;
	s30 =	sadd.s32 s9, s4  }
0xa: {  	s10 =	sadd.s32 s7, s10;
	s9 =	ssub.s32 s5, s31;
	s11 =	sadd.s32 s6, s4  }
0xb: {  	s4 =	sadd.s32 $0xCE00, s4;
	s5 =	sadd.s32 $0xD000, s30;
	s10 =	sshrl.u32 s10, $0x3  }
0xc: {  	s6 =	sadd.s32 s7, s2;
	s9 =	smax.u32 s9, $0x1;
	s7 =	sadd.s32 $0x2E00, s11  }
0xd: {  	s8 =	sadd.s32 s8, s10;
	s10 =	simm.s32 $0x2C00;
	s11 =	simm.s32 $0x1  }
.LBB2_1:
0xe: {  	[tilespmem:s10], [sflag:$0x1] =	stream.linear.gather [hbm4b:s5+s3], $0x1400, $0x38;
	[tilespmem:$0x5400] =	vst v63  }
0xf: {  	_ =	swait.ge [sflag:s11], $0x1400  }
0x10: {  	[sflag:s11] =	ssyncset.done $0x0  }
0x11: {  	[sflag:s11] =	ssyncadd.s32 $0xFFFFEC00  }
0x12: {  	[spmem:s6] =	stream.linear.scatter [tilespmem:s10], [sflag:$0x1], $0x1400, $0x38;
	[tilespmem:$0x5400] =	vst v63  }
0x13: {  	_ =	swait.ge [sflag:s11], $0x1400  }
0x14: {  	[sflag:s11] =	ssyncset.done $0x0  }
0x15: {  	[sflag:s11] =	ssyncadd.s32 $0xFFFFEC00  }
0x16: {  	[tilespmem:s12], [sflag:$0x1] =	stream.linear.gather [hbm4b:s4+s3], $0x400, $0x38;
	[tilespmem:$0x5400] =	vst v63  }
0x17: {  	_ =	swait.ge [sflag:s11], $0x400  }
0x18: {  	[sflag:s11] =	ssyncset.done $0x0  }
0x19: {  	[sflag:s11] =	ssyncadd.s32 $0xFFFFFC00  }
0x1a: {  	[tilespmem:s3], [sflag:$0x1] =	stream.linear.gather [hbm4b:s7+s3], $0x2800, $0x38;
	[tilespmem:$0x5400] =	vst v63  }
0x1b: {  	_ =	swait.ge [sflag:s11], $0x2800  }
0x1c: {  	[sflag:s11] =	ssyncset.done $0x0  }
0x1d: {  	[sflag:s11] =	ssyncadd.s32 $0xFFFFD800  }
0x1e: {  	s15 =	simm.s32 $0x0;
	[bflag:$0x0] =	sbarrier.arrive $0xFFFF  }
0x1f: {  	[spmem:s2] =	stream.indirect.scatter.add.f32 [tilespmem:s12], [sflag:$0x1], $0x8, s15, s13, $0xb8;
	[tilespmem:$0x5400] =	vst v63  }
0x20: {  	_ =	swait.ge [sflag:s11], $0x400  }
0x21: {  	s15 =	simm.s32 $0x200;
	[sflag:s11] =	ssyncset.done $0x0  }
.LBB2_2:
0x22: {  	s16 =	sshra.s32 s15, $0x2;
	[sflag:s11] =	ssyncadd.s32 $0xFFFFFC00;
	p0 =	sne.s32 s15, $0x9E00  }
0x23: {  	[spmem:s2] =	stream.indirect.scatter.add.f32 [tilespmem:s12], [sflag:$0x1], $0x8, s16, s13, $0xb8;
	[tilespmem:$0x5400] =	vst v63  }
.Ltmp0:
0x24: {  	_ = 	snop;
	(pc) =	sbr.rel @p0 .LBB2_2-.Ltmp0, $4  }
0x25: {  	_ = 	snop  }
0x26: {  	s15 =	sadd.s32 $0x200, s15  }
0x27: {  	_ =	swait.ge [sflag:s11], $0x400  }
0x28: {  	[sflag:s11] =	ssyncset.done $0x0  }
0x29: {  	[sflag:s11] =	ssyncadd.s32 $0xFFFFFC00  }
0x2a: {  	[bflag:$0x0] =	sbarrier.arrive $0xFFFF  }
0x2b: {  	[tilespmem:s10], [sflag:$0x1] =	stream.linear.gather [spmem:s6], $0x1400, $0x38;
	[tilespmem:$0x5400] =	vst v63  }
0x2c: {  	s14 =	sadd.s32 $0x1, s14;
	_ =	swait.ge [sflag:s11], $0x1400  }
0x2d: {  	p0 =	sne.s32 s14, s9;
	[sflag:s11] =	ssyncset.done $0x0  }
.Ltmp1:
0x2e: {  	[sflag:s11] =	ssyncadd.s32 $0xFFFFEC00;
	(pc) =	sbr.rel @p0 .LBB2_1-.Ltmp1, $4  }
0x2f: {  	[hbm4b:s8+s3] =	stream.linear.scatter [tilespmem:s10], [sflag:$0x1], $0x1400, $0x38;
	[tilespmem:$0x5400] =	vst v63  }
0x30: {  	_ =	swait.ge [sflag:s11], $0x1400  }
0x31: {  	[sflag:s11] =	ssyncset.done $0x0  }
0x32: {  	[sflag:s11] =	ssyncadd.s32 $0xFFFFEC00  }
0x33: {  	_ =	sfence.sel $0x180000  }
0x34: {  	[bflag:$0x0] =	sbarrier.arrive $0xFFFF  }
0x35: {  	p0 =	sne.s32 s1, $0x0;
	_ =	strace $0x90000047  }
0x36: {  	s0 =	sadd.s32 @!p0 $0x100000, s0;
	[bflag:$0x2] =	sbarrier.arrive $0xFFFF  }
0x37: {  	[sflag:s0] =	ssyncadd.tile.s32 @!p0 $0x1;
	_ =	shalt  }
.Lfunc_end2:
_tile_overlayer_lowered:
.L_overlay_start_2:
0x38: {  	(tag) =	ssettag $0x2  }
0x39: {  	s0 =	rddreg [dreg:$0x0];
	s2 =	stileid.u32  }
0x3a: {  	s1 =	rddreg [dreg:$0x1];
	p0 =	sne.s32 s2, $0x0  }
0x3b: {  	s3 =	rddreg [dreg:$0x2];
	[bflag:$0x3] =	sbarrier.arrive $0xFFFF;
	s2 =	simm.s32 @!p0 $0x1C01  }
0x3c: {  	[timem:s3], [sflag:s2] =	dma.local @!p0 [hbm:s0], s1  }
0x3d: {  	s0 =	simm.s32 @!p0 $0x1  }
0x3e: {  	_ =	swait.ge @!p0 [sflag:s0], s1  }
0x3f: {  	s1 =	ssub.s32 @!p0 $0x0, s1;
	[sflag:s0] =	ssyncset.done @!p0 $0x0  }
0x40: {  	[sflag:s0] =	ssyncadd.s32 @!p0 s1  }
0x41: {  	[bflag:$0x3] =	sbarrier.arrive $0xFFFF  }
0x42: {  	_ =	shalt  }

// kernel: kernel.13.cloned.1.call-start
scs
__scs_entry_jumppad:
0x0: {  	(pc) =	sbr.rel $0x88, $3  }
0x1: {  	(tag) =	ssettag $0x0;
	lr =	simm.s32 $0x1  }
0x2: {  	[smem:$0x3F9B] =	sst lr;
	_ =	strace $0xD0000000  }
0x3: {  	_ = 	snop  }
0x4: {  	_ = 	snop  }
0x5: {  	_ = 	snop  }
0x6: {  	_ = 	snop  }
0x7: {  	_ = 	snop  }
__scs_overlays_trampoline_lowered:
0x8: {  	[smem:$0x3FAA] =	sst s0  }
0x9: {  	[smem:$0x3FAB] =	sst s1  }
0xa: {  	[smem:$0x3FAC] =	sst s2  }
0xb: {  	[smem:$0x3FAD] =	sst s3  }
0xc: {  	[smem:$0x3FAE] =	sst s4  }
0xd: {  	[smem:$0x3FAF] =	sst s5  }
0xe: {  	[smem:$0x3FB0] =	sst s6  }
0xf: {  	[smem:$0x3FB1] =	sst s7  }
0x10: {  	[smem:$0x3FB2] =	sst s8  }
0x11: {  	[smem:$0x3FB3] =	sst s9;
	s0 =	simm.s32 @!p0 $0x0  }
0x12: {  	s1 =	sld [smem:$0x3F99];
	s0 =	simm.s32 @p0 $0x1  }
0x13: {  	[smem:$0x3FB4] =	sst s0;
	s0 =	simm.s32 @!p1 $0x0  }
0x14: {  	s2 =	sld [smem:$0x3F98];
	s0 =	simm.s32 @p1 $0x1  }
0x15: {  	[smem:$0x3FB5] =	sst s0;
	s0 =	simm.s32 @!p2 $0x0  }
0x16: {  	s3 =	sld [smem:$0x3FDB];
	s0 =	simm.s32 @p2 $0x1  }
0x17: {  	s4 =	simm.s32 $0x1BF5;
	[smem:$0x3FB7] =	sst s0  }
0x18: {  	s0 =	sld [smem:$0x3F9A];
	_ =	swait.ge [sflag:s4], $0x0  }
0x19: {  	s7 =	sld [smem:$0x3F9B]  }
0x1a: {  	s8 =	sadd.s32 $0xFFFFE003, lr  }
0x1b: {  	s9 =	sadd.s32 $0xFFFFFEF7, lr;
	s5 =	simm.s32 $0xFFFFFFFF;
	p2 =	slt.u32 s8, $0xFFFFF086  }
0x1c: {  	p1 =	slt.u32 s9, $0xF7A;
	s5 =	simm.s32 @!p2 $0x0  }
0x1d: {  	s5 =	simm.s32 @p1 $0x1;
	p0 =	seq.s32 s7, s2  }
0x1e: {  	s7 =	smul.u32 @!p0 $0xF7A, s2;
	p2 =	seq.s32 @!p0 s5, $0x0  }
0x1f: {  	s9 =	smul.u32 $0xF7A, s1;
	s8 =	simm.s32 @!p0 $0x1BF5;
	p2 =	por !p2, p0  }
0x20: {  	[sflag:s8] =	ssyncset.s32 @!p0 $0xFFFFF086;
	s6 =	sadd.s32 @!p0 s3, s7;
	s7 =	simm.s32 @!p0 $0x108  }
0x21: {  	s3 =	sadd.s32 s3, s9;
	s6 =	sadd.s32 @!p0 $0x88, s6;
	s7 =	simm.s32 @p2 $0x1082  }
0x22: {  	[simem:s7], [sflag:s8] =	dma.local @!p0 [hbm:s6], $0xF7A  }
0x23: {  	s9 =	sor.u32 $0xD0000000, s2;
	s6 =	simm.s32 $0x108;
	_ =	swait.ge @!p0 [sflag:s8], $0x0  }
0x24: {  	s3 =	sadd.s32 $0x88, s3;
	s6 =	simm.s32 @!p1 $0x1082;
	[sflag:s4] =	ssyncset.s32 $0xFFFFF086  }
0x25: {  	[simem:s6], [sflag:s4] =	dma.local [hbm:s3], $0xF7A  }
0x26: {  	[smem:$0x3F9B] =	sst s1;
	(tag) =	ssettag s2;
	_ =	strace s9  }
0x27: {  	s1 =	sld [smem:$0x3FAB]  }
0x28: {  	s2 =	sld [smem:$0x3FAC]  }
0x29: {  	s4 =	sld [smem:$0x3FAE]  }
0x2a: {  	p0 =	seq.s32 s5, $0x0;
	s5 =	sld [smem:$0x3FAF]  }
0x2b: {  	s6 =	sld [smem:$0x3FB0]  }
0x2c: {  	s7 =	sld [smem:$0x3FB1]  }
0x2d: {  	s3 =	simm.s32 $0x108;
	s8 =	sld [smem:$0x3FB2]  }
0x2e: {  	s3 =	simm.s32 @!p0 $0x1082;
	s9 =	sld [smem:$0x3FB3]  }
0x2f: {  	lr =	sadd.s32 s0, s3;
	s0 =	sld [smem:$0x3FAA]  }
0x30: {  	s3 =	sld [smem:$0x3FAD]  }
0x31: {  	[smem:$0x3FB6] =	sst s10  }
0x32: {  	s10 =	sld [smem:$0x3FB4];
	_ =	sdelay $0x3  }
0x33: {  	p0 =	seq.s32 s10, $0x1;
	s10 =	sld [smem:$0x3FB6];
	_ =	sdelay $0x3  }
0x34: {  	[smem:$0x3FB6] =	sst s10  }
0x35: {  	s10 =	sld [smem:$0x3FB5];
	_ =	sdelay $0x3  }
0x36: {  	p1 =	seq.s32 s10, $0x1;
	s10 =	sld [smem:$0x3FB6];
	_ =	sdelay $0x3  }
0x37: {  	[smem:$0x3FB6] =	sst s10  }
0x38: {  	s10 =	sld [smem:$0x3FB7]  }
0x39: {  	_ = 	snop;
	(pc) =	sbr.ind lr, $3  }
0x3a: {  	_ = 	snop  }
0x3b: {  	_ = 	snop  }
0x3c: {  	p2 =	seq.s32 s10, $0x1;
	s10 =	sld [smem:$0x3FB6]  }
0x3d: {  	_ =	shalt  }
0x3e: {  	_ =	shalt  }
0x3f: {  	_ =	shalt  }
0x40: {  	_ =	shalt  }
0x41: {  	_ =	shalt  }
0x42: {  	_ =	shalt  }
0x43: {  	_ =	shalt  }
0x44: {  	_ =	shalt  }
0x45: {  	_ =	shalt  }
0x46: {  	_ =	shalt  }
0x47: {  	_ =	shalt  }
0x48: {  	_ =	shalt  }
0x49: {  	_ =	shalt  }
0x4a: {  	_ =	shalt  }
0x4b: {  	_ =	shalt  }
0x4c: {  	_ =	shalt  }
0x4d: {  	_ =	shalt  }
0x4e: {  	_ =	shalt  }
0x4f: {  	_ =	shalt  }
0x50: {  	_ =	shalt  }
0x51: {  	_ =	shalt  }
0x52: {  	_ =	shalt  }
0x53: {  	_ =	shalt  }
0x54: {  	_ =	shalt  }
0x55: {  	_ =	shalt  }
0x56: {  	_ =	shalt  }
0x57: {  	_ =	shalt  }
0x58: {  	_ =	shalt  }
0x59: {  	_ =	shalt  }
0x5a: {  	_ =	shalt  }
0x5b: {  	_ =	shalt  }
0x5c: {  	_ =	shalt  }
0x5d: {  	_ =	shalt  }
0x5e: {  	_ =	shalt  }
0x5f: {  	_ =	shalt  }
0x60: {  	_ =	shalt  }
0x61: {  	_ =	shalt  }
0x62: {  	_ =	shalt  }
0x63: {  	_ =	shalt  }
0x64: {  	_ =	shalt  }
0x65: {  	_ =	shalt  }
0x66: {  	_ =	shalt  }
0x67: {  	_ =	shalt  }
0x68: {  	_ =	shalt  }
0x69: {  	_ =	shalt  }
0x6a: {  	_ =	shalt  }
0x6b: {  	_ =	shalt  }
0x6c: {  	_ =	shalt  }
0x6d: {  	_ =	shalt  }
0x6e: {  	_ =	shalt  }
0x6f: {  	_ =	shalt  }
0x70: {  	_ =	shalt  }
0x71: {  	_ =	shalt  }
0x72: {  	_ =	shalt  }
0x73: {  	_ =	shalt  }
0x74: {  	_ =	shalt  }
0x75: {  	_ =	shalt  }
0x76: {  	_ =	shalt  }
0x77: {  	_ =	shalt  }
0x78: {  	_ =	shalt  }
0x79: {  	_ =	shalt  }
0x7a: {  	_ =	shalt  }
0x7b: {  	_ =	shalt  }
0x7c: {  	_ =	shalt  }
0x7d: {  	_ =	shalt  }
0x7e: {  	_ =	shalt  }
0x7f: {  	_ =	shalt  }
0x80: {  	_ =	shalt  }
0x81: {  	_ =	shalt  }
0x82: {  	_ =	shalt  }
0x83: {  	_ =	shalt  }
0x84: {  	_ =	shalt  }
0x85: {  	_ =	shalt  }
0x86: {  	_ =	shalt  }
0x87: {  	_ =	shalt  }
.Lfunc_end0:
.L_simem_size_0:
called_computation.1_lowered:
.L_overlay_start_0:
0x88: {  	s2 =	sld [smem:$0x3FD9]  }
0x89: {  	s3 =	sld [smem:$0x3FFE];
	_ =	sdelay $0x1  }
0x8a: {  	s1 =	srdreg.scid  }
0x8b: {  	s0 =	sand.u32 $0x1, s1  }
0x8c: {  	s16 =	sshll.u32 s0, $0xA;
	s2 =	sadd.s32 s3, s2  }
0x8d: {  	s2 =	sadd.s32 s2, s16  }
0x8e: {  	[smem:$0x3FC2] =	sst s2  }
0x8f: {  	_ = 	snop  }
0x90: {  	(tm) =	ssettm $0x1  }
0x91: {  	s17 =	sld [smem:$0x3FFB];
	_ =	sdelay $0x3  }
0x92: {  	_ =	strace s17  }
0x93: {  	s2 =	sld [smem:$0x3FFC];
	_ =	sdelay $0x3  }
0x94: {  	_ =	strace s2  }
0x95: {  	s2 =	sld [smem:$0x3FFD];
	_ =	sdelay $0x3  }
0x96: {  	_ =	strace s2  }
0x97: {  	_ =	strace $0x8FFFFFFF  }
0x98: {  	s18 =	sld [smem:$0x3FDB];
	_ =	sdelay $0x1  }
0x99: {  	s19 =	simm.s32 $_scs_section_size  }
0x9a: {  	s4 =	simm.s32 $_size__tile_overlayer_lowered;
	s5 =	simm.s32 $_tile_overlayer_lowered  }
0x9b: {  	s22 =	simm.s32 $0x1BFF;
	s21 =	sshll.u32 s5, $0x1;
	s2 =	sadd.s32 s19, s18  }
0x9c: {  	s6 =	simm.s32 $0x0;
	s20 =	sshll.u32 s4, $0x1;
	s4 =	sadd.s32 s21, s2  }
0x9d: {  	[timem:s6], [sflag:s22] =	dma.local [hbm:s4], s20  }
0x9e: {  	_ =	swait.ge [sflag:s22], s20  }
0x9f: {  	s3 =	ssub.s32 $0x0, s20;
	[sflag:s22] =	ssyncset.done $0x0  }
0xa0: {  	[sflag:s22] =	ssyncadd.s32 s3;
	_ =	sdelay $0x1  }
0xa1: {  	s23 =	simm.s32 $0x1B8B  }
0xa2: {  	_ =	swait.ge [sflag:s23], $0x1  }
0xa3: {  	[sflag:s23] =	ssyncset.done $0x0  }
0xa4: {  	s25 =	simm.s32 $0x1B8E;
	s24 =	sld [smem:$0x3FFE];
	[sflag:s23] =	ssyncadd.s32 $0xFFFFFFFF  }
0xa5: {  	s26 =	simm.s32 $execute0_lowered;
	[smem:$0x3FD2] =	sst s25  }
0xa6: {  	s4 =	sshll.u32 s26, $0x1;
	_ =	strace $0x80000049;
	[dreg:$0x1] =	wrdreg $0xFFFFFFFF  }
0xa7: {  	s28 =	simm.s32 $_size_execute0_lowered;
	s2 =	sadd.s32 s2, s4;
	[dreg:$0x0] =	wrdreg $0x0  }
0xa8: {  	s4 =	sshll.u32 s28, $0x1;
	[dreg:$0x2] =	wrdreg s2  }
0xa9: {  	[dreg:$0x3] =	wrdreg s4  }
0xaa: {  	[dreg:$0x4] =	wrdreg $0xC0  }
0xab: {  	_ =	task [dreg:s6], $0x5FFFF  }
0xac: {  	[dreg:$0x1] =	wrdreg $0xFFFFFFFF  }
0xad: {  	[dreg:$0x0] =	wrdreg $0x60  }
0xae: {  	[dreg:$0x2] =	wrdreg s24  }
0xaf: {  	[dreg:$0x3] =	wrdreg $0x118000  }
0xb0: {  	[dreg:$0x4] =	wrdreg $0xC8000  }
0xb1: {  	[dreg:$0x5] =	wrdreg $0x9  }
0xb2: {  	_ =	task.clear_ibuf [dreg:s6], $0x6FFFF;
	_ =	strace $0x90000049  }
0xb3: {  	s29 =	simm.s32 $0x9;
	_ =	strace $0x8000004B  }
0xb4: {  	_ =	swait.ge [sflag:s29], $0x1  }
0xb5: {  	[sflag:s29] =	ssyncadd.s32 $0xFFFFFFFF  }
0xb6: {  	_ =	strace $0x9000004B  }
0xb7: {  	_ =	sfence  }
0xb8: {  	s30 =	sld [smem:$0x0];
	_ =	sdelay $0x2  }
0xb9: {  	s31 =	sshll.u32 s1, $0xD;
	s1 =	sshrl.u32 s1, $0x2  }
0xba: {  	s3 =	sand.u32 $0x4000, s31;
	s1 =	sadd.s32 s1, s30  }
0xbb: {  	s0 =	sor.u32 s3, s0;
	s1 =	sshll.u32 s1, $0x11  }
0xbc: {  	s0 =	sor.u32 s1, s0  }
0xbd: {  	s0 =	sadd.s32 $0x8F2B, s0  }
0xbe: {  	[sflag:s0] =	ssyncadd.remote.s32 $0x1  }
0xbf: {  	_ =	sfence.sel $0xFFFF  }
0xc0: {  	[dreg:$0x0] =	wrdreg $0xFFFFFFFF;
	(pc) =	sbr.abs _section_cstart, $3  }
0xc1: {  	[dreg:$0x1] =	wrdreg $0xFFFFFFFF  }
0xc2: {  	_ =	task.clear_ibuf [dreg:s6], $0x2FFFF;
	_ =	strace $0x9FFFFFFF  }
0xc3: {  	(tm) =	ssettm $0x7FFFFFFF  }
tec
execute0_lowered:
.L_overlay_start_1:
0x0: {  	(tag) =	ssettag $0x1  }
0x1: {  	s5 =	rddreg [dreg:$0x0]  }
0x2: {  	s0 =	stileid.u32;
	s2 =	rddreg [dreg:$0x1]  }
0x3: {  	s1 =	srdreg.scid;
	s3 =	rddreg [dreg:$0x2]  }
0x4: {  	s4 =	simm.s32 $0x0;
	s16 =	simm.s32 $0x3;
	s17 =	simm.s32 $0x2C00  }
0x5: {  	s18 =	simm.s32 $0x80;
	s19 =	simm.s32 $0x5800;
	s7 =	smul.u32 $0xA000, s0  }
0x6: {  	s20 =	simm.s32 $0x1;
	s6 =	sand.u32 $0x1, s1;
	s9 =	smul.u32 $0x2C00, s0  }
0x7: {  	s21 =	simm.s32 $0x6800;
	s22 =	simm.s32 $0x2;
	s8 =	smul.u32 $0x2C000, s6  }
0x8: {  	s23 =	simm.s32 $0x0;
	[smem:$0x7FF] =	sst s4;
	s10 =	smul.u32 $0xA0000, s6  }
0x9: {  	_ =	strace $0x8000004A;
	s29 =	ssub.s32 $0x2, s6;
	p0 =	seq.s32 s6, $0x0  }
0xa: {  	s11 =	sshrl.u32 s7, $0x4;
	s30 =	sshrl.u32 s29, $0x1;
	s31 =	sshrl.u32 s7, $0x1  }
0xb: {  	s11 =	sadd.s32 s11, s5;
	s8 =	sadd.s32 s9, s8;
	s28 =	sadd.s32 s7, s10  }
0xc: {  	s14 =	ssub.s32 s29, s30;
	s7 =	sadd.s32 s31, s2;
	s8 =	sshrl.u32 s8, $0x3  }
0xd: {  	s9 =	sshrl.u32 s28, $0x4;
	s6 =	sadd.s32 $0xF800, s11;
	s12 =	sadd.s32 s8, s5  }
0xe: {  	s13 =	sadd.s32 s9, s5;
	s5 =	simm.s32 $0x58;
	s8 =	sadd.s32 $0x2E00, s11  }
0xf: {  	s9 =	sadd.s32 s31, s3;
	s5 =	simm.s32 @!p0 $0x48;
	s10 =	sadd.s32 $0x2D800, s12  }
0x10: {  	s11 =	sadd.s32 $0x38800, s12;
	s12 =	sadd.s32 $0x43800, s13;
	s15 =	sshrl.u32 s5, $0x1  }
0x11: {  	s13 =	smax.u32 s14, $0x1;
	s14 =	sadd.s32 $0xFFFFFFFF, s15;
	s15 =	simm.s32 $0x7800  }
.LBB2_1:
0x12: {  	[tilespmem:s15], [sflag:$0x3] =	stream.linear.gather [hbm4b:s6+s4], $0x5000, $0x38;
	[tilespmem:$0x16800] =	vst v63  }
0x13: {  	_ =	swait.ge [sflag:s16], $0x5000  }
0x14: {  	[sflag:s16] =	ssyncset.done $0x0  }
0x15: {  	[sflag:s16] =	ssyncadd.s32 $0xFFFFB000  }
0x16: {  	[spmem:s7] =	stream.linear.scatter [tilespmem:s15], [sflag:$0x3], $0x5000, $0x38;
	[tilespmem:$0x16800] =	vst v63  }
0x17: {  	_ =	swait.ge [sflag:s16], $0x5000  }
0x18: {  	[sflag:s16] =	ssyncset.done $0x0  }
0x19: {  	[sflag:s16] =	ssyncadd.s32 $0xFFFFB000  }
0x1a: {  	[tilespmem:s15], [sflag:$0x3] =	stream.linear.gather [hbm4b:s8+s4], $0x5000, $0x38;
	[tilespmem:$0x16800] =	vst v63  }
0x1b: {  	_ =	swait.ge [sflag:s16], $0x5000  }
0x1c: {  	[sflag:s16] =	ssyncset.done $0x0  }
0x1d: {  	[sflag:s16] =	ssyncadd.s32 $0xFFFFB000  }
0x1e: {  	[spmem:s9] =	stream.linear.scatter [tilespmem:s15], [sflag:$0x3], $0x5000, $0x38;
	[tilespmem:$0x16800] =	vst v63  }
0x1f: {  	_ =	swait.ge [sflag:s16], $0x5000  }
0x20: {  	[sflag:s16] =	ssyncset.done $0x0  }
0x21: {  	[sflag:s16] =	ssyncadd.s32 $0xFFFFB000  }
0x22: {  	[tilespmem:s4], [sflag:$0x3] =	stream.linear.gather [hbm4b:s10+s4], $0x2C00, $0x38;
	[tilespmem:$0x16800] =	vst v63  }
0x23: {  	_ =	swait.ge [sflag:s16], $0x2C00  }
0x24: {  	[sflag:s16] =	ssyncset.done $0x0  }
0x25: {  	[sflag:s16] =	ssyncadd.s32 $0xFFFFD400  }
0x26: {  	[tilespmem:s17], [sflag:$0x3] =	stream.linear.gather [hbm4b:s11+s4], $0x2C00, $0x38;
	[tilespmem:$0x16800] =	vst v63  }
0x27: {  	_ =	swait.ge [sflag:s16], $0x2C00  }
0x28: {  	[sflag:s16] =	ssyncset.done $0x0  }
0x29: {  	[sflag:s16] =	ssyncadd.s32 $0xFFFFD400  }
0x2a: {  	[bflag:$0x0] =	sbarrier.arrive $0xFFFF  }
0x2b: {  	[tilespmem:s19], [sflag:$0x1] =	stream.indirect.gather [spmem:s3], $0x20, s4, s18, $0xb8;
	[tilespmem:$0x16800] =	vst v63  }
0x2c: {  	_ =	swait.ge [sflag:s20], $0x1000  }
0x2d: {  	[sflag:s20] =	ssyncset.done $0x0  }
0x2e: {  	s24 =	simm.s32 $0x80;
	[sflag:s20] =	ssyncadd.s32 $0xFFFFF000  }
0x2f: {  	[tilespmem:s21], [sflag:$0x2] =	stream.indirect.gather [spmem:s3], $0x20, s24, s18, $0xb8;
	[tilespmem:$0x16800] =	vst v63  }
0x30: {  	s31 =	simm.s32 $0x2C00  }
0x31: {  	[spmem:s2] =	stream.indirect.scatter.add.bf16 [tilespmem:s19], [sflag:$0x3], $0x20, s31, s18, $0xb8;
	[tilespmem:$0x16800] =	vst v63  }
0x32: {  	_ =	swait.ge [sflag:s16], $0x1000  }
0x33: {  	[sflag:s16] =	ssyncset.done $0x0  }
0x34: {  	[sflag:s16] =	ssyncadd.s32 $0xFFFFF000  }
0x35: {  	p0 =	sle.u32 s5, $0x2;
	_ =	swait.ge [sflag:s22], $0x1000  }
0x36: {  	s29 =	sadd.s32 $0xFFFFFFFF, s14;
	s25 =	simm.s32 @!p0 $0x80;
	[sflag:s22] =	ssyncset.done $0x0  }
0x37: {  	s26 =	simm.s32 @!p0 $0x5800;
	s24 =	simm.s32 $0x100;
	[sflag:s22] =	ssyncadd.s32 $0xFFFFF000  }
0x38: {  	[tilespmem:s26], [sflag:$0x1] =	stream.indirect.gather @!p0 [spmem:s3], $0x20, s24, s25, $0xb8;
	[tilespmem:$0x16800] =	vst v63  }
0x39: {  	p0 =	sne.s32 s29, $0x0  }
.Ltmp0:
0x3a: {  	_ = 	snop;
	(pc) =	sbr.rel @!p0 .LBB2_3-.Ltmp0, $4  }
0x3b: {  	s28 =	simm.s32 $0x2C80  }
0x3c: {  	[spmem:s2] =	stream.indirect.scatter.add.bf16 [tilespmem:s21], [sflag:$0x3], $0x20, s28, s18, $0xb8;
	[tilespmem:$0x16800] =	vst v63  }
0x3d: {  	s30 =	simm.s32 $0x100;
	_ =	swait.ge [sflag:s16], $0x1000  }
0x3e: {  	s26 =	simm.s32 $0x4;
	s25 =	simm.s32 $0x2D80;
	[sflag:s16] =	ssyncset.done $0x0  }
.LBB2_2:
0x3f: {  	s30 =	smov.u32 s24;
	s28 =	smov.u32 s25  }
0x40: {  	s29 =	sadd.s32 $0xFFFFFFFF, s29;
	s24 =	sadd.s32 $0x100, s24;
	[sflag:s16] =	ssyncadd.s32 $0xFFFFF000  }
0x41: {  	p0 =	sne.s32 s29, $0x0  }
0x42: {  	_ =	swait.ge [sflag:s20], $0x1000  }
0x43: {  	[sflag:s20] =	ssyncset.done $0x0  }
0x44: {  	s31 =	sadd.s32 $0xFFFFFF80, s24;
	[sflag:s20] =	ssyncadd.s32 $0xFFFFF000  }
0x45: {  	[tilespmem:s21], [sflag:$0x2] =	stream.indirect.gather [spmem:s3], $0x20, s31, s18, $0xb8;
	[tilespmem:$0x16800] =	vst v63  }
0x46: {  	s31 =	sadd.s32 $0xFFFFFF80, s25  }
0x47: {  	[spmem:s2] =	stream.indirect.scatter.add.bf16 [tilespmem:s19], [sflag:$0x3], $0x20, s31, s18, $0xb8;
	[tilespmem:$0x16800] =	vst v63  }
0x48: {  	_ =	swait.ge [sflag:s16], $0x1000  }
0x49: {  	[sflag:s16] =	ssyncset.done $0x0  }
0x4a: {  	[sflag:s16] =	ssyncadd.s32 $0xFFFFF000  }
0x4b: {  	_ =	swait.ge [sflag:s22], $0x1000  }
0x4c: {  	p1 =	sge.u32 s26, s5;
	[sflag:s22] =	ssyncset.done $0x0  }
0x4d: {  	s1 =	simm.s32 @!p1 $0x5800;
	s31 =	simm.s32 @!p1 $0x80;
	[sflag:s22] =	ssyncadd.s32 $0xFFFFF000  }
0x4e: {  	[tilespmem:s1], [sflag:$0x1] =	stream.indirect.gather @!p1 [spmem:s3], $0x20, s24, s31, $0xb8;
	[tilespmem:$0x16800] =	vst v63  }
.Ltmp1:
0x4f: {  	_ = 	snop;
	(pc) =	sbr.rel @p0 .LBB2_2-.Ltmp1, $4  }
0x50: {  	_ = 	snop  }
0x51: {  	[spmem:s2] =	stream.indirect.scatter.add.bf16 [tilespmem:s21], [sflag:$0x3], $0x20, s25, s18, $0xb8;
	[tilespmem:$0x16800] =	vst v63  }
0x52: {  	_ =	swait.ge [sflag:s16], $0x1000  }
0x53: {  	s26 =	sadd.s32 $0x2, s26;
	s25 =	sadd.s32 $0x100, s25;
	[sflag:s16] =	ssyncset.done $0x0  }
.LBB2_3:
0x54: {  	[sflag:s16] =	ssyncadd.s32 $0xFFFFF000  }
0x55: {  	_ =	swait.ge [sflag:s20], $0x1000  }
0x56: {  	[sflag:s20] =	ssyncset.done $0x0  }
0x57: {  	s1 =	sadd.s32 $0x80, s30;
	[sflag:s20] =	ssyncadd.s32 $0xFFFFF000  }
0x58: {  	[tilespmem:s21], [sflag:$0x2] =	stream.indirect.gather [spmem:s3], $0x20, s1, s18, $0xb8;
	[tilespmem:$0x16800] =	vst v63  }
0x59: {  	s31 =	sadd.s32 $0x80, s28  }
0x5a: {  	[spmem:s2] =	stream.indirect.scatter.add.bf16 [tilespmem:s19], [sflag:$0x3], $0x20, s31, s18, $0xb8;
	[tilespmem:$0x16800] =	vst v63  }
0x5b: {  	_ =	swait.ge [sflag:s16], $0x1000  }
0x5c: {  	[sflag:s16] =	ssyncset.done $0x0  }
0x5d: {  	[sflag:s16] =	ssyncadd.s32 $0xFFFFF000  }
0x5e: {  	p0 =	sge.u32 s26, s5;
	_ =	swait.ge [sflag:s22], $0x1000  }
0x5f: {  	s26 =	simm.s32 @!p0 $0x5800;
	[sflag:s22] =	ssyncset.done $0x0  }
0x60: {  	s1 =	sadd.s32 $0x100, s24;
	s24 =	simm.s32 @!p0 $0x80;
	[sflag:s22] =	ssyncadd.s32 $0xFFFFF000  }
0x61: {  	[tilespmem:s26], [sflag:$0x1] =	stream.indirect.gather @!p0 [spmem:s3], $0x20, s1, s24, $0xb8;
	[tilespmem:$0x16800] =	vst v63  }
0x62: {  	_ = 	snop  }
0x63: {  	[spmem:s2] =	stream.indirect.scatter.add.bf16 [tilespmem:s21], [sflag:$0x3], $0x20, s25, s18, $0xb8;
	[tilespmem:$0x16800] =	vst v63  }
0x64: {  	_ =	swait.ge [sflag:s16], $0x1000  }
0x65: {  	[sflag:s16] =	ssyncset.done $0x0  }
0x66: {  	[sflag:s16] =	ssyncadd.s32 $0xFFFFF000  }
0x67: {  	[bflag:$0x0] =	sbarrier.arrive $0xFFFF  }
0x68: {  	[tilespmem:s15], [sflag:$0x3] =	stream.linear.gather [spmem:s7], $0x5000, $0x38;
	[tilespmem:$0x16800] =	vst v63  }
0x69: {  	s23 =	sadd.s32 $0x1, s23;
	_ =	swait.ge [sflag:s16], $0x5000  }
0x6a: {  	p0 =	sne.s32 s23, s13;
	[sflag:s16] =	ssyncset.done $0x0  }
.Ltmp2:
0x6b: {  	[sflag:s16] =	ssyncadd.s32 $0xFFFFB000;
	(pc) =	sbr.rel @p0 .LBB2_1-.Ltmp2, $4  }
0x6c: {  	[hbm4b:s12+s4] =	stream.linear.scatter [tilespmem:s15], [sflag:$0x3], $0x5000, $0x38;
	[tilespmem:$0x16800] =	vst v63  }
0x6d: {  	_ =	swait.ge [sflag:s16], $0x5000  }
0x6e: {  	[sflag:s16] =	ssyncset.done $0x0  }
0x6f: {  	[sflag:s16] =	ssyncadd.s32 $0xFFFFB000  }
0x70: {  	_ =	sfence.sel $0x180000  }
0x71: {  	[bflag:$0x0] =	sbarrier.arrive $0xFFFF  }
0x72: {  	_ =	strace $0x9000004A  }
0x73: {  	[bflag:$0x2] =	sbarrier.arrive $0xFFFF  }
0x74: {  	p0 =	sne.s32 s0, $0x0;
	s0 =	rddreg [dreg:$0x3]  }
0x75: {  	s0 =	sadd.s32 @!p0 $0x100000, s0  }
0x76: {  	[sflag:s0] =	ssyncadd.tile.s32 @!p0 $0x1;
	_ =	shalt  }
.Lfunc_end2:
_tile_overlayer_lowered:
.L_overlay_start_2:
0x77: {  	(tag) =	ssettag $0x2  }
0x78: {  	s0 =	rddreg [dreg:$0x0];
	s2 =	stileid.u32  }
0x79: {  	s1 =	rddreg [dreg:$0x1];
	p0 =	sne.s32 s2, $0x0  }
0x7a: {  	s3 =	rddreg [dreg:$0x2];
	[bflag:$0x3] =	sbarrier.arrive $0xFFFF;
	s2 =	simm.s32 @!p0 $0x1C03  }
0x7b: {  	[timem:s3], [sflag:s2] =	dma.local @!p0 [hbm:s0], s1  }
0x7c: {  	s0 =	simm.s32 @!p0 $0x3  }
0x7d: {  	_ =	swait.ge @!p0 [sflag:s0], s1  }
0x7e: {  	s1 =	ssub.s32 @!p0 $0x0, s1;
	[sflag:s0] =	ssyncset.done @!p0 $0x0  }
0x7f: {  	[sflag:s0] =	ssyncadd.s32 @!p0 s1  }
0x80: {  	[bflag:$0x3] =	sbarrier.arrive $0xFFFF  }
0x81: {  	_ =	shalt  }

// kernel: kernel.16.cloned.1.call-start
scs
__scs_entry_jumppad:
0x0: {  	(pc) =	sbr.rel $0x88, $3  }
0x1: {  	(tag) =	ssettag $0x0;
	lr =	simm.s32 $0x1  }
0x2: {  	[smem:$0x3F9B] =	sst lr;
	_ =	strace $0xD0000000  }
0x3: {  	_ = 	snop  }
0x4: {  	_ = 	snop  }
0x5: {  	_ = 	snop  }
0x6: {  	_ = 	snop  }
0x7: {  	_ = 	snop  }
__scs_overlays_trampoline_lowered:
0x8: {  	[smem:$0x3FAA] =	sst s0  }
0x9: {  	[smem:$0x3FAB] =	sst s1  }
0xa: {  	[smem:$0x3FAC] =	sst s2  }
0xb: {  	[smem:$0x3FAD] =	sst s3  }
0xc: {  	[smem:$0x3FAE] =	sst s4  }
0xd: {  	[smem:$0x3FAF] =	sst s5  }
0xe: {  	[smem:$0x3FB0] =	sst s6  }
0xf: {  	[smem:$0x3FB1] =	sst s7  }
0x10: {  	[smem:$0x3FB2] =	sst s8  }
0x11: {  	[smem:$0x3FB3] =	sst s9;
	s0 =	simm.s32 @!p0 $0x0  }
0x12: {  	s1 =	sld [smem:$0x3F99];
	s0 =	simm.s32 @p0 $0x1  }
0x13: {  	[smem:$0x3FB4] =	sst s0;
	s0 =	simm.s32 @!p1 $0x0  }
0x14: {  	s2 =	sld [smem:$0x3F98];
	s0 =	simm.s32 @p1 $0x1  }
0x15: {  	[smem:$0x3FB5] =	sst s0;
	s0 =	simm.s32 @!p2 $0x0  }
0x16: {  	s3 =	sld [smem:$0x3FDB];
	s0 =	simm.s32 @p2 $0x1  }
0x17: {  	s4 =	simm.s32 $0x1BF5;
	[smem:$0x3FB7] =	sst s0  }
0x18: {  	s0 =	sld [smem:$0x3F9A];
	_ =	swait.ge [sflag:s4], $0x0  }
0x19: {  	s7 =	sld [smem:$0x3F9B]  }
0x1a: {  	s8 =	sadd.s32 $0xFFFFE003, lr  }
0x1b: {  	s9 =	sadd.s32 $0xFFFFFEF7, lr;
	s5 =	simm.s32 $0xFFFFFFFF;
	p2 =	slt.u32 s8, $0xFFFFF086  }
0x1c: {  	p1 =	slt.u32 s9, $0xF7A;
	s5 =	simm.s32 @!p2 $0x0  }
0x1d: {  	s5 =	simm.s32 @p1 $0x1;
	p0 =	seq.s32 s7, s2  }
0x1e: {  	s7 =	smul.u32 @!p0 $0xF7A, s2;
	p2 =	seq.s32 @!p0 s5, $0x0  }
0x1f: {  	s9 =	smul.u32 $0xF7A, s1;
	s8 =	simm.s32 @!p0 $0x1BF5;
	p2 =	por !p2, p0  }
0x20: {  	[sflag:s8] =	ssyncset.s32 @!p0 $0xFFFFF086;
	s6 =	sadd.s32 @!p0 s3, s7;
	s7 =	simm.s32 @!p0 $0x108  }
0x21: {  	s3 =	sadd.s32 s3, s9;
	s6 =	sadd.s32 @!p0 $0x88, s6;
	s7 =	simm.s32 @p2 $0x1082  }
0x22: {  	[simem:s7], [sflag:s8] =	dma.local @!p0 [hbm:s6], $0xF7A  }
0x23: {  	s9 =	sor.u32 $0xD0000000, s2;
	s6 =	simm.s32 $0x108;
	_ =	swait.ge @!p0 [sflag:s8], $0x0  }
0x24: {  	s3 =	sadd.s32 $0x88, s3;
	s6 =	simm.s32 @!p1 $0x1082;
	[sflag:s4] =	ssyncset.s32 $0xFFFFF086  }
0x25: {  	[simem:s6], [sflag:s4] =	dma.local [hbm:s3], $0xF7A  }
0x26: {  	[smem:$0x3F9B] =	sst s1;
	(tag) =	ssettag s2;
	_ =	strace s9  }
0x27: {  	s1 =	sld [smem:$0x3FAB]  }
0x28: {  	s2 =	sld [smem:$0x3FAC]  }
0x29: {  	s4 =	sld [smem:$0x3FAE]  }
0x2a: {  	p0 =	seq.s32 s5, $0x0;
	s5 =	sld [smem:$0x3FAF]  }
0x2b: {  	s6 =	sld [smem:$0x3FB0]  }
0x2c: {  	s7 =	sld [smem:$0x3FB1]  }
0x2d: {  	s3 =	simm.s32 $0x108;
	s8 =	sld [smem:$0x3FB2]  }
0x2e: {  	s3 =	simm.s32 @!p0 $0x1082;
	s9 =	sld [smem:$0x3FB3]  }
0x2f: {  	lr =	sadd.s32 s0, s3;
	s0 =	sld [smem:$0x3FAA]  }
0x30: {  	s3 =	sld [smem:$0x3FAD]  }
0x31: {  	[smem:$0x3FB6] =	sst s10  }
0x32: {  	s10 =	sld [smem:$0x3FB4];
	_ =	sdelay $0x3  }
0x33: {  	p0 =	seq.s32 s10, $0x1;
	s10 =	sld [smem:$0x3FB6];
	_ =	sdelay $0x3  }
0x34: {  	[smem:$0x3FB6] =	sst s10  }
0x35: {  	s10 =	sld [smem:$0x3FB5];
	_ =	sdelay $0x3  }
0x36: {  	p1 =	seq.s32 s10, $0x1;
	s10 =	sld [smem:$0x3FB6];
	_ =	sdelay $0x3  }
0x37: {  	[smem:$0x3FB6] =	sst s10  }
0x38: {  	s10 =	sld [smem:$0x3FB7]  }
0x39: {  	_ = 	snop;
	(pc) =	sbr.ind lr, $3  }
0x3a: {  	_ = 	snop  }
0x3b: {  	_ = 	snop  }
0x3c: {  	p2 =	seq.s32 s10, $0x1;
	s10 =	sld [smem:$0x3FB6]  }
0x3d: {  	_ =	shalt  }
0x3e: {  	_ =	shalt  }
0x3f: {  	_ =	shalt  }
0x40: {  	_ =	shalt  }
0x41: {  	_ =	shalt  }
0x42: {  	_ =	shalt  }
0x43: {  	_ =	shalt  }
0x44: {  	_ =	shalt  }
0x45: {  	_ =	shalt  }
0x46: {  	_ =	shalt  }
0x47: {  	_ =	shalt  }
0x48: {  	_ =	shalt  }
0x49: {  	_ =	shalt  }
0x4a: {  	_ =	shalt  }
0x4b: {  	_ =	shalt  }
0x4c: {  	_ =	shalt  }
0x4d: {  	_ =	shalt  }
0x4e: {  	_ =	shalt  }
0x4f: {  	_ =	shalt  }
0x50: {  	_ =	shalt  }
0x51: {  	_ =	shalt  }
0x52: {  	_ =	shalt  }
0x53: {  	_ =	shalt  }
0x54: {  	_ =	shalt  }
0x55: {  	_ =	shalt  }
0x56: {  	_ =	shalt  }
0x57: {  	_ =	shalt  }
0x58: {  	_ =	shalt  }
0x59: {  	_ =	shalt  }
0x5a: {  	_ =	shalt  }
0x5b: {  	_ =	shalt  }
0x5c: {  	_ =	shalt  }
0x5d: {  	_ =	shalt  }
0x5e: {  	_ =	shalt  }
0x5f: {  	_ =	shalt  }
0x60: {  	_ =	shalt  }
0x61: {  	_ =	shalt  }
0x62: {  	_ =	shalt  }
0x63: {  	_ =	shalt  }
0x64: {  	_ =	shalt  }
0x65: {  	_ =	shalt  }
0x66: {  	_ =	shalt  }
0x67: {  	_ =	shalt  }
0x68: {  	_ =	shalt  }
0x69: {  	_ =	shalt  }
0x6a: {  	_ =	shalt  }
0x6b: {  	_ =	shalt  }
0x6c: {  	_ =	shalt  }
0x6d: {  	_ =	shalt  }
0x6e: {  	_ =	shalt  }
0x6f: {  	_ =	shalt  }
0x70: {  	_ =	shalt  }
0x71: {  	_ =	shalt  }
0x72: {  	_ =	shalt  }
0x73: {  	_ =	shalt  }
0x74: {  	_ =	shalt  }
0x75: {  	_ =	shalt  }
0x76: {  	_ =	shalt  }
0x77: {  	_ =	shalt  }
0x78: {  	_ =	shalt  }
0x79: {  	_ =	shalt  }
0x7a: {  	_ =	shalt  }
0x7b: {  	_ =	shalt  }
0x7c: {  	_ =	shalt  }
0x7d: {  	_ =	shalt  }
0x7e: {  	_ =	shalt  }
0x7f: {  	_ =	shalt  }
0x80: {  	_ =	shalt  }
0x81: {  	_ =	shalt  }
0x82: {  	_ =	shalt  }
0x83: {  	_ =	shalt  }
0x84: {  	_ =	shalt  }
0x85: {  	_ =	shalt  }
0x86: {  	_ =	shalt  }
0x87: {  	_ =	shalt  }
.Lfunc_end0:
.L_simem_size_0:
called_computation.2_lowered:
.L_overlay_start_0:
0x88: {  	s2 =	sld [smem:$0x3FD9]  }
0x89: {  	s3 =	sld [smem:$0x3FFE];
	_ =	sdelay $0x1  }
0x8a: {  	s1 =	srdreg.scid  }
0x8b: {  	s0 =	sand.u32 $0x1, s1  }
0x8c: {  	s16 =	sshll.u32 s0, $0xA;
	s2 =	sadd.s32 s3, s2  }
0x8d: {  	s2 =	sadd.s32 s2, s16  }
0x8e: {  	[smem:$0x3FC2] =	sst s2  }
0x8f: {  	_ = 	snop  }
0x90: {  	(tm) =	ssettm $0x1  }
0x91: {  	s17 =	sld [smem:$0x3FFB];
	_ =	sdelay $0x3  }
0x92: {  	_ =	strace s17  }
0x93: {  	s2 =	sld [smem:$0x3FFC];
	_ =	sdelay $0x3  }
0x94: {  	_ =	strace s2  }
0x95: {  	s2 =	sld [smem:$0x3FFD];
	_ =	sdelay $0x3  }
0x96: {  	_ =	strace s2  }
0x97: {  	_ =	strace $0x8FFFFFFF  }
0x98: {  	s18 =	sld [smem:$0x3FDB];
	_ =	sdelay $0x1  }
0x99: {  	s19 =	simm.s32 $_scs_section_size  }
0x9a: {  	s4 =	simm.s32 $_size__tile_overlayer_lowered;
	s5 =	simm.s32 $_tile_overlayer_lowered  }
0x9b: {  	s22 =	simm.s32 $0x1BFF;
	s21 =	sshll.u32 s5, $0x1;
	s2 =	sadd.s32 s19, s18  }
0x9c: {  	s6 =	simm.s32 $0x0;
	s20 =	sshll.u32 s4, $0x1;
	s4 =	sadd.s32 s21, s2  }
0x9d: {  	[timem:s6], [sflag:s22] =	dma.local [hbm:s4], s20  }
0x9e: {  	_ =	swait.ge [sflag:s22], s20  }
0x9f: {  	s3 =	ssub.s32 $0x0, s20;
	[sflag:s22] =	ssyncset.done $0x0  }
0xa0: {  	[sflag:s22] =	ssyncadd.s32 s3;
	_ =	sdelay $0x1  }
0xa1: {  	s23 =	simm.s32 $0x1B8B  }
0xa2: {  	_ =	swait.ge [sflag:s23], $0x1  }
0xa3: {  	[sflag:s23] =	ssyncset.done $0x0  }
0xa4: {  	s25 =	simm.s32 $0x1B8E;
	s24 =	sld [smem:$0x3FFE];
	[sflag:s23] =	ssyncadd.s32 $0xFFFFFFFF  }
0xa5: {  	s26 =	simm.s32 $execute0_lowered;
	[smem:$0x3FD2] =	sst s25  }
0xa6: {  	s4 =	sshll.u32 s26, $0x1;
	_ =	strace $0x8000004C;
	[dreg:$0x1] =	wrdreg $0xFFFFFFFF  }
0xa7: {  	s28 =	simm.s32 $_size_execute0_lowered;
	s2 =	sadd.s32 s2, s4;
	[dreg:$0x0] =	wrdreg $0x0  }
0xa8: {  	s4 =	sshll.u32 s28, $0x1;
	[dreg:$0x2] =	wrdreg s2  }
0xa9: {  	[dreg:$0x3] =	wrdreg s4  }
0xaa: {  	[dreg:$0x4] =	wrdreg $0xC0  }
0xab: {  	_ =	task [dreg:s6], $0x5FFFF  }
0xac: {  	[dreg:$0x1] =	wrdreg $0xFFFFFFFF  }
0xad: {  	[dreg:$0x0] =	wrdreg $0x60  }
0xae: {  	[dreg:$0x2] =	wrdreg s24  }
0xaf: {  	[dreg:$0x3] =	wrdreg $0x118000  }
0xb0: {  	[dreg:$0x4] =	wrdreg $0xC8000  }
0xb1: {  	[dreg:$0x5] =	wrdreg $0x9  }
0xb2: {  	_ =	task.clear_ibuf [dreg:s6], $0x6FFFF;
	_ =	strace $0x9000004C  }
0xb3: {  	s29 =	simm.s32 $0x9;
	_ =	strace $0x8000004E  }
0xb4: {  	_ =	swait.ge [sflag:s29], $0x1  }
0xb5: {  	[sflag:s29] =	ssyncadd.s32 $0xFFFFFFFF  }
0xb6: {  	_ =	strace $0x9000004E  }
0xb7: {  	_ =	sfence  }
0xb8: {  	s30 =	sld [smem:$0x0];
	_ =	sdelay $0x2  }
0xb9: {  	s31 =	sshll.u32 s1, $0xD;
	s1 =	sshrl.u32 s1, $0x2  }
0xba: {  	s3 =	sand.u32 $0x4000, s31;
	s1 =	sadd.s32 s1, s30  }
0xbb: {  	s0 =	sor.u32 s3, s0;
	s1 =	sshll.u32 s1, $0x11  }
0xbc: {  	s0 =	sor.u32 s1, s0  }
0xbd: {  	s0 =	sadd.s32 $0x8F2B, s0  }
0xbe: {  	[sflag:s0] =	ssyncadd.remote.s32 $0x1  }
0xbf: {  	_ =	sfence.sel $0xFFFF  }
0xc0: {  	[dreg:$0x0] =	wrdreg $0xFFFFFFFF;
	(pc) =	sbr.abs _section_cstart, $3  }
0xc1: {  	[dreg:$0x1] =	wrdreg $0xFFFFFFFF  }
0xc2: {  	_ =	task.clear_ibuf [dreg:s6], $0x2FFFF;
	_ =	strace $0x9FFFFFFF  }
0xc3: {  	(tm) =	ssettm $0x7FFFFFFF  }
tec
execute0_lowered:
.L_overlay_start_1:
0x0: {  	(tag) =	ssettag $0x1  }
0x1: {  	s5 =	rddreg [dreg:$0x0];
	s0 =	stileid.u32  }
0x2: {  	s1 =	srdreg.scid;
	s2 =	rddreg [dreg:$0x1]  }
0x3: {  	s3 =	rddreg [dreg:$0x2];
	s4 =	simm.s32 $0x0;
	s15 =	simm.s32 $0x7800  }
0x4: {  	s16 =	simm.s32 $0x3;
	s17 =	simm.s32 $0x2C00;
	s18 =	simm.s32 $0x80  }
0x5: {  	s19 =	simm.s32 $0x5800;
	s20 =	simm.s32 $0x1;
	s9 =	smul.u32 $0x5000, s0  }
0x6: {  	s21 =	simm.s32 $0x6800;
	s6 =	sand.u32 $0x1, s1;
	s8 =	smul.u32 $0x2C00, s0  }
0x7: {  	s22 =	simm.s32 $0x2;
	[smem:$0x7FF] =	sst s4;
	s7 =	smul.u32 $0x2C000, s6  }
0x8: {  	s23 =	simm.s32 $0x0;
	s10 =	smul.u32 $0x50000, s6;
	_ =	strace $0x8000004D  }
0x9: {  	s30 =	ssub.s32 $0x2, s6;
	p0 =	seq.s32 s6, $0x0;
	s11 =	sshrl.u32 s9, $0x3  }
0xa: {  	s31 =	sshrl.u32 s30, $0x1;
	s7 =	sadd.s32 s8, s7;
	s26 =	sadd.s32 s9, s10  }
0xb: {  	s28 =	sadd.s32 s11, s5;
	s13 =	ssub.s32 s30, s31;
	s7 =	sshrl.u32 s7, $0x3  }
0xc: {  	s8 =	sshrl.u32 s26, $0x3;
	s6 =	sadd.s32 $0xCE00, s28;
	s13 =	smax.u32 s13, $0x1  }
0xd: {  	s29 =	sadd.s32 s7, s5;
	s12 =	sadd.s32 s8, s5;
	s5 =	simm.s32 $0x58  }
0xe: {  	s7 =	sadd.s32 s9, s2;
	s8 =	sadd.s32 $0x2E00, s28;
	s5 =	simm.s32 @!p0 $0x48  }
0xf: {  	s9 =	sadd.s32 s9, s3;
	s10 =	sadd.s32 $0x2D800, s29;
	s14 =	sshrl.u32 s5, $0x1  }
0x10: {  	s11 =	sadd.s32 $0x38800, s29;
	s12 =	sadd.s32 $0x43800, s12;
	s14 =	sadd.s32 $0xFFFFFFFF, s14  }
.LBB2_1:
0x11: {  	[tilespmem:s15], [sflag:$0x3] =	stream.linear.gather [hbm4b:s6+s4], $0x5000, $0x38;
	[tilespmem:$0x16800] =	vst v63  }
0x12: {  	_ =	swait.ge [sflag:s16], $0x5000  }
0x13: {  	[sflag:s16] =	ssyncset.done $0x0  }
0x14: {  	[sflag:s16] =	ssyncadd.s32 $0xFFFFB000  }
0x15: {  	[spmem:s7] =	stream.linear.scatter [tilespmem:s15], [sflag:$0x3], $0x5000, $0x38;
	[tilespmem:$0x16800] =	vst v63  }
0x16: {  	_ =	swait.ge [sflag:s16], $0x5000  }
0x17: {  	[sflag:s16] =	ssyncset.done $0x0  }
0x18: {  	[sflag:s16] =	ssyncadd.s32 $0xFFFFB000  }
0x19: {  	[tilespmem:s15], [sflag:$0x3] =	stream.linear.gather [hbm4b:s8+s4], $0x5000, $0x38;
	[tilespmem:$0x16800] =	vst v63  }
0x1a: {  	_ =	swait.ge [sflag:s16], $0x5000  }
0x1b: {  	[sflag:s16] =	ssyncset.done $0x0  }
0x1c: {  	[sflag:s16] =	ssyncadd.s32 $0xFFFFB000  }
0x1d: {  	[spmem:s9] =	stream.linear.scatter [tilespmem:s15], [sflag:$0x3], $0x5000, $0x38;
	[tilespmem:$0x16800] =	vst v63  }
0x1e: {  	_ =	swait.ge [sflag:s16], $0x5000  }
0x1f: {  	[sflag:s16] =	ssyncset.done $0x0  }
0x20: {  	[sflag:s16] =	ssyncadd.s32 $0xFFFFB000  }
0x21: {  	[tilespmem:s4], [sflag:$0x3] =	stream.linear.gather [hbm4b:s10+s4], $0x2C00, $0x38;
	[tilespmem:$0x16800] =	vst v63  }
0x22: {  	_ =	swait.ge [sflag:s16], $0x2C00  }
0x23: {  	[sflag:s16] =	ssyncset.done $0x0  }
0x24: {  	[sflag:s16] =	ssyncadd.s32 $0xFFFFD400  }
0x25: {  	[tilespmem:s17], [sflag:$0x3] =	stream.linear.gather [hbm4b:s11+s4], $0x2C00, $0x38;
	[tilespmem:$0x16800] =	vst v63  }
0x26: {  	_ =	swait.ge [sflag:s16], $0x2C00  }
0x27: {  	[sflag:s16] =	ssyncset.done $0x0  }
0x28: {  	[sflag:s16] =	ssyncadd.s32 $0xFFFFD400  }
0x29: {  	[bflag:$0x0] =	sbarrier.arrive $0xFFFF  }
0x2a: {  	[tilespmem:s19], [sflag:$0x1] =	stream.indirect.gather [spmem:s3], $0x20, s4, s18, $0xb8;
	[tilespmem:$0x16800] =	vst v63  }
0x2b: {  	_ =	swait.ge [sflag:s20], $0x1000  }
0x2c: {  	[sflag:s20] =	ssyncset.done $0x0  }
0x2d: {  	s24 =	simm.s32 $0x80;
	[sflag:s20] =	ssyncadd.s32 $0xFFFFF000  }
0x2e: {  	[tilespmem:s21], [sflag:$0x2] =	stream.indirect.gather [spmem:s3], $0x20, s24, s18, $0xb8;
	[tilespmem:$0x16800] =	vst v63  }
0x2f: {  	s31 =	simm.s32 $0x2C00  }
0x30: {  	[spmem:s2] =	stream.indirect.scatter.add.f32 [tilespmem:s19], [sflag:$0x3], $0x20, s31, s18, $0xb8;
	[tilespmem:$0x16800] =	vst v63  }
0x31: {  	_ =	swait.ge [sflag:s16], $0x1000  }
0x32: {  	[sflag:s16] =	ssyncset.done $0x0  }
0x33: {  	[sflag:s16] =	ssyncadd.s32 $0xFFFFF000  }
0x34: {  	p0 =	sle.u32 s5, $0x2;
	_ =	swait.ge [sflag:s22], $0x1000  }
0x35: {  	s29 =	sadd.s32 $0xFFFFFFFF, s14;
	s25 =	simm.s32 @!p0 $0x80;
	[sflag:s22] =	ssyncset.done $0x0  }
0x36: {  	s26 =	simm.s32 @!p0 $0x5800;
	s24 =	simm.s32 $0x100;
	[sflag:s22] =	ssyncadd.s32 $0xFFFFF000  }
0x37: {  	[tilespmem:s26], [sflag:$0x1] =	stream.indirect.gather @!p0 [spmem:s3], $0x20, s24, s25, $0xb8;
	[tilespmem:$0x16800] =	vst v63  }
0x38: {  	p0 =	sne.s32 s29, $0x0  }
.Ltmp0:
0x39: {  	_ = 	snop;
	(pc) =	sbr.rel @!p0 .LBB2_3-.Ltmp0, $4  }
0x3a: {  	s28 =	simm.s32 $0x2C80  }
0x3b: {  	[spmem:s2] =	stream.indirect.scatter.add.f32 [tilespmem:s21], [sflag:$0x3], $0x20, s28, s18, $0xb8;
	[tilespmem:$0x16800] =	vst v63  }
0x3c: {  	s30 =	simm.s32 $0x100;
	_ =	swait.ge [sflag:s16], $0x1000  }
0x3d: {  	s26 =	simm.s32 $0x4;
	s25 =	simm.s32 $0x2D80;
	[sflag:s16] =	ssyncset.done $0x0  }
.LBB2_2:
0x3e: {  	s30 =	smov.u32 s24;
	s28 =	smov.u32 s25  }
0x3f: {  	s29 =	sadd.s32 $0xFFFFFFFF, s29;
	s24 =	sadd.s32 $0x100, s24;
	[sflag:s16] =	ssyncadd.s32 $0xFFFFF000  }
0x40: {  	p0 =	sne.s32 s29, $0x0  }
0x41: {  	_ =	swait.ge [sflag:s20], $0x1000  }
0x42: {  	[sflag:s20] =	ssyncset.done $0x0  }
0x43: {  	s31 =	sadd.s32 $0xFFFFFF80, s24;
	[sflag:s20] =	ssyncadd.s32 $0xFFFFF000  }
0x44: {  	[tilespmem:s21], [sflag:$0x2] =	stream.indirect.gather [spmem:s3], $0x20, s31, s18, $0xb8;
	[tilespmem:$0x16800] =	vst v63  }
0x45: {  	s31 =	sadd.s32 $0xFFFFFF80, s25  }
0x46: {  	[spmem:s2] =	stream.indirect.scatter.add.f32 [tilespmem:s19], [sflag:$0x3], $0x20, s31, s18, $0xb8;
	[tilespmem:$0x16800] =	vst v63  }
0x47: {  	_ =	swait.ge [sflag:s16], $0x1000  }
0x48: {  	[sflag:s16] =	ssyncset.done $0x0  }
0x49: {  	[sflag:s16] =	ssyncadd.s32 $0xFFFFF000  }
0x4a: {  	_ =	swait.ge [sflag:s22], $0x1000  }
0x4b: {  	p1 =	sge.u32 s26, s5;
	[sflag:s22] =	ssyncset.done $0x0  }
0x4c: {  	s1 =	simm.s32 @!p1 $0x5800;
	s31 =	simm.s32 @!p1 $0x80;
	[sflag:s22] =	ssyncadd.s32 $0xFFFFF000  }
0x4d: {  	[tilespmem:s1], [sflag:$0x1] =	stream.indirect.gather @!p1 [spmem:s3], $0x20, s24, s31, $0xb8;
	[tilespmem:$0x16800] =	vst v63  }
.Ltmp1:
0x4e: {  	_ = 	snop;
	(pc) =	sbr.rel @p0 .LBB2_2-.Ltmp1, $4  }
0x4f: {  	_ = 	snop  }
0x50: {  	[spmem:s2] =	stream.indirect.scatter.add.f32 [tilespmem:s21], [sflag:$0x3], $0x20, s25, s18, $0xb8;
	[tilespmem:$0x16800] =	vst v63  }
0x51: {  	_ =	swait.ge [sflag:s16], $0x1000  }
0x52: {  	s26 =	sadd.s32 $0x2, s26;
	s25 =	sadd.s32 $0x100, s25;
	[sflag:s16] =	ssyncset.done $0x0  }
.LBB2_3:
0x53: {  	[sflag:s16] =	ssyncadd.s32 $0xFFFFF000  }
0x54: {  	_ =	swait.ge [sflag:s20], $0x1000  }
0x55: {  	[sflag:s20] =	ssyncset.done $0x0  }
0x56: {  	s1 =	sadd.s32 $0x80, s30;
	[sflag:s20] =	ssyncadd.s32 $0xFFFFF000  }
0x57: {  	[tilespmem:s21], [sflag:$0x2] =	stream.indirect.gather [spmem:s3], $0x20, s1, s18, $0xb8;
	[tilespmem:$0x16800] =	vst v63  }
0x58: {  	s31 =	sadd.s32 $0x80, s28  }
0x59: {  	[spmem:s2] =	stream.indirect.scatter.add.f32 [tilespmem:s19], [sflag:$0x3], $0x20, s31, s18, $0xb8;
	[tilespmem:$0x16800] =	vst v63  }
0x5a: {  	_ =	swait.ge [sflag:s16], $0x1000  }
0x5b: {  	[sflag:s16] =	ssyncset.done $0x0  }
0x5c: {  	[sflag:s16] =	ssyncadd.s32 $0xFFFFF000  }
0x5d: {  	p0 =	sge.u32 s26, s5;
	_ =	swait.ge [sflag:s22], $0x1000  }
0x5e: {  	s26 =	simm.s32 @!p0 $0x5800;
	[sflag:s22] =	ssyncset.done $0x0  }
0x5f: {  	s1 =	sadd.s32 $0x100, s24;
	s24 =	simm.s32 @!p0 $0x80;
	[sflag:s22] =	ssyncadd.s32 $0xFFFFF000  }
0x60: {  	[tilespmem:s26], [sflag:$0x1] =	stream.indirect.gather @!p0 [spmem:s3], $0x20, s1, s24, $0xb8;
	[tilespmem:$0x16800] =	vst v63  }
0x61: {  	_ = 	snop  }
0x62: {  	[spmem:s2] =	stream.indirect.scatter.add.f32 [tilespmem:s21], [sflag:$0x3], $0x20, s25, s18, $0xb8;
	[tilespmem:$0x16800] =	vst v63  }
0x63: {  	_ =	swait.ge [sflag:s16], $0x1000  }
0x64: {  	[sflag:s16] =	ssyncset.done $0x0  }
0x65: {  	[sflag:s16] =	ssyncadd.s32 $0xFFFFF000  }
0x66: {  	[bflag:$0x0] =	sbarrier.arrive $0xFFFF  }
0x67: {  	[tilespmem:s15], [sflag:$0x3] =	stream.linear.gather [spmem:s7], $0x5000, $0x38;
	[tilespmem:$0x16800] =	vst v63  }
0x68: {  	s23 =	sadd.s32 $0x1, s23;
	_ =	swait.ge [sflag:s16], $0x5000  }
0x69: {  	p0 =	sne.s32 s23, s13;
	[sflag:s16] =	ssyncset.done $0x0  }
.Ltmp2:
0x6a: {  	[sflag:s16] =	ssyncadd.s32 $0xFFFFB000;
	(pc) =	sbr.rel @p0 .LBB2_1-.Ltmp2, $4  }
0x6b: {  	[hbm4b:s12+s4] =	stream.linear.scatter [tilespmem:s15], [sflag:$0x3], $0x5000, $0x38;
	[tilespmem:$0x16800] =	vst v63  }
0x6c: {  	_ =	swait.ge [sflag:s16], $0x5000  }
0x6d: {  	[sflag:s16] =	ssyncset.done $0x0  }
0x6e: {  	[sflag:s16] =	ssyncadd.s32 $0xFFFFB000  }
0x6f: {  	_ =	sfence.sel $0x180000  }
0x70: {  	[bflag:$0x0] =	sbarrier.arrive $0xFFFF  }
0x71: {  	_ =	strace $0x9000004D  }
0x72: {  	[bflag:$0x2] =	sbarrier.arrive $0xFFFF  }
0x73: {  	p0 =	sne.s32 s0, $0x0;
	s0 =	rddreg [dreg:$0x3]  }
0x74: {  	s0 =	sadd.s32 @!p0 $0x100000, s0  }
0x75: {  	[sflag:s0] =	ssyncadd.tile.s32 @!p0 $0x1;
	_ =	shalt  }
.Lfunc_end2:
_tile_overlayer_lowered:
.L_overlay_start_2:
0x76: {  	(tag) =	ssettag $0x2  }
0x77: {  	s0 =	rddreg [dreg:$0x0];
	s2 =	stileid.u32  }
0x78: {  	s1 =	rddreg [dreg:$0x1];
	p0 =	sne.s32 s2, $0x0  }
0x79: {  	s3 =	rddreg [dreg:$0x2];
	[bflag:$0x3] =	sbarrier.arrive $0xFFFF;
	s2 =	simm.s32 @!p0 $0x1C03  }
0x7a: {  	[timem:s3], [sflag:s2] =	dma.local @!p0 [hbm:s0], s1  }
0x7b: {  	s0 =	simm.s32 @!p0 $0x3  }
0x7c: {  	_ =	swait.ge @!p0 [sflag:s0], s1  }
0x7d: {  	s1 =	ssub.s32 @!p0 $0x0, s1;
	[sflag:s0] =	ssyncset.done @!p0 $0x0  }
0x7e: {  	[sflag:s0] =	ssyncadd.s32 @!p0 s1  }
0x7f: {  	[bflag:$0x3] =	sbarrier.arrive $0xFFFF  }
0x80: {  	_ =	shalt  }

// kernel: kernel.19.cloned.1.call-start
scs
__scs_entry_jumppad:
0x0: {  	(pc) =	sbr.rel $0x88, $3  }
0x1: {  	(tag) =	ssettag $0x0;
	lr =	simm.s32 $0x1  }
0x2: {  	[smem:$0x3F9B] =	sst lr;
	_ =	strace $0xD0000000  }
0x3: {  	_ = 	snop  }
0x4: {  	_ = 	snop  }
0x5: {  	_ = 	snop  }
0x6: {  	_ = 	snop  }
0x7: {  	_ = 	snop  }
__scs_overlays_trampoline_lowered:
0x8: {  	[smem:$0x3FAA] =	sst s0  }
0x9: {  	[smem:$0x3FAB] =	sst s1  }
0xa: {  	[smem:$0x3FAC] =	sst s2  }
0xb: {  	[smem:$0x3FAD] =	sst s3  }
0xc: {  	[smem:$0x3FAE] =	sst s4  }
0xd: {  	[smem:$0x3FAF] =	sst s5  }
0xe: {  	[smem:$0x3FB0] =	sst s6  }
0xf: {  	[smem:$0x3FB1] =	sst s7  }
0x10: {  	[smem:$0x3FB2] =	sst s8  }
0x11: {  	[smem:$0x3FB3] =	sst s9;
	s0 =	simm.s32 @!p0 $0x0  }
0x12: {  	s1 =	sld [smem:$0x3F99];
	s0 =	simm.s32 @p0 $0x1  }
0x13: {  	[smem:$0x3FB4] =	sst s0;
	s0 =	simm.s32 @!p1 $0x0  }
0x14: {  	s2 =	sld [smem:$0x3F98];
	s0 =	simm.s32 @p1 $0x1  }
0x15: {  	[smem:$0x3FB5] =	sst s0;
	s0 =	simm.s32 @!p2 $0x0  }
0x16: {  	s3 =	sld [smem:$0x3FDB];
	s0 =	simm.s32 @p2 $0x1  }
0x17: {  	s4 =	simm.s32 $0x1BF5;
	[smem:$0x3FB7] =	sst s0  }
0x18: {  	s0 =	sld [smem:$0x3F9A];
	_ =	swait.ge [sflag:s4], $0x0  }
0x19: {  	s7 =	sld [smem:$0x3F9B]  }
0x1a: {  	s8 =	sadd.s32 $0xFFFFE003, lr  }
0x1b: {  	s9 =	sadd.s32 $0xFFFFFEF7, lr;
	s5 =	simm.s32 $0xFFFFFFFF;
	p2 =	slt.u32 s8, $0xFFFFF086  }
0x1c: {  	p1 =	slt.u32 s9, $0xF7A;
	s5 =	simm.s32 @!p2 $0x0  }
0x1d: {  	s5 =	simm.s32 @p1 $0x1;
	p0 =	seq.s32 s7, s2  }
0x1e: {  	s7 =	smul.u32 @!p0 $0xF7A, s2;
	p2 =	seq.s32 @!p0 s5, $0x0  }
0x1f: {  	s9 =	smul.u32 $0xF7A, s1;
	s8 =	simm.s32 @!p0 $0x1BF5;
	p2 =	por !p2, p0  }
0x20: {  	[sflag:s8] =	ssyncset.s32 @!p0 $0xFFFFF086;
	s6 =	sadd.s32 @!p0 s3, s7;
	s7 =	simm.s32 @!p0 $0x108  }
0x21: {  	s3 =	sadd.s32 s3, s9;
	s6 =	sadd.s32 @!p0 $0x88, s6;
	s7 =	simm.s32 @p2 $0x1082  }
0x22: {  	[simem:s7], [sflag:s8] =	dma.local @!p0 [hbm:s6], $0xF7A  }
0x23: {  	s9 =	sor.u32 $0xD0000000, s2;
	s6 =	simm.s32 $0x108;
	_ =	swait.ge @!p0 [sflag:s8], $0x0  }
0x24: {  	s3 =	sadd.s32 $0x88, s3;
	s6 =	simm.s32 @!p1 $0x1082;
	[sflag:s4] =	ssyncset.s32 $0xFFFFF086  }
0x25: {  	[simem:s6], [sflag:s4] =	dma.local [hbm:s3], $0xF7A  }
0x26: {  	[smem:$0x3F9B] =	sst s1;
	(tag) =	ssettag s2;
	_ =	strace s9  }
0x27: {  	s1 =	sld [smem:$0x3FAB]  }
0x28: {  	s2 =	sld [smem:$0x3FAC]  }
0x29: {  	s4 =	sld [smem:$0x3FAE]  }
0x2a: {  	p0 =	seq.s32 s5, $0x0;
	s5 =	sld [smem:$0x3FAF]  }
0x2b: {  	s6 =	sld [smem:$0x3FB0]  }
0x2c: {  	s7 =	sld [smem:$0x3FB1]  }
0x2d: {  	s3 =	simm.s32 $0x108;
	s8 =	sld [smem:$0x3FB2]  }
0x2e: {  	s3 =	simm.s32 @!p0 $0x1082;
	s9 =	sld [smem:$0x3FB3]  }
0x2f: {  	lr =	sadd.s32 s0, s3;
	s0 =	sld [smem:$0x3FAA]  }
0x30: {  	s3 =	sld [smem:$0x3FAD]  }
0x31: {  	[smem:$0x3FB6] =	sst s10  }
0x32: {  	s10 =	sld [smem:$0x3FB4];
	_ =	sdelay $0x3  }
0x33: {  	p0 =	seq.s32 s10, $0x1;
	s10 =	sld [smem:$0x3FB6];
	_ =	sdelay $0x3  }
0x34: {  	[smem:$0x3FB6] =	sst s10  }
0x35: {  	s10 =	sld [smem:$0x3FB5];
	_ =	sdelay $0x3  }
0x36: {  	p1 =	seq.s32 s10, $0x1;
	s10 =	sld [smem:$0x3FB6];
	_ =	sdelay $0x3  }
0x37: {  	[smem:$0x3FB6] =	sst s10  }
0x38: {  	s10 =	sld [smem:$0x3FB7]  }
0x39: {  	_ = 	snop;
	(pc) =	sbr.ind lr, $3  }
0x3a: {  	_ = 	snop  }
0x3b: {  	_ = 	snop  }
0x3c: {  	p2 =	seq.s32 s10, $0x1;
	s10 =	sld [smem:$0x3FB6]  }
0x3d: {  	_ =	shalt  }
0x3e: {  	_ =	shalt  }
0x3f: {  	_ =	shalt  }
0x40: {  	_ =	shalt  }
0x41: {  	_ =	shalt  }
0x42: {  	_ =	shalt  }
0x43: {  	_ =	shalt  }
0x44: {  	_ =	shalt  }
0x45: {  	_ =	shalt  }
0x46: {  	_ =	shalt  }
0x47: {  	_ =	shalt  }
0x48: {  	_ =	shalt  }
0x49: {  	_ =	shalt  }
0x4a: {  	_ =	shalt  }
0x4b: {  	_ =	shalt  }
0x4c: {  	_ =	shalt  }
0x4d: {  	_ =	shalt  }
0x4e: {  	_ =	shalt  }
0x4f: {  	_ =	shalt  }
0x50: {  	_ =	shalt  }
0x51: {  	_ =	shalt  }
0x52: {  	_ =	shalt  }
0x53: {  	_ =	shalt  }
0x54: {  	_ =	shalt  }
0x55: {  	_ =	shalt  }
0x56: {  	_ =	shalt  }
0x57: {  	_ =	shalt  }
0x58: {  	_ =	shalt  }
0x59: {  	_ =	shalt  }
0x5a: {  	_ =	shalt  }
0x5b: {  	_ =	shalt  }
0x5c: {  	_ =	shalt  }
0x5d: {  	_ =	shalt  }
0x5e: {  	_ =	shalt  }
0x5f: {  	_ =	shalt  }
0x60: {  	_ =	shalt  }
0x61: {  	_ =	shalt  }
0x62: {  	_ =	shalt  }
0x63: {  	_ =	shalt  }
0x64: {  	_ =	shalt  }
0x65: {  	_ =	shalt  }
0x66: {  	_ =	shalt  }
0x67: {  	_ =	shalt  }
0x68: {  	_ =	shalt  }
0x69: {  	_ =	shalt  }
0x6a: {  	_ =	shalt  }
0x6b: {  	_ =	shalt  }
0x6c: {  	_ =	shalt  }
0x6d: {  	_ =	shalt  }
0x6e: {  	_ =	shalt  }
0x6f: {  	_ =	shalt  }
0x70: {  	_ =	shalt  }
0x71: {  	_ =	shalt  }
0x72: {  	_ =	shalt  }
0x73: {  	_ =	shalt  }
0x74: {  	_ =	shalt  }
0x75: {  	_ =	shalt  }
0x76: {  	_ =	shalt  }
0x77: {  	_ =	shalt  }
0x78: {  	_ =	shalt  }
0x79: {  	_ =	shalt  }
0x7a: {  	_ =	shalt  }
0x7b: {  	_ =	shalt  }
0x7c: {  	_ =	shalt  }
0x7d: {  	_ =	shalt  }
0x7e: {  	_ =	shalt  }
0x7f: {  	_ =	shalt  }
0x80: {  	_ =	shalt  }
0x81: {  	_ =	shalt  }
0x82: {  	_ =	shalt  }
0x83: {  	_ =	shalt  }
0x84: {  	_ =	shalt  }
0x85: {  	_ =	shalt  }
0x86: {  	_ =	shalt  }
0x87: {  	_ =	shalt  }
.Lfunc_end0:
.L_simem_size_0:
called_computation.3_lowered:
.L_overlay_start_0:
0x88: {  	s2 =	sld [smem:$0x3FD9]  }
0x89: {  	s3 =	sld [smem:$0x3FFE];
	_ =	sdelay $0x1  }
0x8a: {  	s1 =	srdreg.scid  }
0x8b: {  	s0 =	sand.u32 $0x1, s1  }
0x8c: {  	s16 =	sshll.u32 s0, $0xA;
	s2 =	sadd.s32 s3, s2  }
0x8d: {  	s2 =	sadd.s32 s2, s16  }
0x8e: {  	[smem:$0x3FC2] =	sst s2  }
0x8f: {  	_ = 	snop  }
0x90: {  	(tm) =	ssettm $0x1  }
0x91: {  	s17 =	sld [smem:$0x3FFB];
	_ =	sdelay $0x3  }
0x92: {  	_ =	strace s17  }
0x93: {  	s2 =	sld [smem:$0x3FFC];
	_ =	sdelay $0x3  }
0x94: {  	_ =	strace s2  }
0x95: {  	s2 =	sld [smem:$0x3FFD];
	_ =	sdelay $0x3  }
0x96: {  	_ =	strace s2  }
0x97: {  	_ =	strace $0x8FFFFFFF  }
0x98: {  	s18 =	sld [smem:$0x3FDB];
	_ =	sdelay $0x1  }
0x99: {  	s19 =	simm.s32 $_scs_section_size  }
0x9a: {  	s4 =	simm.s32 $_size__tile_overlayer_lowered;
	s5 =	simm.s32 $_tile_overlayer_lowered  }
0x9b: {  	s22 =	simm.s32 $0x1BFF;
	s21 =	sshll.u32 s5, $0x1;
	s2 =	sadd.s32 s19, s18  }
0x9c: {  	s6 =	simm.s32 $0x0;
	s20 =	sshll.u32 s4, $0x1;
	s4 =	sadd.s32 s21, s2  }
0x9d: {  	[timem:s6], [sflag:s22] =	dma.local [hbm:s4], s20  }
0x9e: {  	_ =	swait.ge [sflag:s22], s20  }
0x9f: {  	s3 =	ssub.s32 $0x0, s20;
	[sflag:s22] =	ssyncset.done $0x0  }
0xa0: {  	[sflag:s22] =	ssyncadd.s32 s3;
	_ =	sdelay $0x1  }
0xa1: {  	s23 =	simm.s32 $0x1B8B  }
0xa2: {  	_ =	swait.ge [sflag:s23], $0x1  }
0xa3: {  	[sflag:s23] =	ssyncset.done $0x0  }
0xa4: {  	s25 =	simm.s32 $0x1B8E;
	s24 =	sld [smem:$0x3FFE];
	[sflag:s23] =	ssyncadd.s32 $0xFFFFFFFF  }
0xa5: {  	s26 =	simm.s32 $execute0_lowered;
	[smem:$0x3FD2] =	sst s25  }
0xa6: {  	s4 =	sshll.u32 s26, $0x1;
	_ =	strace $0x8000004F;
	[dreg:$0x1] =	wrdreg $0xFFFFFFFF  }
0xa7: {  	s28 =	simm.s32 $_size_execute0_lowered;
	s2 =	sadd.s32 s2, s4;
	[dreg:$0x0] =	wrdreg $0x0  }
0xa8: {  	s4 =	sshll.u32 s28, $0x1;
	[dreg:$0x2] =	wrdreg s2  }
0xa9: {  	[dreg:$0x3] =	wrdreg s4  }
0xaa: {  	[dreg:$0x4] =	wrdreg $0xC0  }
0xab: {  	_ =	task [dreg:s6], $0x5FFFF  }
0xac: {  	[dreg:$0x1] =	wrdreg $0xFFFFFFFF  }
0xad: {  	[dreg:$0x0] =	wrdreg $0x60  }
0xae: {  	[dreg:$0x2] =	wrdreg s24  }
0xaf: {  	[dreg:$0x3] =	wrdreg $0xC4000  }
0xb0: {  	[dreg:$0x4] =	wrdreg $0x9  }
0xb1: {  	_ =	task.clear_ibuf [dreg:s6], $0x5FFFF;
	_ =	strace $0x9000004F  }
0xb2: {  	s29 =	simm.s32 $0x9;
	_ =	strace $0x80000051  }
0xb3: {  	_ =	swait.ge [sflag:s29], $0x1  }
0xb4: {  	[sflag:s29] =	ssyncadd.s32 $0xFFFFFFFF  }
0xb5: {  	_ =	strace $0x90000051  }
0xb6: {  	_ =	sfence  }
0xb7: {  	s30 =	sld [smem:$0x0];
	_ =	sdelay $0x2  }
0xb8: {  	s31 =	sshll.u32 s1, $0xD;
	s1 =	sshrl.u32 s1, $0x2  }
0xb9: {  	s3 =	sand.u32 $0x4000, s31;
	s1 =	sadd.s32 s1, s30  }
0xba: {  	s0 =	sor.u32 s3, s0;
	s1 =	sshll.u32 s1, $0x11  }
0xbb: {  	s0 =	sor.u32 s1, s0  }
0xbc: {  	s0 =	sadd.s32 $0x8F2B, s0  }
0xbd: {  	[sflag:s0] =	ssyncadd.remote.s32 $0x1  }
0xbe: {  	_ =	sfence.sel $0xFFFF  }
0xbf: {  	[dreg:$0x0] =	wrdreg $0xFFFFFFFF;
	(pc) =	sbr.abs _section_cstart, $3  }
0xc0: {  	[dreg:$0x1] =	wrdreg $0xFFFFFFFF  }
0xc1: {  	_ =	task.clear_ibuf [dreg:s6], $0x2FFFF;
	_ =	strace $0x9FFFFFFF  }
0xc2: {  	(tm) =	ssettm $0x7FFFFFFF  }
0xc3: {  	_ =	shalt  }
tec
execute0_lowered:
.L_overlay_start_1:
0x0: {  	(tag) =	ssettag $0x1  }
0x1: {  	s0 =	stileid.u32;
	s4 =	rddreg [dreg:$0x0]  }
0x2: {  	s1 =	srdreg.scid;
	s2 =	rddreg [dreg:$0x1]  }
0x3: {  	s3 =	simm.s32 $0x0;
	s13 =	simm.s32 $0x5400;
	s6 =	smul.u32 $0x5000, s0  }
0x4: {  	s14 =	simm.s32 $0x1;
	s15 =	simm.s32 $0x80;
	s8 =	smul.u32 $0x2A00, s0  }
0x5: {  	s16 =	simm.s32 $0x6400;
	s17 =	simm.s32 $0x2;
	s10 =	smul.u32 $0x4C, s0  }
0x6: {  	s5 =	sand.u32 $0x1, s1;
	s1 =	rddreg [dreg:$0x2];
	s11 =	smul.u32 $0x54, s0  }
0x7: {  	s18 =	simm.s32 $0x0;
	[smem:$0x7FF] =	sst s3;
	s7 =	smul.u32 $0x2A000, s5  }
0x8: {  	_ =	strace $0x80000050;
	p0 =	seq.s32 s5, $0x0;
	s5 =	ssub.s32 $0x2, s5  }
0x9: {  	s9 =	sshrl.u32 s6, $0x3;
	s30 =	sshrl.u32 s5, $0x1;
	s6 =	sadd.s32 s6, s2  }
0xa: {  	s9 =	sadd.s32 s9, s4;
	s7 =	sadd.s32 s8, s7;
	s8 =	sadd.s32 $0x540, s10  }
0xb: {  	s12 =	ssub.s32 s5, s30;
	s7 =	sshrl.u32 s7, $0x3;
	s8 =	smov.u32 @p0 s11  }
0xc: {  	s5 =	sadd.s32 $0x2E00, s9;
	s9 =	smax.u32 s12, $0x1;
	s11 =	simm.s32 $0x7400  }
0xd: {  	s12 =	simm.s32 $0x3;
	s28 =	sadd.s32 s7, s4;
	s29 =	sshll.u32 s8, $0xA  }
0xe: {  	s31 =	sadd.s32 s29, s4;
	s4 =	simm.s32 $0x54;
	s7 =	sadd.s32 $0x16E00, s28  }
0xf: {  	s8 =	sadd.s32 $0x21600, s28;
	s4 =	simm.s32 @!p0 $0x4C;
	s10 =	sadd.s32 $0x2C000, s31  }
.LBB2_1:
0x10: {  	[tilespmem:s11], [sflag:$0x3] =	stream.linear.gather [hbm4b:s5+s3], $0x5000, $0x38;
	[tilespmem:$0x11400] =	vst v63  }
0x11: {  	_ =	swait.ge [sflag:s12], $0x5000  }
0x12: {  	[sflag:s12] =	ssyncset.done $0x0  }
0x13: {  	[sflag:s12] =	ssyncadd.s32 $0xFFFFB000  }
0x14: {  	[spmem:s6] =	stream.linear.scatter [tilespmem:s11], [sflag:$0x3], $0x5000, $0x38;
	[tilespmem:$0x11400] =	vst v63  }
0x15: {  	_ =	swait.ge [sflag:s12], $0x5000  }
0x16: {  	[sflag:s12] =	ssyncset.done $0x0  }
0x17: {  	[sflag:s12] =	ssyncadd.s32 $0xFFFFB000  }
0x18: {  	[tilespmem:s3], [sflag:$0x3] =	stream.linear.gather [hbm4b:s7+s3], $0x2A00, $0x38;
	[tilespmem:$0x11400] =	vst v63  }
0x19: {  	_ =	swait.ge [sflag:s12], $0x2A00  }
0x1a: {  	[sflag:s12] =	ssyncset.done $0x0  }
0x1b: {  	s19 =	simm.s32 $0x2A00;
	[sflag:s12] =	ssyncadd.s32 $0xFFFFD600  }
0x1c: {  	[tilespmem:s19], [sflag:$0x3] =	stream.linear.gather [hbm4b:s8+s3], $0x2A00, $0x38;
	[tilespmem:$0x11400] =	vst v63  }
0x1d: {  	_ =	swait.ge [sflag:s12], $0x2A00  }
0x1e: {  	[sflag:s12] =	ssyncset.done $0x0  }
0x1f: {  	[sflag:s12] =	ssyncadd.s32 $0xFFFFD600  }
0x20: {  	[bflag:$0x0] =	sbarrier.arrive $0xFFFF  }
0x21: {  	[tilespmem:s13], [sflag:$0x1] =	stream.indirect.gather [spmem:s2], $0x20, s3, s15, $0xb8;
	[tilespmem:$0x11400] =	vst v63  }
0x22: {  	_ =	swait.ge [sflag:s14], $0x1000  }
0x23: {  	[sflag:s14] =	ssyncset.done $0x0  }
0x24: {  	[sflag:s14] =	ssyncadd.s32 $0xFFFFF000  }
0x25: {  	[tilespmem:s16], [sflag:$0x2] =	stream.indirect.gather [spmem:s2], $0x20, s19, s15, $0xb8;
	[tilespmem:$0x11400] =	vst v63  }
0x26: {  	s31 =	sadd.s32 $0xFFFFFE00, s10  }
0x27: {  	[hbm4b:s31+s3] =	stream.linear.scatter [tilespmem:s13], [sflag:$0x3], $0x1000, $0x38;
	[tilespmem:$0x11400] =	vst v63  }
0x28: {  	_ =	swait.ge [sflag:s12], $0x1000  }
0x29: {  	[sflag:s12] =	ssyncset.done $0x0  }
0x2a: {  	[sflag:s12] =	ssyncadd.s32 $0xFFFFF000  }
0x2b: {  	_ =	swait.ge [sflag:s17], $0x1000  }
0x2c: {  	[sflag:s17] =	ssyncset.done $0x0  }
0x2d: {  	p0 =	sne.s32 s4, $0x2;
	[sflag:s17] =	ssyncadd.s32 $0xFFFFF000  }
0x2e: {  	[tilespmem:s13], [sflag:$0x1] =	stream.indirect.gather [spmem:s2], $0x20, s15, s15, $0xb8;
	[tilespmem:$0x11400] =	vst v63  }
.Ltmp0:
0x2f: {  	_ = 	snop;
	(pc) =	sbr.rel @!p0 .LBB2_3-.Ltmp0, $4  }
0x30: {  	_ = 	snop  }
0x31: {  	[hbm4b:s10+s3] =	stream.linear.scatter [tilespmem:s16], [sflag:$0x3], $0x1000, $0x38;
	[tilespmem:$0x11400] =	vst v63  }
0x32: {  	s21 =	simm.s32 $0x2;
	s20 =	simm.s32 $0x2A80;
	_ =	swait.ge [sflag:s12], $0x1000  }
0x33: {  	s22 =	simm.s32 $0x80;
	s19 =	sadd.s32 $0x400, s10;
	[sflag:s12] =	ssyncset.done $0x0  }
.LBB2_2:
0x34: {  	s21 =	sadd.s32 $0x1, s21;
	[sflag:s12] =	ssyncadd.s32 $0xFFFFF000;
	s22 =	sadd.s32 $0x80, s22  }
0x35: {  	p0 =	sne.s32 s4, s21  }
0x36: {  	_ =	swait.ge [sflag:s14], $0x1000  }
0x37: {  	[sflag:s14] =	ssyncset.done $0x0  }
0x38: {  	[sflag:s14] =	ssyncadd.s32 $0xFFFFF000  }
0x39: {  	[tilespmem:s16], [sflag:$0x2] =	stream.indirect.gather [spmem:s2], $0x20, s20, s15, $0xb8;
	[tilespmem:$0x11400] =	vst v63  }
0x3a: {  	s23 =	sadd.s32 $0xFFFFFE00, s19  }
0x3b: {  	[hbm4b:s23+s3] =	stream.linear.scatter [tilespmem:s13], [sflag:$0x3], $0x1000, $0x38;
	[tilespmem:$0x11400] =	vst v63  }
0x3c: {  	_ =	swait.ge [sflag:s12], $0x1000  }
0x3d: {  	[sflag:s12] =	ssyncset.done $0x0  }
0x3e: {  	[sflag:s12] =	ssyncadd.s32 $0xFFFFF000  }
0x3f: {  	_ =	swait.ge [sflag:s17], $0x1000  }
0x40: {  	[sflag:s17] =	ssyncset.done $0x0  }
0x41: {  	[sflag:s17] =	ssyncadd.s32 $0xFFFFF000  }
0x42: {  	[tilespmem:s13], [sflag:$0x1] =	stream.indirect.gather [spmem:s2], $0x20, s22, s15, $0xb8;
	[tilespmem:$0x11400] =	vst v63  }
.Ltmp1:
0x43: {  	_ = 	snop;
	(pc) =	sbr.rel @p0 .LBB2_2-.Ltmp1, $4  }
0x44: {  	_ = 	snop  }
0x45: {  	[hbm4b:s19+s3] =	stream.linear.scatter [tilespmem:s16], [sflag:$0x3], $0x1000, $0x38;
	[tilespmem:$0x11400] =	vst v63  }
0x46: {  	_ =	swait.ge [sflag:s12], $0x1000  }
0x47: {  	s20 =	sadd.s32 $0x80, s20;
	s19 =	sadd.s32 $0x400, s19;
	[sflag:s12] =	ssyncset.done $0x0  }
.LBB2_3:
0x48: {  	[sflag:s12] =	ssyncadd.s32 $0xFFFFF000  }
0x49: {  	_ =	swait.ge [sflag:s14], $0x1000  }
0x4a: {  	[sflag:s14] =	ssyncset.done $0x0  }
0x4b: {  	[sflag:s14] =	ssyncadd.s32 $0xFFFFF000  }
0x4c: {  	[tilespmem:s16], [sflag:$0x2] =	stream.indirect.gather [spmem:s2], $0x20, s20, s15, $0xb8;
	[tilespmem:$0x11400] =	vst v63  }
0x4d: {  	s31 =	sadd.s32 $0xFFFFFE00, s19  }
0x4e: {  	[hbm4b:s31+s3] =	stream.linear.scatter [tilespmem:s13], [sflag:$0x3], $0x1000, $0x38;
	[tilespmem:$0x11400] =	vst v63  }
0x4f: {  	_ =	swait.ge [sflag:s12], $0x1000  }
0x50: {  	[sflag:s12] =	ssyncset.done $0x0  }
0x51: {  	[sflag:s12] =	ssyncadd.s32 $0xFFFFF000  }
0x52: {  	s18 =	sadd.s32 $0x1, s18;
	_ =	swait.ge [sflag:s17], $0x1000  }
0x53: {  	p0 =	sne.s32 s18, s9;
	[sflag:s17] =	ssyncset.done $0x0  }
.Ltmp2:
0x54: {  	[sflag:s17] =	ssyncadd.s32 $0xFFFFF000;
	(pc) =	sbr.rel @p0 .LBB2_1-.Ltmp2, $4  }
0x55: {  	[hbm4b:s19+s3] =	stream.linear.scatter [tilespmem:s16], [sflag:$0x3], $0x1000, $0x38;
	[tilespmem:$0x11400] =	vst v63  }
0x56: {  	_ =	swait.ge [sflag:s12], $0x1000  }
0x57: {  	[sflag:s12] =	ssyncset.done $0x0  }
0x58: {  	[sflag:s12] =	ssyncadd.s32 $0xFFFFF000  }
0x59: {  	_ =	sfence.sel $0x180000  }
0x5a: {  	[bflag:$0x0] =	sbarrier.arrive $0xFFFF  }
0x5b: {  	p0 =	sne.s32 s0, $0x0;
	_ =	strace $0x90000050  }
0x5c: {  	s0 =	sadd.s32 @!p0 $0x100000, s1;
	[bflag:$0x2] =	sbarrier.arrive $0xFFFF  }
0x5d: {  	[sflag:s0] =	ssyncadd.tile.s32 @!p0 $0x1;
	_ =	shalt  }
.Lfunc_end2:
_tile_overlayer_lowered:
.L_overlay_start_2:
0x5e: {  	(tag) =	ssettag $0x2  }
0x5f: {  	s0 =	rddreg [dreg:$0x0];
	s2 =	stileid.u32  }
0x60: {  	s1 =	rddreg [dreg:$0x1];
	p0 =	sne.s32 s2, $0x0  }
0x61: {  	s3 =	rddreg [dreg:$0x2];
	[bflag:$0x3] =	sbarrier.arrive $0xFFFF;
	s2 =	simm.s32 @!p0 $0x1C03  }
0x62: {  	[timem:s3], [sflag:s2] =	dma.local @!p0 [hbm:s0], s1  }
0x63: {  	s0 =	simm.s32 @!p0 $0x3  }
0x64: {  	_ =	swait.ge @!p0 [sflag:s0], s1  }
0x65: {  	s1 =	ssub.s32 @!p0 $0x0, s1;
	[sflag:s0] =	ssyncset.done @!p0 $0x0  }
0x66: {  	[sflag:s0] =	ssyncadd.s32 @!p0 s1  }
0x67: {  	[bflag:$0x3] =	sbarrier.arrive $0xFFFF  }
0x68: {  	_ =	shalt  }

</sc_bundles>
